<compile_context>
chip_gen: v7x
topology: tpu7x:2x2x1
jax: 0.10.2.dev20260603
libtpu: 0.0.44.dev20260713+nightly
codegen_flags: <defaults>
</compile_context>

<pallas_src>
import functools

import jax
import jax.numpy as jnp
from jax import lax
from jax.experimental import pallas as pl
from jax.experimental.pallas import tpu as pltpu
from jax.experimental.pallas import tpu_sc as plsc

_NC = 2
_NS = 16
_NW = _NC * _NS
_CH = 2000
_BN = 2000


def _tc_xw1(x0, w1):
    n, d = x0.shape
    f = w1.shape[1]
    bn = 2000

    def body(x_ref, w_ref, o_ref):
        o_ref[...] = jnp.dot(x_ref[...], w_ref[...],
                             preferred_element_type=jnp.float32)

    return pl.pallas_call(
        body,
        grid=(n // bn,),
        in_specs=[pl.BlockSpec((bn, d), lambda i: (i, 0)),
                  pl.BlockSpec((d, f), lambda i: (0, 0))],
        out_specs=pl.BlockSpec((bn, f), lambda i: (i, 0)),
        out_shape=jax.ShapeDtypeStruct((n, f), jnp.float32),
    )(x0, w1)


def _sc_gather_deg(xw1, idx2d, zeros_n, ones_ch):
    n, f = xw1.shape
    nrows, ch = idx2d.shape
    nch = nrows // _NW
    per_w = nch * ch
    t = nrows * ch
    mesh = plsc.VectorSubcoreMesh(core_axis_name="c", subcore_axis_name="s")

    @functools.partial(
        pl.kernel,
        out_type=(jax.ShapeDtypeStruct((t, f), jnp.float32),
                  jax.ShapeDtypeStruct((n // _BN, _NC, _BN), jnp.float32)),
        mesh=mesh,
        scratch_types=[
            pltpu.VMEM((nch, ch), jnp.int32),
            pltpu.VMEM((ch, f), jnp.float32),
            pltpu.VMEM((ch, f), jnp.float32),
            pltpu.VMEM((ch,), jnp.float32),
            pltpu.VMEM_SHARED((n,), jnp.float32),
            pltpu.SemaphoreType.DMA,
            pltpu.SemaphoreType.DMA,
            pltpu.SemaphoreType.DMA,
            pltpu.SemaphoreType.DMA,
        ],
        compiler_params=pltpu.CompilerParams(use_tc_tiling_on_sc=False),
    )
    def k(xw1_hbm, idx_hbm, zeros_hbm, ones_hbm, g_hbm, degp_hbm,
          idx_v, rows0, rows1, ones_v, deg_sh, g0, g1, w0, w1):
        c = lax.axis_index("c")
        s = lax.axis_index("s")
        wid = c * _NS + s

        @pl.when(s == 0)
        def _():
            pltpu.sync_copy(zeros_hbm, deg_sh)

        pltpu.sync_copy(ones_hbm, ones_v)
        pltpu.sync_copy(idx_hbm.at[pl.ds(wid * nch, nch)], idx_v)
        plsc.subcore_barrier()

        rows = [rows0, rows1]
        gsems = [g0, g1]
        wsems = [w0, w1]
        g_desc = [None] * nch
        w_desc = [None] * nch
        g_desc[0] = pltpu.async_copy(xw1_hbm.at[idx_v.at[0]], rows[0],
                                     gsems[0])
        for kk in range(nch):
            b = kk % 2
            g_desc[kk].wait()
            base = wid * per_w + kk * ch
            w_desc[kk] = pltpu.async_copy(rows[b],
                                          g_hbm.at[pl.ds(base, ch)],
                                          wsems[b])
            pltpu.sync_copy(ones_v, deg_sh.at[idx_v.at[kk]], add=True)
            if kk + 1 < nch:
                if kk >= 1:
                    w_desc[kk - 1].wait()
                g_desc[kk + 1] = pltpu.async_copy(
                    xw1_hbm.at[idx_v.at[kk + 1]], rows[1 - b],
                    gsems[1 - b])
        if nch >= 2:
            w_desc[nch - 2].wait()
        w_desc[nch - 1].wait()
        plsc.subcore_barrier()

        @pl.when(s == 0)
        def _():
            def out_body(j, carry):
                pltpu.sync_copy(deg_sh.at[pl.ds(j * _BN, _BN)],
                                degp_hbm.at[j, c])
                return carry
            lax.fori_loop(0, n // _BN, out_body, None)

    return k(xw1, idx2d, zeros_n, ones_ch)


def _sc_scatter(e_new, idx2d, zeros_nf):
    n, f = zeros_nf.shape
    nrows, ch = idx2d.shape
    nch = nrows // _NW
    per_w = nch * ch
    mesh = plsc.VectorSubcoreMesh(core_axis_name="c", subcore_axis_name="s")

    @functools.partial(
        pl.kernel,
        out_type=jax.ShapeDtypeStruct((_NC, n, f), jnp.float32),
        mesh=mesh,
        scratch_types=[
            pltpu.VMEM((nch, ch), jnp.int32),
            pltpu.VMEM((ch, f), jnp.float32),
            pltpu.VMEM((ch, f), jnp.float32),
            pltpu.VMEM_SHARED((n, f), jnp.float32),
            pltpu.SemaphoreType.DMA,
            pltpu.SemaphoreType.DMA,
        ],
        compiler_params=pltpu.CompilerParams(use_tc_tiling_on_sc=False),
    )
    def k(er_hbm, idx_hbm, zeros_hbm, aggp_hbm,
          idx_v, rows0, rows1, agg_sh, s0, s1):
        c = lax.axis_index("c")
        s = lax.axis_index("s")
        wid = c * _NS + s

        @pl.when(s == 0)
        def _():
            pltpu.sync_copy(zeros_hbm, agg_sh)

        pltpu.sync_copy(idx_hbm.at[pl.ds(wid * nch, nch)], idx_v)
        plsc.subcore_barrier()

        rows = [rows0, rows1]
        sems = [s0, s1]
        y_desc = [None] * nch
        ybase = s * per_w
        y_desc[0] = pltpu.async_copy(er_hbm.at[pl.ds(ybase, ch)], rows[0],
                                     sems[0])
        for kk in range(nch):
            b = kk % 2
            y_desc[kk].wait()
            if kk + 1 < nch:
                y_desc[kk + 1] = pltpu.async_copy(
                    er_hbm.at[pl.ds(ybase + (kk + 1) * ch, ch)],
                    rows[1 - b], sems[1 - b])
            pltpu.sync_copy(rows[b], agg_sh.at[idx_v.at[kk]], add=True)
        plsc.subcore_barrier()

        @pl.when(s == 0)
        def _():
            pltpu.sync_copy(agg_sh, aggp_hbm.at[c])

    return k(e_new, idx2d, zeros_nf)


def _tc_edge(g2, e0r, w0k):
    m8, c = e0r.shape
    bm = 4000

    def body(gs_ref, gd_ref, e0_ref, w0_ref, en_ref):
        e = gs_ref[0] + gd_ref[0] + jnp.dot(
            e0_ref[...], w0_ref[...], preferred_element_type=jnp.float32)
        en_ref[...] = jnp.maximum(e, 0.0)

    return pl.pallas_call(
        body,
        grid=(m8 // bm,),
        in_specs=[
            pl.BlockSpec((1, bm, c), lambda i: (0, i, 0)),
            pl.BlockSpec((1, bm, c), lambda i: (1, i, 0)),
            pl.BlockSpec((bm, c), lambda i: (i, 0)),
            pl.BlockSpec((c, c), lambda i: (0, 0)),
        ],
        out_specs=pl.BlockSpec((bm, c), lambda i: (i, 0)),
        out_shape=jax.ShapeDtypeStruct((m8, c), jnp.float32),
    )(g2, g2, e0r, w0k)


def _tc_node(aggp, degp, x0, w2, w3, alpha):
    n, d = x0.shape
    f = aggp.shape[2]
    bn = _BN

    def body(aggp_ref, degp_ref, x0_ref, w2_ref, w3_ref, a_ref, xn_ref):
        agg = jnp.dot(aggp_ref[0] + aggp_ref[1], w2_ref[...],
                      preferred_element_type=jnp.float32)
        degs = degp_ref[0]
        deg = degs[0:1, :] + degs[1:2, :]
        dinv = jnp.where(deg > 0, 1.0 / jnp.maximum(deg, 1.0), 0.0)
        ex = jnp.maximum(agg * jnp.transpose(dinv), 0.0)
        xn_ref[...] = jnp.maximum(
            a_ref[0, 0] * x0_ref[...] + jnp.dot(
                ex, w3_ref[...], preferred_element_type=jnp.float32),
            0.0)

    return pl.pallas_call(
        body,
        grid=(n // bn,),
        in_specs=[
            pl.BlockSpec((2, bn, f), lambda i: (0, i, 0)),
            pl.BlockSpec((1, 2, bn), lambda i: (i, 0, 0)),
            pl.BlockSpec((bn, d), lambda i: (i, 0)),
            pl.BlockSpec((f, f), lambda i: (0, 0)),
            pl.BlockSpec((f, d), lambda i: (0, 0)),
            pl.BlockSpec((1, 1), lambda i: (0, 0)),
        ],
        out_specs=pl.BlockSpec((bn, d), lambda i: (i, 0)),
        out_shape=jax.ShapeDtypeStruct((n, d), jnp.float32),
    )(aggp, degp, x0, w2, w3, alpha)


def kernel(X0, E0, edge_index, W0, W1, W2, W3, alpha):
    n, d = X0.shape
    m, f = E0.shape
    idx2d = edge_index.astype(jnp.int32).reshape(2 * m // _CH, _CH)
    zeros_n = jnp.zeros((n,), jnp.float32)
    ones_ch = jnp.ones((_CH,), jnp.float32)
    zeros_nf = jnp.zeros((n, f), jnp.float32)

    r = 128 // f
    eye = jnp.eye(r, dtype=jnp.float32)
    w0k = jnp.kron(eye, W0)

    xw1 = _tc_xw1(X0, W1)
    g, degp = _sc_gather_deg(xw1, idx2d, zeros_n, ones_ch)
    g2 = g.reshape(2, m // r, r * f)
    e_new_r = _tc_edge(g2, E0.reshape(m // r, r * f), w0k)
    e_new = e_new_r.reshape(m, f)
    aggp = _sc_scatter(e_new, idx2d, zeros_nf)
    x_new = _tc_node(aggp, degp, X0, W2, W3, alpha)
    return (x_new, e_new)

# --- scband reference (transcript-rebuilt; emitter-appended) ---
"""Pipeline reference for scband-gnnnodes-edges-89069031784537 (READ-ONLY COPY).

The authoritative reference and input builder live on the scoring server;
editing this copy changes nothing except your own understanding.
"""

import jax, jax.numpy as jnp
import numpy as np

N = 10000
M = 320000
D = 128
F = 16

def _uniform_weight(key, n_in, n_out):
    rmax = 1.0 / (n_in ** 0.5)
    return jax.random.uniform(key, (n_in, n_out), dtype=jnp.float32, minval=-rmax, maxval=rmax)

def setup_inputs(seed: int = 0) -> dict:
    key = jax.random.key(seed)
    ks = jax.random.split(key, 9)
    X0 = jax.random.normal(ks[0], (N, D), dtype=jnp.float32)
    E0 = jax.random.normal(ks[1], (M, F), dtype=jnp.float32)
    edge_index = jax.random.randint(ks[2], (2, M), 0, N, dtype=jnp.int64)
    W0 = _uniform_weight(ks[3], F, F)
    W1 = _uniform_weight(ks[4], D, F)
    W2 = _uniform_weight(ks[5], F, F)
    W3 = _uniform_weight(ks[6], F, D)
    alpha = _uniform_weight(ks[7], 1, 1)
    return {"X0": X0, "E0": E0, "edge_index": edge_index, "W0": W0, "W1": W1, "W2": W2, "W3": W3, "alpha": alpha}

def reference(X0, E0, edge_index, W0, W1, W2, W3, alpha):
    # B is the (unsigned) edge-node incidence matrix: (B @ X)[e] = X[src_e] + X[dst_e]
    src = edge_index[0]
    dst = edge_index[1]
    n = X0.shape[0]
    f = E0.shape[1]
    # update_edges: B @ X @ W1 + E @ W0, then relu1
    BX = jnp.take(X0, src, axis=0) + jnp.take(X0, dst, axis=0)
    E_new = jax.nn.relu(BX @ W1 + E0 @ W0)
    # edges_to_nodes: Dinv @ (B^T @ (E @ W2)), then relu2
    Y = E_new @ W2
    agg = jnp.zeros((n, f), dtype=jnp.float32)
    agg = agg.at[src].add(Y)
    agg = agg.at[dst].add(Y)
    deg = jnp.bincount(src, length=n) + jnp.bincount(dst, length=n)
    dinv = jnp.where(deg > 0, 1.0 / jnp.maximum(deg, 1).astype(jnp.float32), 0.0)
    EX = jax.nn.relu(dinv[:, None] * agg)
    # update_nodes: alpha * X + EX @ W3, then relu3
    X_new = jax.nn.relu(alpha * X0 + EX @ W3)
    return (X_new, E_new)

if __name__ == "__main__":
    import jax
    _d = setup_inputs()
    print(jax.jit(kernel)(*tuple(_d.values())))

</pallas_src>

<mosaic_0001>
#map = affine_map<(d0, d1) -> (0, 0)>
#map1 = affine_map<(d0, d1) -> (0, 0, 0)>
module attributes {stable_mosaic.version = 14 : i64} {
  func.func @k(%arg0: i32, %arg1: i32, %arg2: memref<320000x16xf32, #tpu.memory_space<hbm>>, %arg3: memref<320x2000xi32, #tpu.memory_space<hbm>>, %arg4: memref<10000x16xf32, #tpu.memory_space<hbm>>, %arg5: memref<2x10000x16xf32, #tpu.memory_space<hbm>>, %arg6: memref<10x2000xi32, #tpu.memory_space<vmem>>, %arg7: memref<2000x16xf32, #tpu.memory_space<vmem>>, %arg8: memref<2000x16xf32, #tpu.memory_space<vmem>>, %arg9: memref<10000x16xf32, #tpu.memory_space<vmem_shared>>, %arg10: memref<!tpu.dma_semaphore, #tpu.memory_space<semaphore_mem>>, %arg11: memref<!tpu.dma_semaphore, #tpu.memory_space<semaphore_mem>>) attributes {dimension_semantics = [#tpu.dimension_semantics<core_parallel>, #tpu.dimension_semantics<subcore_parallel>], iteration_bounds = array<i64: 2, 16>, scalar_prefetch = 0 : i64, scratch_operands = 6 : i64, tpu.core_type = #tpu.core_type<sc_vector_subcore>, window_params = [{transform_indices = #map}, {transform_indices = #map}, {transform_indices = #map}, {transform_indices = #map1}]} {
    %mul3A = arith.constant 16 : i32
    %mul3A_0 = arith.muli %arg0, %mul3A : i32
    %add3A = arith.addi %mul3A_0, %arg1 : i32
    %eq3A = arith.constant 0 : i32
    %eq3A_1 = arith.cmpi eq, %arg1, %eq3A : i32
    %convert_element_type3A = arith.extui %eq3A_1 : i1 to i32
    %cond3A = arith.constant 0 : i32
    %cond3A_2 = arith.cmpi ne, %convert_element_type3A, %cond3A : i32
    scf.if %cond3A_2 {
      "tpu.region"() ({
        %run_scoped3A_118 = tpu.sem_alloc : memref<!tpu.dma_semaphore, #tpu.memory_space<semaphore_mem>>
        tpu.enqueue_dma source(%arg4 : memref<10000x16xf32, #tpu.memory_space<hbm>>) target(%arg9 : memref<10000x16xf32, #tpu.memory_space<vmem_shared>>) target_semaphore(%run_scoped3A_118 : memref<!tpu.dma_semaphore, #tpu.memory_space<semaphore_mem>>)
        tpu.wait_dma2 semaphore(%run_scoped3A_118 : memref<!tpu.dma_semaphore, #tpu.memory_space<semaphore_mem>>) src(%arg4 : memref<10000x16xf32, #tpu.memory_space<hbm>>) dst(%arg9 : memref<10000x16xf32, #tpu.memory_space<vmem_shared>>)
        tpu.yield
      }) : () -> ()
    } else {
    }
    %mul3A_3 = arith.constant 10 : i32
    %mul3A_4 = arith.muli %add3A, %mul3A_3 : i32
    "tpu.region"() ({
      %run_scoped3A_118 = tpu.sem_alloc : memref<!tpu.dma_semaphore, #tpu.memory_space<semaphore_mem>>
      %dma_start3A_119 = arith.constant 0 : i32
      %dma_start3A_120 = tpu.memref_slice %arg3[%mul3A_4, %dma_start3A_119] : memref<320x2000xi32, #tpu.memory_space<hbm>> -> memref<10x2000xi32, #tpu.memory_space<hbm>>
      %dma_start3A_121 = arith.constant 0 : i32
      %dma_start3A_122 = tpu.memref_slice %arg3[%mul3A_4, %dma_start3A_121] : memref<320x2000xi32, #tpu.memory_space<hbm>> -> memref<10x2000xi32, #tpu.memory_space<hbm>>
      tpu.enqueue_dma source(%dma_start3A_122 : memref<10x2000xi32, #tpu.memory_space<hbm>>) target(%arg6 : memref<10x2000xi32, #tpu.memory_space<vmem>>) target_semaphore(%run_scoped3A_118 : memref<!tpu.dma_semaphore, #tpu.memory_space<semaphore_mem>>)
      %dma_wait3A_123 = arith.constant 0 : i32
      %dma_wait3A_124 = tpu.memref_slice %arg3[%mul3A_4, %dma_wait3A_123] : memref<320x2000xi32, #tpu.memory_space<hbm>> -> memref<10x2000xi32, #tpu.memory_space<hbm>>
      %dma_wait3A_125 = arith.constant 0 : i32
      %dma_wait3A_126 = tpu.memref_slice %arg3[%mul3A_4, %dma_wait3A_125] : memref<320x2000xi32, #tpu.memory_space<hbm>> -> memref<10x2000xi32, #tpu.memory_space<hbm>>
      tpu.wait_dma2 semaphore(%run_scoped3A_118 : memref<!tpu.dma_semaphore, #tpu.memory_space<semaphore_mem>>) src(%dma_wait3A_126 : memref<10x2000xi32, #tpu.memory_space<hbm>>) dst(%arg6 : memref<10x2000xi32, #tpu.memory_space<vmem>>)
      tpu.yield
    }) : () -> ()
    %barrier3A = arith.constant 0 : index
    tpu.barrier barrier_id(%barrier3A)
    %mul3A_5 = arith.constant 20000 : i32
    %mul3A_6 = arith.muli %arg1, %mul3A_5 : i32
    %dma_start3A = arith.constant 0 : i32
    %dma_start3A_7 = tpu.memref_slice %arg2[%mul3A_6, %dma_start3A] : memref<320000x16xf32, #tpu.memory_space<hbm>> -> memref<2000x16xf32, #tpu.memory_space<hbm>>
    %dma_start3A_8 = arith.constant 0 : i32
    %dma_start3A_9 = tpu.memref_slice %arg2[%mul3A_6, %dma_start3A_8] : memref<320000x16xf32, #tpu.memory_space<hbm>> -> memref<2000x16xf32, #tpu.memory_space<hbm>>
    tpu.enqueue_dma source(%dma_start3A_9 : memref<2000x16xf32, #tpu.memory_space<hbm>>) target(%arg7 : memref<2000x16xf32, #tpu.memory_space<vmem>>) target_semaphore(%arg10 : memref<!tpu.dma_semaphore, #tpu.memory_space<semaphore_mem>>)
    %dma_wait3A = arith.constant 0 : i32
    %dma_wait3A_10 = tpu.memref_slice %arg2[%mul3A_6, %dma_wait3A] : memref<320000x16xf32, #tpu.memory_space<hbm>> -> memref<2000x16xf32, #tpu.memory_space<hbm>>
    %dma_wait3A_11 = arith.constant 0 : i32
    %dma_wait3A_12 = tpu.memref_slice %arg2[%mul3A_6, %dma_wait3A_11] : memref<320000x16xf32, #tpu.memory_space<hbm>> -> memref<2000x16xf32, #tpu.memory_space<hbm>>
    tpu.wait_dma2 semaphore(%arg10 : memref<!tpu.dma_semaphore, #tpu.memory_space<semaphore_mem>>) src(%dma_wait3A_12 : memref<2000x16xf32, #tpu.memory_space<hbm>>) dst(%arg7 : memref<2000x16xf32, #tpu.memory_space<vmem>>)
    %add3A_13 = arith.constant 2000 : i32
    %add3A_14 = arith.addi %mul3A_6, %add3A_13 : i32
    %dma_start3A_15 = arith.constant 0 : i32
    %dma_start3A_16 = tpu.memref_slice %arg2[%add3A_14, %dma_start3A_15] : memref<320000x16xf32, #tpu.memory_space<hbm>> -> memref<2000x16xf32, #tpu.memory_space<hbm>>
    %dma_start3A_17 = arith.constant 0 : i32
    %dma_start3A_18 = tpu.memref_slice %arg2[%add3A_14, %dma_start3A_17] : memref<320000x16xf32, #tpu.memory_space<hbm>> -> memref<2000x16xf32, #tpu.memory_space<hbm>>
    tpu.enqueue_dma source(%dma_start3A_18 : memref<2000x16xf32, #tpu.memory_space<hbm>>) target(%arg8 : memref<2000x16xf32, #tpu.memory_space<vmem>>) target_semaphore(%arg11 : memref<!tpu.dma_semaphore, #tpu.memory_space<semaphore_mem>>)
    %run_scoped3A = arith.constant 0 : i32
    "tpu.region"() ({
      %run_scoped3A_118 = tpu.sem_alloc : memref<!tpu.dma_semaphore, #tpu.memory_space<semaphore_mem>>
      %dma_start3A_119 = arith.constant 0 : i32
      %dma_start3A_120 = tpu.memref_slice %arg6[%run_scoped3A, %dma_start3A_119] : memref<10x2000xi32, #tpu.memory_space<vmem>> -> memref<1x2000xi32, #tpu.memory_space<vmem>>
      %dma_start3A_121 = tpu.memref_squeeze %dma_start3A_120 : memref<1x2000xi32, #tpu.memory_space<vmem>> -> memref<2000xi32, #tpu.memory_space<vmem>>
      %dma_start3A_122 = arith.constant 0 : i32
      %dma_start3A_123 = arith.constant 0 : i32
      %dma_start3A_124 = tpu.memref_slice %arg9[%dma_start3A_122, %dma_start3A_123] : memref<10000x16xf32, #tpu.memory_space<vmem_shared>> -> memref<10000x16xf32, #tpu.memory_space<vmem_shared>>
      tpu.enqueue_indirect_dma source(%arg7 : memref<2000x16xf32, #tpu.memory_space<vmem>>) target(%dma_start3A_124 : memref<10000x16xf32, #tpu.memory_space<vmem_shared>>) offsets(%dma_start3A_121 : memref<2000xi32, #tpu.memory_space<vmem>>) semaphore(%run_scoped3A_118 : memref<!tpu.dma_semaphore, #tpu.memory_space<semaphore_mem>>) {add = true}
      %dma_wait3A_125 = arith.constant 0 : i32
      %dma_wait3A_126 = tpu.memref_slice %arg6[%run_scoped3A, %dma_wait3A_125] : memref<10x2000xi32, #tpu.memory_space<vmem>> -> memref<1x2000xi32, #tpu.memory_space<vmem>>
      %dma_wait3A_127 = tpu.memref_squeeze %dma_wait3A_126 : memref<1x2000xi32, #tpu.memory_space<vmem>> -> memref<2000xi32, #tpu.memory_space<vmem>>
      %dma_wait3A_128 = arith.constant 0 : i32
      %dma_wait3A_129 = arith.constant 0 : i32
      %dma_wait3A_130 = tpu.memref_slice %arg9[%dma_wait3A_128, %dma_wait3A_129] : memref<10000x16xf32, #tpu.memory_space<vmem_shared>> -> memref<10000x16xf32, #tpu.memory_space<vmem_shared>>
      tpu.wait_indirect_dma semaphore(%run_scoped3A_118 : memref<!tpu.dma_semaphore, #tpu.memory_space<semaphore_mem>>) src(%arg7 : memref<2000x16xf32, #tpu.memory_space<vmem>>) dst(%dma_wait3A_130 : memref<10000x16xf32, #tpu.memory_space<vmem_shared>>)
      tpu.yield
    }) : () -> ()
    %dma_wait3A_19 = arith.constant 0 : i32
    %dma_wait3A_20 = tpu.memref_slice %arg2[%add3A_14, %dma_wait3A_19] : memref<320000x16xf32, #tpu.memory_space<hbm>> -> memref<2000x16xf32, #tpu.memory_space<hbm>>
    %dma_wait3A_21 = arith.constant 0 : i32
    %dma_wait3A_22 = tpu.memref_slice %arg2[%add3A_14, %dma_wait3A_21] : memref<320000x16xf32, #tpu.memory_space<hbm>> -> memref<2000x16xf32, #tpu.memory_space<hbm>>
    tpu.wait_dma2 semaphore(%arg11 : memref<!tpu.dma_semaphore, #tpu.memory_space<semaphore_mem>>) src(%dma_wait3A_22 : memref<2000x16xf32, #tpu.memory_space<hbm>>) dst(%arg8 : memref<2000x16xf32, #tpu.memory_space<vmem>>)
    %add3A_23 = arith.constant 4000 : i32
    %add3A_24 = arith.addi %mul3A_6, %add3A_23 : i32
    %dma_start3A_25 = arith.constant 0 : i32
    %dma_start3A_26 = tpu.memref_slice %arg2[%add3A_24, %dma_start3A_25] : memref<320000x16xf32, #tpu.memory_space<hbm>> -> memref<2000x16xf32, #tpu.memory_space<hbm>>
    %dma_start3A_27 = arith.constant 0 : i32
    %dma_start3A_28 = tpu.memref_slice %arg2[%add3A_24, %dma_start3A_27] : memref<320000x16xf32, #tpu.memory_space<hbm>> -> memref<2000x16xf32, #tpu.memory_space<hbm>>
    tpu.enqueue_dma source(%dma_start3A_28 : memref<2000x16xf32, #tpu.memory_space<hbm>>) target(%arg7 : memref<2000x16xf32, #tpu.memory_space<vmem>>) target_semaphore(%arg10 : memref<!tpu.dma_semaphore, #tpu.memory_space<semaphore_mem>>)
    %run_scoped3A_29 = arith.constant 1 : i32
    "tpu.region"() ({
      %run_scoped3A_118 = tpu.sem_alloc : memref<!tpu.dma_semaphore, #tpu.memory_space<semaphore_mem>>
      %dma_start3A_119 = arith.constant 0 : i32
      %dma_start3A_120 = tpu.memref_slice %arg6[%run_scoped3A_29, %dma_start3A_119] : memref<10x2000xi32, #tpu.memory_space<vmem>> -> memref<1x2000xi32, #tpu.memory_space<vmem>>
      %dma_start3A_121 = tpu.memref_squeeze %dma_start3A_120 : memref<1x2000xi32, #tpu.memory_space<vmem>> -> memref<2000xi32, #tpu.memory_space<vmem>>
      %dma_start3A_122 = arith.constant 0 : i32
      %dma_start3A_123 = arith.constant 0 : i32
      %dma_start3A_124 = tpu.memref_slice %arg9[%dma_start3A_122, %dma_start3A_123] : memref<10000x16xf32, #tpu.memory_space<vmem_shared>> -> memref<10000x16xf32, #tpu.memory_space<vmem_shared>>
      tpu.enqueue_indirect_dma source(%arg8 : memref<2000x16xf32, #tpu.memory_space<vmem>>) target(%dma_start3A_124 : memref<10000x16xf32, #tpu.memory_space<vmem_shared>>) offsets(%dma_start3A_121 : memref<2000xi32, #tpu.memory_space<vmem>>) semaphore(%run_scoped3A_118 : memref<!tpu.dma_semaphore, #tpu.memory_space<semaphore_mem>>) {add = true}
      %dma_wait3A_125 = arith.constant 0 : i32
      %dma_wait3A_126 = tpu.memref_slice %arg6[%run_scoped3A_29, %dma_wait3A_125] : memref<10x2000xi32, #tpu.memory_space<vmem>> -> memref<1x2000xi32, #tpu.memory_space<vmem>>
      %dma_wait3A_127 = tpu.memref_squeeze %dma_wait3A_126 : memref<1x2000xi32, #tpu.memory_space<vmem>> -> memref<2000xi32, #tpu.memory_space<vmem>>
      %dma_wait3A_128 = arith.constant 0 : i32
      %dma_wait3A_129 = arith.constant 0 : i32
      %dma_wait3A_130 = tpu.memref_slice %arg9[%dma_wait3A_128, %dma_wait3A_129] : memref<10000x16xf32, #tpu.memory_space<vmem_shared>> -> memref<10000x16xf32, #tpu.memory_space<vmem_shared>>
      tpu.wait_indirect_dma semaphore(%run_scoped3A_118 : memref<!tpu.dma_semaphore, #tpu.memory_space<semaphore_mem>>) src(%arg8 : memref<2000x16xf32, #tpu.memory_space<vmem>>) dst(%dma_wait3A_130 : memref<10000x16xf32, #tpu.memory_space<vmem_shared>>)
      tpu.yield
    }) : () -> ()
    %dma_wait3A_30 = arith.constant 0 : i32
    %dma_wait3A_31 = tpu.memref_slice %arg2[%add3A_24, %dma_wait3A_30] : memref<320000x16xf32, #tpu.memory_space<hbm>> -> memref<2000x16xf32, #tpu.memory_space<hbm>>
    %dma_wait3A_32 = arith.constant 0 : i32
    %dma_wait3A_33 = tpu.memref_slice %arg2[%add3A_24, %dma_wait3A_32] : memref<320000x16xf32, #tpu.memory_space<hbm>> -> memref<2000x16xf32, #tpu.memory_space<hbm>>
    tpu.wait_dma2 semaphore(%arg10 : memref<!tpu.dma_semaphore, #tpu.memory_space<semaphore_mem>>) src(%dma_wait3A_33 : memref<2000x16xf32, #tpu.memory_space<hbm>>) dst(%arg7 : memref<2000x16xf32, #tpu.memory_space<vmem>>)
    %add3A_34 = arith.constant 6000 : i32
    %add3A_35 = arith.addi %mul3A_6, %add3A_34 : i32
    %dma_start3A_36 = arith.constant 0 : i32
    %dma_start3A_37 = tpu.memref_slice %arg2[%add3A_35, %dma_start3A_36] : memref<320000x16xf32, #tpu.memory_space<hbm>> -> memref<2000x16xf32, #tpu.memory_space<hbm>>
    %dma_start3A_38 = arith.constant 0 : i32
    %dma_start3A_39 = tpu.memref_slice %arg2[%add3A_35, %dma_start3A_38] : memref<320000x16xf32, #tpu.memory_space<hbm>> -> memref<2000x16xf32, #tpu.memory_space<hbm>>
    tpu.enqueue_dma source(%dma_start3A_39 : memref<2000x16xf32, #tpu.memory_space<hbm>>) target(%arg8 : memref<2000x16xf32, #tpu.memory_space<vmem>>) target_semaphore(%arg11 : memref<!tpu.dma_semaphore, #tpu.memory_space<semaphore_mem>>)
    %run_scoped3A_40 = arith.constant 2 : i32
    "tpu.region"() ({
      %run_scoped3A_118 = tpu.sem_alloc : memref<!tpu.dma_semaphore, #tpu.memory_space<semaphore_mem>>
      %dma_start3A_119 = arith.constant 0 : i32
      %dma_start3A_120 = tpu.memref_slice %arg6[%run_scoped3A_40, %dma_start3A_119] : memref<10x2000xi32, #tpu.memory_space<vmem>> -> memref<1x2000xi32, #tpu.memory_space<vmem>>
      %dma_start3A_121 = tpu.memref_squeeze %dma_start3A_120 : memref<1x2000xi32, #tpu.memory_space<vmem>> -> memref<2000xi32, #tpu.memory_space<vmem>>
      %dma_start3A_122 = arith.constant 0 : i32
      %dma_start3A_123 = arith.constant 0 : i32
      %dma_start3A_124 = tpu.memref_slice %arg9[%dma_start3A_122, %dma_start3A_123] : memref<10000x16xf32, #tpu.memory_space<vmem_shared>> -> memref<10000x16xf32, #tpu.memory_space<vmem_shared>>
      tpu.enqueue_indirect_dma source(%arg7 : memref<2000x16xf32, #tpu.memory_space<vmem>>) target(%dma_start3A_124 : memref<10000x16xf32, #tpu.memory_space<vmem_shared>>) offsets(%dma_start3A_121 : memref<2000xi32, #tpu.memory_space<vmem>>) semaphore(%run_scoped3A_118 : memref<!tpu.dma_semaphore, #tpu.memory_space<semaphore_mem>>) {add = true}
      %dma_wait3A_125 = arith.constant 0 : i32
      %dma_wait3A_126 = tpu.memref_slice %arg6[%run_scoped3A_40, %dma_wait3A_125] : memref<10x2000xi32, #tpu.memory_space<vmem>> -> memref<1x2000xi32, #tpu.memory_space<vmem>>
      %dma_wait3A_127 = tpu.memref_squeeze %dma_wait3A_126 : memref<1x2000xi32, #tpu.memory_space<vmem>> -> memref<2000xi32, #tpu.memory_space<vmem>>
      %dma_wait3A_128 = arith.constant 0 : i32
      %dma_wait3A_129 = arith.constant 0 : i32
      %dma_wait3A_130 = tpu.memref_slice %arg9[%dma_wait3A_128, %dma_wait3A_129] : memref<10000x16xf32, #tpu.memory_space<vmem_shared>> -> memref<10000x16xf32, #tpu.memory_space<vmem_shared>>
      tpu.wait_indirect_dma semaphore(%run_scoped3A_118 : memref<!tpu.dma_semaphore, #tpu.memory_space<semaphore_mem>>) src(%arg7 : memref<2000x16xf32, #tpu.memory_space<vmem>>) dst(%dma_wait3A_130 : memref<10000x16xf32, #tpu.memory_space<vmem_shared>>)
      tpu.yield
    }) : () -> ()
    %dma_wait3A_41 = arith.constant 0 : i32
    %dma_wait3A_42 = tpu.memref_slice %arg2[%add3A_35, %dma_wait3A_41] : memref<320000x16xf32, #tpu.memory_space<hbm>> -> memref<2000x16xf32, #tpu.memory_space<hbm>>
    %dma_wait3A_43 = arith.constant 0 : i32
    %dma_wait3A_44 = tpu.memref_slice %arg2[%add3A_35, %dma_wait3A_43] : memref<320000x16xf32, #tpu.memory_space<hbm>> -> memref<2000x16xf32, #tpu.memory_space<hbm>>
    tpu.wait_dma2 semaphore(%arg11 : memref<!tpu.dma_semaphore, #tpu.memory_space<semaphore_mem>>) src(%dma_wait3A_44 : memref<2000x16xf32, #tpu.memory_space<hbm>>) dst(%arg8 : memref<2000x16xf32, #tpu.memory_space<vmem>>)
    %add3A_45 = arith.constant 8000 : i32
    %add3A_46 = arith.addi %mul3A_6, %add3A_45 : i32
    %dma_start3A_47 = arith.constant 0 : i32
    %dma_start3A_48 = tpu.memref_slice %arg2[%add3A_46, %dma_start3A_47] : memref<320000x16xf32, #tpu.memory_space<hbm>> -> memref<2000x16xf32, #tpu.memory_space<hbm>>
    %dma_start3A_49 = arith.constant 0 : i32
    %dma_start3A_50 = tpu.memref_slice %arg2[%add3A_46, %dma_start3A_49] : memref<320000x16xf32, #tpu.memory_space<hbm>> -> memref<2000x16xf32, #tpu.memory_space<hbm>>
    tpu.enqueue_dma source(%dma_start3A_50 : memref<2000x16xf32, #tpu.memory_space<hbm>>) target(%arg7 : memref<2000x16xf32, #tpu.memory_space<vmem>>) target_semaphore(%arg10 : memref<!tpu.dma_semaphore, #tpu.memory_space<semaphore_mem>>)
    %run_scoped3A_51 = arith.constant 3 : i32
    "tpu.region"() ({
      %run_scoped3A_118 = tpu.sem_alloc : memref<!tpu.dma_semaphore, #tpu.memory_space<semaphore_mem>>
      %dma_start3A_119 = arith.constant 0 : i32
      %dma_start3A_120 = tpu.memref_slice %arg6[%run_scoped3A_51, %dma_start3A_119] : memref<10x2000xi32, #tpu.memory_space<vmem>> -> memref<1x2000xi32, #tpu.memory_space<vmem>>
      %dma_start3A_121 = tpu.memref_squeeze %dma_start3A_120 : memref<1x2000xi32, #tpu.memory_space<vmem>> -> memref<2000xi32, #tpu.memory_space<vmem>>
      %dma_start3A_122 = arith.constant 0 : i32
      %dma_start3A_123 = arith.constant 0 : i32
      %dma_start3A_124 = tpu.memref_slice %arg9[%dma_start3A_122, %dma_start3A_123] : memref<10000x16xf32, #tpu.memory_space<vmem_shared>> -> memref<10000x16xf32, #tpu.memory_space<vmem_shared>>
      tpu.enqueue_indirect_dma source(%arg8 : memref<2000x16xf32, #tpu.memory_space<vmem>>) target(%dma_start3A_124 : memref<10000x16xf32, #tpu.memory_space<vmem_shared>>) offsets(%dma_start3A_121 : memref<2000xi32, #tpu.memory_space<vmem>>) semaphore(%run_scoped3A_118 : memref<!tpu.dma_semaphore, #tpu.memory_space<semaphore_mem>>) {add = true}
      %dma_wait3A_125 = arith.constant 0 : i32
      %dma_wait3A_126 = tpu.memref_slice %arg6[%run_scoped3A_51, %dma_wait3A_125] : memref<10x2000xi32, #tpu.memory_space<vmem>> -> memref<1x2000xi32, #tpu.memory_space<vmem>>
      %dma_wait3A_127 = tpu.memref_squeeze %dma_wait3A_126 : memref<1x2000xi32, #tpu.memory_space<vmem>> -> memref<2000xi32, #tpu.memory_space<vmem>>
      %dma_wait3A_128 = arith.constant 0 : i32
      %dma_wait3A_129 = arith.constant 0 : i32
      %dma_wait3A_130 = tpu.memref_slice %arg9[%dma_wait3A_128, %dma_wait3A_129] : memref<10000x16xf32, #tpu.memory_space<vmem_shared>> -> memref<10000x16xf32, #tpu.memory_space<vmem_shared>>
      tpu.wait_indirect_dma semaphore(%run_scoped3A_118 : memref<!tpu.dma_semaphore, #tpu.memory_space<semaphore_mem>>) src(%arg8 : memref<2000x16xf32, #tpu.memory_space<vmem>>) dst(%dma_wait3A_130 : memref<10000x16xf32, #tpu.memory_space<vmem_shared>>)
      tpu.yield
    }) : () -> ()
    %dma_wait3A_52 = arith.constant 0 : i32
    %dma_wait3A_53 = tpu.memref_slice %arg2[%add3A_46, %dma_wait3A_52] : memref<320000x16xf32, #tpu.memory_space<hbm>> -> memref<2000x16xf32, #tpu.memory_space<hbm>>
    %dma_wait3A_54 = arith.constant 0 : i32
    %dma_wait3A_55 = tpu.memref_slice %arg2[%add3A_46, %dma_wait3A_54] : memref<320000x16xf32, #tpu.memory_space<hbm>> -> memref<2000x16xf32, #tpu.memory_space<hbm>>
    tpu.wait_dma2 semaphore(%arg10 : memref<!tpu.dma_semaphore, #tpu.memory_space<semaphore_mem>>) src(%dma_wait3A_55 : memref<2000x16xf32, #tpu.memory_space<hbm>>) dst(%arg7 : memref<2000x16xf32, #tpu.memory_space<vmem>>)
    %add3A_56 = arith.constant 10000 : i32
    %add3A_57 = arith.addi %mul3A_6, %add3A_56 : i32
    %dma_start3A_58 = arith.constant 0 : i32
    %dma_start3A_59 = tpu.memref_slice %arg2[%add3A_57, %dma_start3A_58] : memref<320000x16xf32, #tpu.memory_space<hbm>> -> memref<2000x16xf32, #tpu.memory_space<hbm>>
    %dma_start3A_60 = arith.constant 0 : i32
    %dma_start3A_61 = tpu.memref_slice %arg2[%add3A_57, %dma_start3A_60] : memref<320000x16xf32, #tpu.memory_space<hbm>> -> memref<2000x16xf32, #tpu.memory_space<hbm>>
    tpu.enqueue_dma source(%dma_start3A_61 : memref<2000x16xf32, #tpu.memory_space<hbm>>) target(%arg8 : memref<2000x16xf32, #tpu.memory_space<vmem>>) target_semaphore(%arg11 : memref<!tpu.dma_semaphore, #tpu.memory_space<semaphore_mem>>)
    %run_scoped3A_62 = arith.constant 4 : i32
    "tpu.region"() ({
      %run_scoped3A_118 = tpu.sem_alloc : memref<!tpu.dma_semaphore, #tpu.memory_space<semaphore_mem>>
      %dma_start3A_119 = arith.constant 0 : i32
      %dma_start3A_120 = tpu.memref_slice %arg6[%run_scoped3A_62, %dma_start3A_119] : memref<10x2000xi32, #tpu.memory_space<vmem>> -> memref<1x2000xi32, #tpu.memory_space<vmem>>
      %dma_start3A_121 = tpu.memref_squeeze %dma_start3A_120 : memref<1x2000xi32, #tpu.memory_space<vmem>> -> memref<2000xi32, #tpu.memory_space<vmem>>
      %dma_start3A_122 = arith.constant 0 : i32
      %dma_start3A_123 = arith.constant 0 : i32
      %dma_start3A_124 = tpu.memref_slice %arg9[%dma_start3A_122, %dma_start3A_123] : memref<10000x16xf32, #tpu.memory_space<vmem_shared>> -> memref<10000x16xf32, #tpu.memory_space<vmem_shared>>
      tpu.enqueue_indirect_dma source(%arg7 : memref<2000x16xf32, #tpu.memory_space<vmem>>) target(%dma_start3A_124 : memref<10000x16xf32, #tpu.memory_space<vmem_shared>>) offsets(%dma_start3A_121 : memref<2000xi32, #tpu.memory_space<vmem>>) semaphore(%run_scoped3A_118 : memref<!tpu.dma_semaphore, #tpu.memory_space<semaphore_mem>>) {add = true}
      %dma_wait3A_125 = arith.constant 0 : i32
      %dma_wait3A_126 = tpu.memref_slice %arg6[%run_scoped3A_62, %dma_wait3A_125] : memref<10x2000xi32, #tpu.memory_space<vmem>> -> memref<1x2000xi32, #tpu.memory_space<vmem>>
      %dma_wait3A_127 = tpu.memref_squeeze %dma_wait3A_126 : memref<1x2000xi32, #tpu.memory_space<vmem>> -> memref<2000xi32, #tpu.memory_space<vmem>>
      %dma_wait3A_128 = arith.constant 0 : i32
      %dma_wait3A_129 = arith.constant 0 : i32
      %dma_wait3A_130 = tpu.memref_slice %arg9[%dma_wait3A_128, %dma_wait3A_129] : memref<10000x16xf32, #tpu.memory_space<vmem_shared>> -> memref<10000x16xf32, #tpu.memory_space<vmem_shared>>
      tpu.wait_indirect_dma semaphore(%run_scoped3A_118 : memref<!tpu.dma_semaphore, #tpu.memory_space<semaphore_mem>>) src(%arg7 : memref<2000x16xf32, #tpu.memory_space<vmem>>) dst(%dma_wait3A_130 : memref<10000x16xf32, #tpu.memory_space<vmem_shared>>)
      tpu.yield
    }) : () -> ()
    %dma_wait3A_63 = arith.constant 0 : i32
    %dma_wait3A_64 = tpu.memref_slice %arg2[%add3A_57, %dma_wait3A_63] : memref<320000x16xf32, #tpu.memory_space<hbm>> -> memref<2000x16xf32, #tpu.memory_space<hbm>>
    %dma_wait3A_65 = arith.constant 0 : i32
    %dma_wait3A_66 = tpu.memref_slice %arg2[%add3A_57, %dma_wait3A_65] : memref<320000x16xf32, #tpu.memory_space<hbm>> -> memref<2000x16xf32, #tpu.memory_space<hbm>>
    tpu.wait_dma2 semaphore(%arg11 : memref<!tpu.dma_semaphore, #tpu.memory_space<semaphore_mem>>) src(%dma_wait3A_66 : memref<2000x16xf32, #tpu.memory_space<hbm>>) dst(%arg8 : memref<2000x16xf32, #tpu.memory_space<vmem>>)
    %add3A_67 = arith.constant 12000 : i32
    %add3A_68 = arith.addi %mul3A_6, %add3A_67 : i32
    %dma_start3A_69 = arith.constant 0 : i32
    %dma_start3A_70 = tpu.memref_slice %arg2[%add3A_68, %dma_start3A_69] : memref<320000x16xf32, #tpu.memory_space<hbm>> -> memref<2000x16xf32, #tpu.memory_space<hbm>>
    %dma_start3A_71 = arith.constant 0 : i32
    %dma_start3A_72 = tpu.memref_slice %arg2[%add3A_68, %dma_start3A_71] : memref<320000x16xf32, #tpu.memory_space<hbm>> -> memref<2000x16xf32, #tpu.memory_space<hbm>>
    tpu.enqueue_dma source(%dma_start3A_72 : memref<2000x16xf32, #tpu.memory_space<hbm>>) target(%arg7 : memref<2000x16xf32, #tpu.memory_space<vmem>>) target_semaphore(%arg10 : memref<!tpu.dma_semaphore, #tpu.memory_space<semaphore_mem>>)
    %run_scoped3A_73 = arith.constant 5 : i32
    "tpu.region"() ({
      %run_scoped3A_118 = tpu.sem_alloc : memref<!tpu.dma_semaphore, #tpu.memory_space<semaphore_mem>>
      %dma_start3A_119 = arith.constant 0 : i32
      %dma_start3A_120 = tpu.memref_slice %arg6[%run_scoped3A_73, %dma_start3A_119] : memref<10x2000xi32, #tpu.memory_space<vmem>> -> memref<1x2000xi32, #tpu.memory_space<vmem>>
      %dma_start3A_121 = tpu.memref_squeeze %dma_start3A_120 : memref<1x2000xi32, #tpu.memory_space<vmem>> -> memref<2000xi32, #tpu.memory_space<vmem>>
      %dma_start3A_122 = arith.constant 0 : i32
      %dma_start3A_123 = arith.constant 0 : i32
      %dma_start3A_124 = tpu.memref_slice %arg9[%dma_start3A_122, %dma_start3A_123] : memref<10000x16xf32, #tpu.memory_space<vmem_shared>> -> memref<10000x16xf32, #tpu.memory_space<vmem_shared>>
      tpu.enqueue_indirect_dma source(%arg8 : memref<2000x16xf32, #tpu.memory_space<vmem>>) target(%dma_start3A_124 : memref<10000x16xf32, #tpu.memory_space<vmem_shared>>) offsets(%dma_start3A_121 : memref<2000xi32, #tpu.memory_space<vmem>>) semaphore(%run_scoped3A_118 : memref<!tpu.dma_semaphore, #tpu.memory_space<semaphore_mem>>) {add = true}
      %dma_wait3A_125 = arith.constant 0 : i32
      %dma_wait3A_126 = tpu.memref_slice %arg6[%run_scoped3A_73, %dma_wait3A_125] : memref<10x2000xi32, #tpu.memory_space<vmem>> -> memref<1x2000xi32, #tpu.memory_space<vmem>>
      %dma_wait3A_127 = tpu.memref_squeeze %dma_wait3A_126 : memref<1x2000xi32, #tpu.memory_space<vmem>> -> memref<2000xi32, #tpu.memory_space<vmem>>
      %dma_wait3A_128 = arith.constant 0 : i32
      %dma_wait3A_129 = arith.constant 0 : i32
      %dma_wait3A_130 = tpu.memref_slice %arg9[%dma_wait3A_128, %dma_wait3A_129] : memref<10000x16xf32, #tpu.memory_space<vmem_shared>> -> memref<10000x16xf32, #tpu.memory_space<vmem_shared>>
      tpu.wait_indirect_dma semaphore(%run_scoped3A_118 : memref<!tpu.dma_semaphore, #tpu.memory_space<semaphore_mem>>) src(%arg8 : memref<2000x16xf32, #tpu.memory_space<vmem>>) dst(%dma_wait3A_130 : memref<10000x16xf32, #tpu.memory_space<vmem_shared>>)
      tpu.yield
    }) : () -> ()
    %dma_wait3A_74 = arith.constant 0 : i32
    %dma_wait3A_75 = tpu.memref_slice %arg2[%add3A_68, %dma_wait3A_74] : memref<320000x16xf32, #tpu.memory_space<hbm>> -> memref<2000x16xf32, #tpu.memory_space<hbm>>
    %dma_wait3A_76 = arith.constant 0 : i32
    %dma_wait3A_77 = tpu.memref_slice %arg2[%add3A_68, %dma_wait3A_76] : memref<320000x16xf32, #tpu.memory_space<hbm>> -> memref<2000x16xf32, #tpu.memory_space<hbm>>
    tpu.wait_dma2 semaphore(%arg10 : memref<!tpu.dma_semaphore, #tpu.memory_space<semaphore_mem>>) src(%dma_wait3A_77 : memref<2000x16xf32, #tpu.memory_space<hbm>>) dst(%arg7 : memref<2000x16xf32, #tpu.memory_space<vmem>>)
    %add3A_78 = arith.constant 14000 : i32
    %add3A_79 = arith.addi %mul3A_6, %add3A_78 : i32
    %dma_start3A_80 = arith.constant 0 : i32
    %dma_start3A_81 = tpu.memref_slice %arg2[%add3A_79, %dma_start3A_80] : memref<320000x16xf32, #tpu.memory_space<hbm>> -> memref<2000x16xf32, #tpu.memory_space<hbm>>
    %dma_start3A_82 = arith.constant 0 : i32
    %dma_start3A_83 = tpu.memref_slice %arg2[%add3A_79, %dma_start3A_82] : memref<320000x16xf32, #tpu.memory_space<hbm>> -> memref<2000x16xf32, #tpu.memory_space<hbm>>
    tpu.enqueue_dma source(%dma_start3A_83 : memref<2000x16xf32, #tpu.memory_space<hbm>>) target(%arg8 : memref<2000x16xf32, #tpu.memory_space<vmem>>) target_semaphore(%arg11 : memref<!tpu.dma_semaphore, #tpu.memory_space<semaphore_mem>>)
    %run_scoped3A_84 = arith.constant 6 : i32
    "tpu.region"() ({
      %run_scoped3A_118 = tpu.sem_alloc : memref<!tpu.dma_semaphore, #tpu.memory_space<semaphore_mem>>
      %dma_start3A_119 = arith.constant 0 : i32
      %dma_start3A_120 = tpu.memref_slice %arg6[%run_scoped3A_84, %dma_start3A_119] : memref<10x2000xi32, #tpu.memory_space<vmem>> -> memref<1x2000xi32, #tpu.memory_space<vmem>>
      %dma_start3A_121 = tpu.memref_squeeze %dma_start3A_120 : memref<1x2000xi32, #tpu.memory_space<vmem>> -> memref<2000xi32, #tpu.memory_space<vmem>>
      %dma_start3A_122 = arith.constant 0 : i32
      %dma_start3A_123 = arith.constant 0 : i32
      %dma_start3A_124 = tpu.memref_slice %arg9[%dma_start3A_122, %dma_start3A_123] : memref<10000x16xf32, #tpu.memory_space<vmem_shared>> -> memref<10000x16xf32, #tpu.memory_space<vmem_shared>>
      tpu.enqueue_indirect_dma source(%arg7 : memref<2000x16xf32, #tpu.memory_space<vmem>>) target(%dma_start3A_124 : memref<10000x16xf32, #tpu.memory_space<vmem_shared>>) offsets(%dma_start3A_121 : memref<2000xi32, #tpu.memory_space<vmem>>) semaphore(%run_scoped3A_118 : memref<!tpu.dma_semaphore, #tpu.memory_space<semaphore_mem>>) {add = true}
      %dma_wait3A_125 = arith.constant 0 : i32
      %dma_wait3A_126 = tpu.memref_slice %arg6[%run_scoped3A_84, %dma_wait3A_125] : memref<10x2000xi32, #tpu.memory_space<vmem>> -> memref<1x2000xi32, #tpu.memory_space<vmem>>
      %dma_wait3A_127 = tpu.memref_squeeze %dma_wait3A_126 : memref<1x2000xi32, #tpu.memory_space<vmem>> -> memref<2000xi32, #tpu.memory_space<vmem>>
      %dma_wait3A_128 = arith.constant 0 : i32
      %dma_wait3A_129 = arith.constant 0 : i32
      %dma_wait3A_130 = tpu.memref_slice %arg9[%dma_wait3A_128, %dma_wait3A_129] : memref<10000x16xf32, #tpu.memory_space<vmem_shared>> -> memref<10000x16xf32, #tpu.memory_space<vmem_shared>>
      tpu.wait_indirect_dma semaphore(%run_scoped3A_118 : memref<!tpu.dma_semaphore, #tpu.memory_space<semaphore_mem>>) src(%arg7 : memref<2000x16xf32, #tpu.memory_space<vmem>>) dst(%dma_wait3A_130 : memref<10000x16xf32, #tpu.memory_space<vmem_shared>>)
      tpu.yield
    }) : () -> ()
    %dma_wait3A_85 = arith.constant 0 : i32
    %dma_wait3A_86 = tpu.memref_slice %arg2[%add3A_79, %dma_wait3A_85] : memref<320000x16xf32, #tpu.memory_space<hbm>> -> memref<2000x16xf32, #tpu.memory_space<hbm>>
    %dma_wait3A_87 = arith.constant 0 : i32
    %dma_wait3A_88 = tpu.memref_slice %arg2[%add3A_79, %dma_wait3A_87] : memref<320000x16xf32, #tpu.memory_space<hbm>> -> memref<2000x16xf32, #tpu.memory_space<hbm>>
    tpu.wait_dma2 semaphore(%arg11 : memref<!tpu.dma_semaphore, #tpu.memory_space<semaphore_mem>>) src(%dma_wait3A_88 : memref<2000x16xf32, #tpu.memory_space<hbm>>) dst(%arg8 : memref<2000x16xf32, #tpu.memory_space<vmem>>)
    %add3A_89 = arith.constant 16000 : i32
    %add3A_90 = arith.addi %mul3A_6, %add3A_89 : i32
    %dma_start3A_91 = arith.constant 0 : i32
    %dma_start3A_92 = tpu.memref_slice %arg2[%add3A_90, %dma_start3A_91] : memref<320000x16xf32, #tpu.memory_space<hbm>> -> memref<2000x16xf32, #tpu.memory_space<hbm>>
    %dma_start3A_93 = arith.constant 0 : i32
    %dma_start3A_94 = tpu.memref_slice %arg2[%add3A_90, %dma_start3A_93] : memref<320000x16xf32, #tpu.memory_space<hbm>> -> memref<2000x16xf32, #tpu.memory_space<hbm>>
    tpu.enqueue_dma source(%dma_start3A_94 : memref<2000x16xf32, #tpu.memory_space<hbm>>) target(%arg7 : memref<2000x16xf32, #tpu.memory_space<vmem>>) target_semaphore(%arg10 : memref<!tpu.dma_semaphore, #tpu.memory_space<semaphore_mem>>)
    %run_scoped3A_95 = arith.constant 7 : i32
    "tpu.region"() ({
      %run_scoped3A_118 = tpu.sem_alloc : memref<!tpu.dma_semaphore, #tpu.memory_space<semaphore_mem>>
      %dma_start3A_119 = arith.constant 0 : i32
      %dma_start3A_120 = tpu.memref_slice %arg6[%run_scoped3A_95, %dma_start3A_119] : memref<10x2000xi32, #tpu.memory_space<vmem>> -> memref<1x2000xi32, #tpu.memory_space<vmem>>
      %dma_start3A_121 = tpu.memref_squeeze %dma_start3A_120 : memref<1x2000xi32, #tpu.memory_space<vmem>> -> memref<2000xi32, #tpu.memory_space<vmem>>
      %dma_start3A_122 = arith.constant 0 : i32
      %dma_start3A_123 = arith.constant 0 : i32
      %dma_start3A_124 = tpu.memref_slice %arg9[%dma_start3A_122, %dma_start3A_123] : memref<10000x16xf32, #tpu.memory_space<vmem_shared>> -> memref<10000x16xf32, #tpu.memory_space<vmem_shared>>
      tpu.enqueue_indirect_dma source(%arg8 : memref<2000x16xf32, #tpu.memory_space<vmem>>) target(%dma_start3A_124 : memref<10000x16xf32, #tpu.memory_space<vmem_shared>>) offsets(%dma_start3A_121 : memref<2000xi32, #tpu.memory_space<vmem>>) semaphore(%run_scoped3A_118 : memref<!tpu.dma_semaphore, #tpu.memory_space<semaphore_mem>>) {add = true}
      %dma_wait3A_125 = arith.constant 0 : i32
      %dma_wait3A_126 = tpu.memref_slice %arg6[%run_scoped3A_95, %dma_wait3A_125] : memref<10x2000xi32, #tpu.memory_space<vmem>> -> memref<1x2000xi32, #tpu.memory_space<vmem>>
      %dma_wait3A_127 = tpu.memref_squeeze %dma_wait3A_126 : memref<1x2000xi32, #tpu.memory_space<vmem>> -> memref<2000xi32, #tpu.memory_space<vmem>>
      %dma_wait3A_128 = arith.constant 0 : i32
      %dma_wait3A_129 = arith.constant 0 : i32
      %dma_wait3A_130 = tpu.memref_slice %arg9[%dma_wait3A_128, %dma_wait3A_129] : memref<10000x16xf32, #tpu.memory_space<vmem_shared>> -> memref<10000x16xf32, #tpu.memory_space<vmem_shared>>
      tpu.wait_indirect_dma semaphore(%run_scoped3A_118 : memref<!tpu.dma_semaphore, #tpu.memory_space<semaphore_mem>>) src(%arg8 : memref<2000x16xf32, #tpu.memory_space<vmem>>) dst(%dma_wait3A_130 : memref<10000x16xf32, #tpu.memory_space<vmem_shared>>)
      tpu.yield
    }) : () -> ()
    %dma_wait3A_96 = arith.constant 0 : i32
    %dma_wait3A_97 = tpu.memref_slice %arg2[%add3A_90, %dma_wait3A_96] : memref<320000x16xf32, #tpu.memory_space<hbm>> -> memref<2000x16xf32, #tpu.memory_space<hbm>>
    %dma_wait3A_98 = arith.constant 0 : i32
    %dma_wait3A_99 = tpu.memref_slice %arg2[%add3A_90, %dma_wait3A_98] : memref<320000x16xf32, #tpu.memory_space<hbm>> -> memref<2000x16xf32, #tpu.memory_space<hbm>>
    tpu.wait_dma2 semaphore(%arg10 : memref<!tpu.dma_semaphore, #tpu.memory_space<semaphore_mem>>) src(%dma_wait3A_99 : memref<2000x16xf32, #tpu.memory_space<hbm>>) dst(%arg7 : memref<2000x16xf32, #tpu.memory_space<vmem>>)
    %add3A_100 = arith.constant 18000 : i32
    %add3A_101 = arith.addi %mul3A_6, %add3A_100 : i32
    %dma_start3A_102 = arith.constant 0 : i32
    %dma_start3A_103 = tpu.memref_slice %arg2[%add3A_101, %dma_start3A_102] : memref<320000x16xf32, #tpu.memory_space<hbm>> -> memref<2000x16xf32, #tpu.memory_space<hbm>>
    %dma_start3A_104 = arith.constant 0 : i32
    %dma_start3A_105 = tpu.memref_slice %arg2[%add3A_101, %dma_start3A_104] : memref<320000x16xf32, #tpu.memory_space<hbm>> -> memref<2000x16xf32, #tpu.memory_space<hbm>>
    tpu.enqueue_dma source(%dma_start3A_105 : memref<2000x16xf32, #tpu.memory_space<hbm>>) target(%arg8 : memref<2000x16xf32, #tpu.memory_space<vmem>>) target_semaphore(%arg11 : memref<!tpu.dma_semaphore, #tpu.memory_space<semaphore_mem>>)
    %run_scoped3A_106 = arith.constant 8 : i32
    "tpu.region"() ({
      %run_scoped3A_118 = tpu.sem_alloc : memref<!tpu.dma_semaphore, #tpu.memory_space<semaphore_mem>>
      %dma_start3A_119 = arith.constant 0 : i32
      %dma_start3A_120 = tpu.memref_slice %arg6[%run_scoped3A_106, %dma_start3A_119] : memref<10x2000xi32, #tpu.memory_space<vmem>> -> memref<1x2000xi32, #tpu.memory_space<vmem>>
      %dma_start3A_121 = tpu.memref_squeeze %dma_start3A_120 : memref<1x2000xi32, #tpu.memory_space<vmem>> -> memref<2000xi32, #tpu.memory_space<vmem>>
      %dma_start3A_122 = arith.constant 0 : i32
      %dma_start3A_123 = arith.constant 0 : i32
      %dma_start3A_124 = tpu.memref_slice %arg9[%dma_start3A_122, %dma_start3A_123] : memref<10000x16xf32, #tpu.memory_space<vmem_shared>> -> memref<10000x16xf32, #tpu.memory_space<vmem_shared>>
      tpu.enqueue_indirect_dma source(%arg7 : memref<2000x16xf32, #tpu.memory_space<vmem>>) target(%dma_start3A_124 : memref<10000x16xf32, #tpu.memory_space<vmem_shared>>) offsets(%dma_start3A_121 : memref<2000xi32, #tpu.memory_space<vmem>>) semaphore(%run_scoped3A_118 : memref<!tpu.dma_semaphore, #tpu.memory_space<semaphore_mem>>) {add = true}
      %dma_wait3A_125 = arith.constant 0 : i32
      %dma_wait3A_126 = tpu.memref_slice %arg6[%run_scoped3A_106, %dma_wait3A_125] : memref<10x2000xi32, #tpu.memory_space<vmem>> -> memref<1x2000xi32, #tpu.memory_space<vmem>>
      %dma_wait3A_127 = tpu.memref_squeeze %dma_wait3A_126 : memref<1x2000xi32, #tpu.memory_space<vmem>> -> memref<2000xi32, #tpu.memory_space<vmem>>
      %dma_wait3A_128 = arith.constant 0 : i32
      %dma_wait3A_129 = arith.constant 0 : i32
      %dma_wait3A_130 = tpu.memref_slice %arg9[%dma_wait3A_128, %dma_wait3A_129] : memref<10000x16xf32, #tpu.memory_space<vmem_shared>> -> memref<10000x16xf32, #tpu.memory_space<vmem_shared>>
      tpu.wait_indirect_dma semaphore(%run_scoped3A_118 : memref<!tpu.dma_semaphore, #tpu.memory_space<semaphore_mem>>) src(%arg7 : memref<2000x16xf32, #tpu.memory_space<vmem>>) dst(%dma_wait3A_130 : memref<10000x16xf32, #tpu.memory_space<vmem_shared>>)
      tpu.yield
    }) : () -> ()
    %dma_wait3A_107 = arith.constant 0 : i32
    %dma_wait3A_108 = tpu.memref_slice %arg2[%add3A_101, %dma_wait3A_107] : memref<320000x16xf32, #tpu.memory_space<hbm>> -> memref<2000x16xf32, #tpu.memory_space<hbm>>
    %dma_wait3A_109 = arith.constant 0 : i32
    %dma_wait3A_110 = tpu.memref_slice %arg2[%add3A_101, %dma_wait3A_109] : memref<320000x16xf32, #tpu.memory_space<hbm>> -> memref<2000x16xf32, #tpu.memory_space<hbm>>
    tpu.wait_dma2 semaphore(%arg11 : memref<!tpu.dma_semaphore, #tpu.memory_space<semaphore_mem>>) src(%dma_wait3A_110 : memref<2000x16xf32, #tpu.memory_space<hbm>>) dst(%arg8 : memref<2000x16xf32, #tpu.memory_space<vmem>>)
    %run_scoped3A_111 = arith.constant 9 : i32
    "tpu.region"() ({
      %run_scoped3A_118 = tpu.sem_alloc : memref<!tpu.dma_semaphore, #tpu.memory_space<semaphore_mem>>
      %dma_start3A_119 = arith.constant 0 : i32
      %dma_start3A_120 = tpu.memref_slice %arg6[%run_scoped3A_111, %dma_start3A_119] : memref<10x2000xi32, #tpu.memory_space<vmem>> -> memref<1x2000xi32, #tpu.memory_space<vmem>>
      %dma_start3A_121 = tpu.memref_squeeze %dma_start3A_120 : memref<1x2000xi32, #tpu.memory_space<vmem>> -> memref<2000xi32, #tpu.memory_space<vmem>>
      %dma_start3A_122 = arith.constant 0 : i32
      %dma_start3A_123 = arith.constant 0 : i32
      %dma_start3A_124 = tpu.memref_slice %arg9[%dma_start3A_122, %dma_start3A_123] : memref<10000x16xf32, #tpu.memory_space<vmem_shared>> -> memref<10000x16xf32, #tpu.memory_space<vmem_shared>>
      tpu.enqueue_indirect_dma source(%arg8 : memref<2000x16xf32, #tpu.memory_space<vmem>>) target(%dma_start3A_124 : memref<10000x16xf32, #tpu.memory_space<vmem_shared>>) offsets(%dma_start3A_121 : memref<2000xi32, #tpu.memory_space<vmem>>) semaphore(%run_scoped3A_118 : memref<!tpu.dma_semaphore, #tpu.memory_space<semaphore_mem>>) {add = true}
      %dma_wait3A_125 = arith.constant 0 : i32
      %dma_wait3A_126 = tpu.memref_slice %arg6[%run_scoped3A_111, %dma_wait3A_125] : memref<10x2000xi32, #tpu.memory_space<vmem>> -> memref<1x2000xi32, #tpu.memory_space<vmem>>
      %dma_wait3A_127 = tpu.memref_squeeze %dma_wait3A_126 : memref<1x2000xi32, #tpu.memory_space<vmem>> -> memref<2000xi32, #tpu.memory_space<vmem>>
      %dma_wait3A_128 = arith.constant 0 : i32
      %dma_wait3A_129 = arith.constant 0 : i32
      %dma_wait3A_130 = tpu.memref_slice %arg9[%dma_wait3A_128, %dma_wait3A_129] : memref<10000x16xf32, #tpu.memory_space<vmem_shared>> -> memref<10000x16xf32, #tpu.memory_space<vmem_shared>>
      tpu.wait_indirect_dma semaphore(%run_scoped3A_118 : memref<!tpu.dma_semaphore, #tpu.memory_space<semaphore_mem>>) src(%arg8 : memref<2000x16xf32, #tpu.memory_space<vmem>>) dst(%dma_wait3A_130 : memref<10000x16xf32, #tpu.memory_space<vmem_shared>>)
      tpu.yield
    }) : () -> ()
    %barrier3A_112 = arith.constant 0 : index
    tpu.barrier barrier_id(%barrier3A_112)
    %eq3A_113 = arith.constant 0 : i32
    %eq3A_114 = arith.cmpi eq, %arg1, %eq3A_113 : i32
    %convert_element_type3A_115 = arith.extui %eq3A_114 : i1 to i32
    %cond3A_116 = arith.constant 0 : i32
    %cond3A_117 = arith.cmpi ne, %convert_element_type3A_115, %cond3A_116 : i32
    scf.if %cond3A_117 {
      "tpu.region"() ({
        %run_scoped3A_118 = tpu.sem_alloc : memref<!tpu.dma_semaphore, #tpu.memory_space<semaphore_mem>>
        %dma_start3A_119 = arith.constant 0 : i32
        %dma_start3A_120 = arith.constant 0 : i32
        %dma_start3A_121 = tpu.memref_slice %arg5[%arg0, %dma_start3A_119, %dma_start3A_120] : memref<2x10000x16xf32, #tpu.memory_space<hbm>> -> memref<1x10000x16xf32, #tpu.memory_space<hbm>>
        %dma_start3A_122 = tpu.memref_squeeze %dma_start3A_121 : memref<1x10000x16xf32, #tpu.memory_space<hbm>> -> memref<10000x16xf32, #tpu.memory_space<hbm>>
        tpu.enqueue_dma source(%arg9 : memref<10000x16xf32, #tpu.memory_space<vmem_shared>>) target(%dma_start3A_122 : memref<10000x16xf32, #tpu.memory_space<hbm>>) target_semaphore(%run_scoped3A_118 : memref<!tpu.dma_semaphore, #tpu.memory_space<semaphore_mem>>)
        %dma_wait3A_123 = arith.constant 0 : i32
        %dma_wait3A_124 = arith.constant 0 : i32
        %dma_wait3A_125 = tpu.memref_slice %arg5[%arg0, %dma_wait3A_123, %dma_wait3A_124] : memref<2x10000x16xf32, #tpu.memory_space<hbm>> -> memref<1x10000x16xf32, #tpu.memory_space<hbm>>
        %dma_wait3A_126 = tpu.memref_squeeze %dma_wait3A_125 : memref<1x10000x16xf32, #tpu.memory_space<hbm>> -> memref<10000x16xf32, #tpu.memory_space<hbm>>
        tpu.wait_dma2 semaphore(%run_scoped3A_118 : memref<!tpu.dma_semaphore, #tpu.memory_space<semaphore_mem>>) src(%arg9 : memref<10000x16xf32, #tpu.memory_space<vmem_shared>>) dst(%dma_wait3A_126 : memref<10000x16xf32, #tpu.memory_space<hbm>>)
        tpu.yield
      }) : () -> ()
    } else {
    }
    return
  }
}

#map = affine_map<(d0, d1) -> (0, 0)>
#map1 = affine_map<(d0, d1) -> (0)>
#map2 = affine_map<(d0, d1) -> (0, 0, 0)>
module attributes {stable_mosaic.version = 14 : i64} {
  func.func @k(%arg0: i32, %arg1: i32, %arg2: memref<10000x16xf32, #tpu.memory_space<hbm>>, %arg3: memref<320x2000xi32, #tpu.memory_space<hbm>>, %arg4: memref<10000xf32, #tpu.memory_space<hbm>>, %arg5: memref<2000xf32, #tpu.memory_space<hbm>>, %arg6: memref<640000x16xf32, #tpu.memory_space<hbm>>, %arg7: memref<5x2x2000xf32, #tpu.memory_space<hbm>>, %arg8: memref<10x2000xi32, #tpu.memory_space<vmem>>, %arg9: memref<2000x16xf32, #tpu.memory_space<vmem>>, %arg10: memref<2000x16xf32, #tpu.memory_space<vmem>>, %arg11: memref<2000xf32, #tpu.memory_space<vmem>>, %arg12: memref<10000xf32, #tpu.memory_space<vmem_shared>>, %arg13: memref<!tpu.dma_semaphore, #tpu.memory_space<semaphore_mem>>, %arg14: memref<!tpu.dma_semaphore, #tpu.memory_space<semaphore_mem>>, %arg15: memref<!tpu.dma_semaphore, #tpu.memory_space<semaphore_mem>>, %arg16: memref<!tpu.dma_semaphore, #tpu.memory_space<semaphore_mem>>) attributes {dimension_semantics = [#tpu.dimension_semantics<core_parallel>, #tpu.dimension_semantics<subcore_parallel>], iteration_bounds = array<i64: 2, 16>, scalar_prefetch = 0 : i64, scratch_operands = 9 : i64, tpu.core_type = #tpu.core_type<sc_vector_subcore>, window_params = [{transform_indices = #map}, {transform_indices = #map}, {transform_indices = #map1}, {transform_indices = #map1}, {transform_indices = #map}, {transform_indices = #map2}]} {
    %mul3A = arith.constant 16 : i32
    %mul3A_0 = arith.muli %arg0, %mul3A : i32
    %add3A = arith.addi %mul3A_0, %arg1 : i32
    %eq3A = arith.constant 0 : i32
    %eq3A_1 = arith.cmpi eq, %arg1, %eq3A : i32
    %convert_element_type3A = arith.extui %eq3A_1 : i1 to i32
    %cond3A = arith.constant 0 : i32
    %cond3A_2 = arith.cmpi ne, %convert_element_type3A, %cond3A : i32
    scf.if %cond3A_2 {
      "tpu.region"() ({
        %run_scoped3A_278 = tpu.sem_alloc : memref<!tpu.dma_semaphore, #tpu.memory_space<semaphore_mem>>
        tpu.enqueue_dma source(%arg4 : memref<10000xf32, #tpu.memory_space<hbm>>) target(%arg12 : memref<10000xf32, #tpu.memory_space<vmem_shared>>) target_semaphore(%run_scoped3A_278 : memref<!tpu.dma_semaphore, #tpu.memory_space<semaphore_mem>>)
        tpu.wait_dma2 semaphore(%run_scoped3A_278 : memref<!tpu.dma_semaphore, #tpu.memory_space<semaphore_mem>>) src(%arg4 : memref<10000xf32, #tpu.memory_space<hbm>>) dst(%arg12 : memref<10000xf32, #tpu.memory_space<vmem_shared>>)
        tpu.yield
      }) : () -> ()
    } else {
    }
    "tpu.region"() ({
      %run_scoped3A_278 = tpu.sem_alloc : memref<!tpu.dma_semaphore, #tpu.memory_space<semaphore_mem>>
      tpu.enqueue_dma source(%arg5 : memref<2000xf32, #tpu.memory_space<hbm>>) target(%arg11 : memref<2000xf32, #tpu.memory_space<vmem>>) target_semaphore(%run_scoped3A_278 : memref<!tpu.dma_semaphore, #tpu.memory_space<semaphore_mem>>)
      tpu.wait_dma2 semaphore(%run_scoped3A_278 : memref<!tpu.dma_semaphore, #tpu.memory_space<semaphore_mem>>) src(%arg5 : memref<2000xf32, #tpu.memory_space<hbm>>) dst(%arg11 : memref<2000xf32, #tpu.memory_space<vmem>>)
      tpu.yield
    }) : () -> ()
    %mul3A_3 = arith.constant 10 : i32
    %mul3A_4 = arith.muli %add3A, %mul3A_3 : i32
    "tpu.region"() ({
      %run_scoped3A_278 = tpu.sem_alloc : memref<!tpu.dma_semaphore, #tpu.memory_space<semaphore_mem>>
      %dma_start3A_279 = arith.constant 0 : i32
      %dma_start3A_280 = tpu.memref_slice %arg3[%mul3A_4, %dma_start3A_279] : memref<320x2000xi32, #tpu.memory_space<hbm>> -> memref<10x2000xi32, #tpu.memory_space<hbm>>
      %dma_start3A_281 = arith.constant 0 : i32
      %dma_start3A_282 = tpu.memref_slice %arg3[%mul3A_4, %dma_start3A_281] : memref<320x2000xi32, #tpu.memory_space<hbm>> -> memref<10x2000xi32, #tpu.memory_space<hbm>>
      tpu.enqueue_dma source(%dma_start3A_282 : memref<10x2000xi32, #tpu.memory_space<hbm>>) target(%arg8 : memref<10x2000xi32, #tpu.memory_space<vmem>>) target_semaphore(%run_scoped3A_278 : memref<!tpu.dma_semaphore, #tpu.memory_space<semaphore_mem>>)
      %dma_wait3A_283 = arith.constant 0 : i32
      %dma_wait3A_284 = tpu.memref_slice %arg3[%mul3A_4, %dma_wait3A_283] : memref<320x2000xi32, #tpu.memory_space<hbm>> -> memref<10x2000xi32, #tpu.memory_space<hbm>>
      %dma_wait3A_285 = arith.constant 0 : i32
      %dma_wait3A_286 = tpu.memref_slice %arg3[%mul3A_4, %dma_wait3A_285] : memref<320x2000xi32, #tpu.memory_space<hbm>> -> memref<10x2000xi32, #tpu.memory_space<hbm>>
      tpu.wait_dma2 semaphore(%run_scoped3A_278 : memref<!tpu.dma_semaphore, #tpu.memory_space<semaphore_mem>>) src(%dma_wait3A_286 : memref<10x2000xi32, #tpu.memory_space<hbm>>) dst(%arg8 : memref<10x2000xi32, #tpu.memory_space<vmem>>)
      tpu.yield
    }) : () -> ()
    %barrier3A = arith.constant 0 : index
    tpu.barrier barrier_id(%barrier3A)
    %dma_start3A = arith.constant 0 : i32
    %dma_start3A_5 = arith.constant 0 : i32
    %dma_start3A_6 = tpu.memref_slice %arg8[%dma_start3A, %dma_start3A_5] : memref<10x2000xi32, #tpu.memory_space<vmem>> -> memref<1x2000xi32, #tpu.memory_space<vmem>>
    %dma_start3A_7 = tpu.memref_squeeze %dma_start3A_6 : memref<1x2000xi32, #tpu.memory_space<vmem>> -> memref<2000xi32, #tpu.memory_space<vmem>>
    %dma_start3A_8 = arith.constant 0 : i32
    %dma_start3A_9 = arith.constant 0 : i32
    %dma_start3A_10 = tpu.memref_slice %arg2[%dma_start3A_8, %dma_start3A_9] : memref<10000x16xf32, #tpu.memory_space<hbm>> -> memref<10000x16xf32, #tpu.memory_space<hbm>>
    tpu.enqueue_indirect_dma source(%dma_start3A_10 : memref<10000x16xf32, #tpu.memory_space<hbm>>) target(%arg9 : memref<2000x16xf32, #tpu.memory_space<vmem>>) offsets(%dma_start3A_7 : memref<2000xi32, #tpu.memory_space<vmem>>) semaphore(%arg13 : memref<!tpu.dma_semaphore, #tpu.memory_space<semaphore_mem>>)
    %dma_wait3A = arith.constant 0 : i32
    %dma_wait3A_11 = arith.constant 0 : i32
    %dma_wait3A_12 = tpu.memref_slice %arg8[%dma_wait3A, %dma_wait3A_11] : memref<10x2000xi32, #tpu.memory_space<vmem>> -> memref<1x2000xi32, #tpu.memory_space<vmem>>
    %dma_wait3A_13 = tpu.memref_squeeze %dma_wait3A_12 : memref<1x2000xi32, #tpu.memory_space<vmem>> -> memref<2000xi32, #tpu.memory_space<vmem>>
    %dma_wait3A_14 = arith.constant 0 : i32
    %dma_wait3A_15 = arith.constant 0 : i32
    %dma_wait3A_16 = tpu.memref_slice %arg2[%dma_wait3A_14, %dma_wait3A_15] : memref<10000x16xf32, #tpu.memory_space<hbm>> -> memref<10000x16xf32, #tpu.memory_space<hbm>>
    tpu.wait_indirect_dma semaphore(%arg13 : memref<!tpu.dma_semaphore, #tpu.memory_space<semaphore_mem>>) src(%dma_wait3A_16 : memref<10000x16xf32, #tpu.memory_space<hbm>>) dst(%arg9 : memref<2000x16xf32, #tpu.memory_space<vmem>>)
    %mul3A_17 = arith.constant 20000 : i32
    %mul3A_18 = arith.muli %add3A, %mul3A_17 : i32
    %add3A_19 = arith.constant 0 : i32
    %add3A_20 = arith.addi %mul3A_18, %add3A_19 : i32
    %dma_start3A_21 = arith.constant 0 : i32
    %dma_start3A_22 = tpu.memref_slice %arg6[%add3A_20, %dma_start3A_21] : memref<640000x16xf32, #tpu.memory_space<hbm>> -> memref<2000x16xf32, #tpu.memory_space<hbm>>
    %dma_start3A_23 = arith.constant 0 : i32
    %dma_start3A_24 = tpu.memref_slice %arg6[%add3A_20, %dma_start3A_23] : memref<640000x16xf32, #tpu.memory_space<hbm>> -> memref<2000x16xf32, #tpu.memory_space<hbm>>
    tpu.enqueue_dma source(%arg9 : memref<2000x16xf32, #tpu.memory_space<vmem>>) target(%dma_start3A_24 : memref<2000x16xf32, #tpu.memory_space<hbm>>) target_semaphore(%arg15 : memref<!tpu.dma_semaphore, #tpu.memory_space<semaphore_mem>>)
    %run_scoped3A = arith.constant 0 : i32
    "tpu.region"() ({
      %run_scoped3A_278 = tpu.sem_alloc : memref<!tpu.dma_semaphore, #tpu.memory_space<semaphore_mem>>
      %dma_start3A_279 = arith.constant 0 : i32
      %dma_start3A_280 = tpu.memref_slice %arg8[%run_scoped3A, %dma_start3A_279] : memref<10x2000xi32, #tpu.memory_space<vmem>> -> memref<1x2000xi32, #tpu.memory_space<vmem>>
      %dma_start3A_281 = tpu.memref_squeeze %dma_start3A_280 : memref<1x2000xi32, #tpu.memory_space<vmem>> -> memref<2000xi32, #tpu.memory_space<vmem>>
      %dma_start3A_282 = arith.constant 0 : i32
      %dma_start3A_283 = tpu.memref_slice %arg12[%dma_start3A_282] : memref<10000xf32, #tpu.memory_space<vmem_shared>> -> memref<10000xf32, #tpu.memory_space<vmem_shared>>
      tpu.enqueue_indirect_dma source(%arg11 : memref<2000xf32, #tpu.memory_space<vmem>>) target(%dma_start3A_283 : memref<10000xf32, #tpu.memory_space<vmem_shared>>) offsets(%dma_start3A_281 : memref<2000xi32, #tpu.memory_space<vmem>>) semaphore(%run_scoped3A_278 : memref<!tpu.dma_semaphore, #tpu.memory_space<semaphore_mem>>) {add = true}
      %dma_wait3A_284 = arith.constant 0 : i32
      %dma_wait3A_285 = tpu.memref_slice %arg8[%run_scoped3A, %dma_wait3A_284] : memref<10x2000xi32, #tpu.memory_space<vmem>> -> memref<1x2000xi32, #tpu.memory_space<vmem>>
      %dma_wait3A_286 = tpu.memref_squeeze %dma_wait3A_285 : memref<1x2000xi32, #tpu.memory_space<vmem>> -> memref<2000xi32, #tpu.memory_space<vmem>>
      %dma_wait3A_287 = arith.constant 0 : i32
      %dma_wait3A_288 = tpu.memref_slice %arg12[%dma_wait3A_287] : memref<10000xf32, #tpu.memory_space<vmem_shared>> -> memref<10000xf32, #tpu.memory_space<vmem_shared>>
      tpu.wait_indirect_dma semaphore(%run_scoped3A_278 : memref<!tpu.dma_semaphore, #tpu.memory_space<semaphore_mem>>) src(%arg11 : memref<2000xf32, #tpu.memory_space<vmem>>) dst(%dma_wait3A_288 : memref<10000xf32, #tpu.memory_space<vmem_shared>>)
      tpu.yield
    }) : () -> ()
    %dma_start3A_25 = arith.constant 1 : i32
    %dma_start3A_26 = arith.constant 0 : i32
    %dma_start3A_27 = tpu.memref_slice %arg8[%dma_start3A_25, %dma_start3A_26] : memref<10x2000xi32, #tpu.memory_space<vmem>> -> memref<1x2000xi32, #tpu.memory_space<vmem>>
    %dma_start3A_28 = tpu.memref_squeeze %dma_start3A_27 : memref<1x2000xi32, #tpu.memory_space<vmem>> -> memref<2000xi32, #tpu.memory_space<vmem>>
    %dma_start3A_29 = arith.constant 0 : i32
    %dma_start3A_30 = arith.constant 0 : i32
    %dma_start3A_31 = tpu.memref_slice %arg2[%dma_start3A_29, %dma_start3A_30] : memref<10000x16xf32, #tpu.memory_space<hbm>> -> memref<10000x16xf32, #tpu.memory_space<hbm>>
    tpu.enqueue_indirect_dma source(%dma_start3A_31 : memref<10000x16xf32, #tpu.memory_space<hbm>>) target(%arg10 : memref<2000x16xf32, #tpu.memory_space<vmem>>) offsets(%dma_start3A_28 : memref<2000xi32, #tpu.memory_space<vmem>>) semaphore(%arg14 : memref<!tpu.dma_semaphore, #tpu.memory_space<semaphore_mem>>)
    %dma_wait3A_32 = arith.constant 1 : i32
    %dma_wait3A_33 = arith.constant 0 : i32
    %dma_wait3A_34 = tpu.memref_slice %arg8[%dma_wait3A_32, %dma_wait3A_33] : memref<10x2000xi32, #tpu.memory_space<vmem>> -> memref<1x2000xi32, #tpu.memory_space<vmem>>
    %dma_wait3A_35 = tpu.memref_squeeze %dma_wait3A_34 : memref<1x2000xi32, #tpu.memory_space<vmem>> -> memref<2000xi32, #tpu.memory_space<vmem>>
    %dma_wait3A_36 = arith.constant 0 : i32
    %dma_wait3A_37 = arith.constant 0 : i32
    %dma_wait3A_38 = tpu.memref_slice %arg2[%dma_wait3A_36, %dma_wait3A_37] : memref<10000x16xf32, #tpu.memory_space<hbm>> -> memref<10000x16xf32, #tpu.memory_space<hbm>>
    tpu.wait_indirect_dma semaphore(%arg14 : memref<!tpu.dma_semaphore, #tpu.memory_space<semaphore_mem>>) src(%dma_wait3A_38 : memref<10000x16xf32, #tpu.memory_space<hbm>>) dst(%arg10 : memref<2000x16xf32, #tpu.memory_space<vmem>>)
    %mul3A_39 = arith.constant 20000 : i32
    %mul3A_40 = arith.muli %add3A, %mul3A_39 : i32
    %add3A_41 = arith.constant 2000 : i32
    %add3A_42 = arith.addi %mul3A_40, %add3A_41 : i32
    %dma_start3A_43 = arith.constant 0 : i32
    %dma_start3A_44 = tpu.memref_slice %arg6[%add3A_42, %dma_start3A_43] : memref<640000x16xf32, #tpu.memory_space<hbm>> -> memref<2000x16xf32, #tpu.memory_space<hbm>>
    %dma_start3A_45 = arith.constant 0 : i32
    %dma_start3A_46 = tpu.memref_slice %arg6[%add3A_42, %dma_start3A_45] : memref<640000x16xf32, #tpu.memory_space<hbm>> -> memref<2000x16xf32, #tpu.memory_space<hbm>>
    tpu.enqueue_dma source(%arg10 : memref<2000x16xf32, #tpu.memory_space<vmem>>) target(%dma_start3A_46 : memref<2000x16xf32, #tpu.memory_space<hbm>>) target_semaphore(%arg16 : memref<!tpu.dma_semaphore, #tpu.memory_space<semaphore_mem>>)
    %run_scoped3A_47 = arith.constant 1 : i32
    "tpu.region"() ({
      %run_scoped3A_278 = tpu.sem_alloc : memref<!tpu.dma_semaphore, #tpu.memory_space<semaphore_mem>>
      %dma_start3A_279 = arith.constant 0 : i32
      %dma_start3A_280 = tpu.memref_slice %arg8[%run_scoped3A_47, %dma_start3A_279] : memref<10x2000xi32, #tpu.memory_space<vmem>> -> memref<1x2000xi32, #tpu.memory_space<vmem>>
      %dma_start3A_281 = tpu.memref_squeeze %dma_start3A_280 : memref<1x2000xi32, #tpu.memory_space<vmem>> -> memref<2000xi32, #tpu.memory_space<vmem>>
      %dma_start3A_282 = arith.constant 0 : i32
      %dma_start3A_283 = tpu.memref_slice %arg12[%dma_start3A_282] : memref<10000xf32, #tpu.memory_space<vmem_shared>> -> memref<10000xf32, #tpu.memory_space<vmem_shared>>
      tpu.enqueue_indirect_dma source(%arg11 : memref<2000xf32, #tpu.memory_space<vmem>>) target(%dma_start3A_283 : memref<10000xf32, #tpu.memory_space<vmem_shared>>) offsets(%dma_start3A_281 : memref<2000xi32, #tpu.memory_space<vmem>>) semaphore(%run_scoped3A_278 : memref<!tpu.dma_semaphore, #tpu.memory_space<semaphore_mem>>) {add = true}
      %dma_wait3A_284 = arith.constant 0 : i32
      %dma_wait3A_285 = tpu.memref_slice %arg8[%run_scoped3A_47, %dma_wait3A_284] : memref<10x2000xi32, #tpu.memory_space<vmem>> -> memref<1x2000xi32, #tpu.memory_space<vmem>>
      %dma_wait3A_286 = tpu.memref_squeeze %dma_wait3A_285 : memref<1x2000xi32, #tpu.memory_space<vmem>> -> memref<2000xi32, #tpu.memory_space<vmem>>
      %dma_wait3A_287 = arith.constant 0 : i32
      %dma_wait3A_288 = tpu.memref_slice %arg12[%dma_wait3A_287] : memref<10000xf32, #tpu.memory_space<vmem_shared>> -> memref<10000xf32, #tpu.memory_space<vmem_shared>>
      tpu.wait_indirect_dma semaphore(%run_scoped3A_278 : memref<!tpu.dma_semaphore, #tpu.memory_space<semaphore_mem>>) src(%arg11 : memref<2000xf32, #tpu.memory_space<vmem>>) dst(%dma_wait3A_288 : memref<10000xf32, #tpu.memory_space<vmem_shared>>)
      tpu.yield
    }) : () -> ()
    %dma_wait3A_48 = arith.constant 0 : i32
    %dma_wait3A_49 = tpu.memref_slice %arg6[%add3A_20, %dma_wait3A_48] : memref<640000x16xf32, #tpu.memory_space<hbm>> -> memref<2000x16xf32, #tpu.memory_space<hbm>>
    %dma_wait3A_50 = arith.constant 0 : i32
    %dma_wait3A_51 = tpu.memref_slice %arg6[%add3A_20, %dma_wait3A_50] : memref<640000x16xf32, #tpu.memory_space<hbm>> -> memref<2000x16xf32, #tpu.memory_space<hbm>>
    tpu.wait_dma2 semaphore(%arg15 : memref<!tpu.dma_semaphore, #tpu.memory_space<semaphore_mem>>) src(%arg9 : memref<2000x16xf32, #tpu.memory_space<vmem>>) dst(%dma_wait3A_51 : memref<2000x16xf32, #tpu.memory_space<hbm>>)
    %dma_start3A_52 = arith.constant 2 : i32
    %dma_start3A_53 = arith.constant 0 : i32
    %dma_start3A_54 = tpu.memref_slice %arg8[%dma_start3A_52, %dma_start3A_53] : memref<10x2000xi32, #tpu.memory_space<vmem>> -> memref<1x2000xi32, #tpu.memory_space<vmem>>
    %dma_start3A_55 = tpu.memref_squeeze %dma_start3A_54 : memref<1x2000xi32, #tpu.memory_space<vmem>> -> memref<2000xi32, #tpu.memory_space<vmem>>
    %dma_start3A_56 = arith.constant 0 : i32
    %dma_start3A_57 = arith.constant 0 : i32
    %dma_start3A_58 = tpu.memref_slice %arg2[%dma_start3A_56, %dma_start3A_57] : memref<10000x16xf32, #tpu.memory_space<hbm>> -> memref<10000x16xf32, #tpu.memory_space<hbm>>
    tpu.enqueue_indirect_dma source(%dma_start3A_58 : memref<10000x16xf32, #tpu.memory_space<hbm>>) target(%arg9 : memref<2000x16xf32, #tpu.memory_space<vmem>>) offsets(%dma_start3A_55 : memref<2000xi32, #tpu.memory_space<vmem>>) semaphore(%arg13 : memref<!tpu.dma_semaphore, #tpu.memory_space<semaphore_mem>>)
    %dma_wait3A_59 = arith.constant 2 : i32
    %dma_wait3A_60 = arith.constant 0 : i32
    %dma_wait3A_61 = tpu.memref_slice %arg8[%dma_wait3A_59, %dma_wait3A_60] : memref<10x2000xi32, #tpu.memory_space<vmem>> -> memref<1x2000xi32, #tpu.memory_space<vmem>>
    %dma_wait3A_62 = tpu.memref_squeeze %dma_wait3A_61 : memref<1x2000xi32, #tpu.memory_space<vmem>> -> memref<2000xi32, #tpu.memory_space<vmem>>
    %dma_wait3A_63 = arith.constant 0 : i32
    %dma_wait3A_64 = arith.constant 0 : i32
    %dma_wait3A_65 = tpu.memref_slice %arg2[%dma_wait3A_63, %dma_wait3A_64] : memref<10000x16xf32, #tpu.memory_space<hbm>> -> memref<10000x16xf32, #tpu.memory_space<hbm>>
    tpu.wait_indirect_dma semaphore(%arg13 : memref<!tpu.dma_semaphore, #tpu.memory_space<semaphore_mem>>) src(%dma_wait3A_65 : memref<10000x16xf32, #tpu.memory_space<hbm>>) dst(%arg9 : memref<2000x16xf32, #tpu.memory_space<vmem>>)
    %mul3A_66 = arith.constant 20000 : i32
    %mul3A_67 = arith.muli %add3A, %mul3A_66 : i32
    %add3A_68 = arith.constant 4000 : i32
    %add3A_69 = arith.addi %mul3A_67, %add3A_68 : i32
    %dma_start3A_70 = arith.constant 0 : i32
    %dma_start3A_71 = tpu.memref_slice %arg6[%add3A_69, %dma_start3A_70] : memref<640000x16xf32, #tpu.memory_space<hbm>> -> memref<2000x16xf32, #tpu.memory_space<hbm>>
    %dma_start3A_72 = arith.constant 0 : i32
    %dma_start3A_73 = tpu.memref_slice %arg6[%add3A_69, %dma_start3A_72] : memref<640000x16xf32, #tpu.memory_space<hbm>> -> memref<2000x16xf32, #tpu.memory_space<hbm>>
    tpu.enqueue_dma source(%arg9 : memref<2000x16xf32, #tpu.memory_space<vmem>>) target(%dma_start3A_73 : memref<2000x16xf32, #tpu.memory_space<hbm>>) target_semaphore(%arg15 : memref<!tpu.dma_semaphore, #tpu.memory_space<semaphore_mem>>)
    %run_scoped3A_74 = arith.constant 2 : i32
    "tpu.region"() ({
      %run_scoped3A_278 = tpu.sem_alloc : memref<!tpu.dma_semaphore, #tpu.memory_space<semaphore_mem>>
      %dma_start3A_279 = arith.constant 0 : i32
      %dma_start3A_280 = tpu.memref_slice %arg8[%run_scoped3A_74, %dma_start3A_279] : memref<10x2000xi32, #tpu.memory_space<vmem>> -> memref<1x2000xi32, #tpu.memory_space<vmem>>
      %dma_start3A_281 = tpu.memref_squeeze %dma_start3A_280 : memref<1x2000xi32, #tpu.memory_space<vmem>> -> memref<2000xi32, #tpu.memory_space<vmem>>
      %dma_start3A_282 = arith.constant 0 : i32
      %dma_start3A_283 = tpu.memref_slice %arg12[%dma_start3A_282] : memref<10000xf32, #tpu.memory_space<vmem_shared>> -> memref<10000xf32, #tpu.memory_space<vmem_shared>>
      tpu.enqueue_indirect_dma source(%arg11 : memref<2000xf32, #tpu.memory_space<vmem>>) target(%dma_start3A_283 : memref<10000xf32, #tpu.memory_space<vmem_shared>>) offsets(%dma_start3A_281 : memref<2000xi32, #tpu.memory_space<vmem>>) semaphore(%run_scoped3A_278 : memref<!tpu.dma_semaphore, #tpu.memory_space<semaphore_mem>>) {add = true}
      %dma_wait3A_284 = arith.constant 0 : i32
      %dma_wait3A_285 = tpu.memref_slice %arg8[%run_scoped3A_74, %dma_wait3A_284] : memref<10x2000xi32, #tpu.memory_space<vmem>> -> memref<1x2000xi32, #tpu.memory_space<vmem>>
      %dma_wait3A_286 = tpu.memref_squeeze %dma_wait3A_285 : memref<1x2000xi32, #tpu.memory_space<vmem>> -> memref<2000xi32, #tpu.memory_space<vmem>>
      %dma_wait3A_287 = arith.constant 0 : i32
      %dma_wait3A_288 = tpu.memref_slice %arg12[%dma_wait3A_287] : memref<10000xf32, #tpu.memory_space<vmem_shared>> -> memref<10000xf32, #tpu.memory_space<vmem_shared>>
      tpu.wait_indirect_dma semaphore(%run_scoped3A_278 : memref<!tpu.dma_semaphore, #tpu.memory_space<semaphore_mem>>) src(%arg11 : memref<2000xf32, #tpu.memory_space<vmem>>) dst(%dma_wait3A_288 : memref<10000xf32, #tpu.memory_space<vmem_shared>>)
      tpu.yield
    }) : () -> ()
    %dma_wait3A_75 = arith.constant 0 : i32
    %dma_wait3A_76 = tpu.memref_slice %arg6[%add3A_42, %dma_wait3A_75] : memref<640000x16xf32, #tpu.memory_space<hbm>> -> memref<2000x16xf32, #tpu.memory_space<hbm>>
    %dma_wait3A_77 = arith.constant 0 : i32
    %dma_wait3A_78 = tpu.memref_slice %arg6[%add3A_42, %dma_wait3A_77] : memref<640000x16xf32, #tpu.memory_space<hbm>> -> memref<2000x16xf32, #tpu.memory_space<hbm>>
    tpu.wait_dma2 semaphore(%arg16 : memref<!tpu.dma_semaphore, #tpu.memory_space<semaphore_mem>>) src(%arg10 : memref<2000x16xf32, #tpu.memory_space<vmem>>) dst(%dma_wait3A_78 : memref<2000x16xf32, #tpu.memory_space<hbm>>)
    %dma_start3A_79 = arith.constant 3 : i32
    %dma_start3A_80 = arith.constant 0 : i32
    %dma_start3A_81 = tpu.memref_slice %arg8[%dma_start3A_79, %dma_start3A_80] : memref<10x2000xi32, #tpu.memory_space<vmem>> -> memref<1x2000xi32, #tpu.memory_space<vmem>>
    %dma_start3A_82 = tpu.memref_squeeze %dma_start3A_81 : memref<1x2000xi32, #tpu.memory_space<vmem>> -> memref<2000xi32, #tpu.memory_space<vmem>>
    %dma_start3A_83 = arith.constant 0 : i32
    %dma_start3A_84 = arith.constant 0 : i32
    %dma_start3A_85 = tpu.memref_slice %arg2[%dma_start3A_83, %dma_start3A_84] : memref<10000x16xf32, #tpu.memory_space<hbm>> -> memref<10000x16xf32, #tpu.memory_space<hbm>>
    tpu.enqueue_indirect_dma source(%dma_start3A_85 : memref<10000x16xf32, #tpu.memory_space<hbm>>) target(%arg10 : memref<2000x16xf32, #tpu.memory_space<vmem>>) offsets(%dma_start3A_82 : memref<2000xi32, #tpu.memory_space<vmem>>) semaphore(%arg14 : memref<!tpu.dma_semaphore, #tpu.memory_space<semaphore_mem>>)
    %dma_wait3A_86 = arith.constant 3 : i32
    %dma_wait3A_87 = arith.constant 0 : i32
    %dma_wait3A_88 = tpu.memref_slice %arg8[%dma_wait3A_86, %dma_wait3A_87] : memref<10x2000xi32, #tpu.memory_space<vmem>> -> memref<1x2000xi32, #tpu.memory_space<vmem>>
    %dma_wait3A_89 = tpu.memref_squeeze %dma_wait3A_88 : memref<1x2000xi32, #tpu.memory_space<vmem>> -> memref<2000xi32, #tpu.memory_space<vmem>>
    %dma_wait3A_90 = arith.constant 0 : i32
    %dma_wait3A_91 = arith.constant 0 : i32
    %dma_wait3A_92 = tpu.memref_slice %arg2[%dma_wait3A_90, %dma_wait3A_91] : memref<10000x16xf32, #tpu.memory_space<hbm>> -> memref<10000x16xf32, #tpu.memory_space<hbm>>
    tpu.wait_indirect_dma semaphore(%arg14 : memref<!tpu.dma_semaphore, #tpu.memory_space<semaphore_mem>>) src(%dma_wait3A_92 : memref<10000x16xf32, #tpu.memory_space<hbm>>) dst(%arg10 : memref<2000x16xf32, #tpu.memory_space<vmem>>)
    %mul3A_93 = arith.constant 20000 : i32
    %mul3A_94 = arith.muli %add3A, %mul3A_93 : i32
    %add3A_95 = arith.constant 6000 : i32
    %add3A_96 = arith.addi %mul3A_94, %add3A_95 : i32
    %dma_start3A_97 = arith.constant 0 : i32
    %dma_start3A_98 = tpu.memref_slice %arg6[%add3A_96, %dma_start3A_97] : memref<640000x16xf32, #tpu.memory_space<hbm>> -> memref<2000x16xf32, #tpu.memory_space<hbm>>
    %dma_start3A_99 = arith.constant 0 : i32
    %dma_start3A_100 = tpu.memref_slice %arg6[%add3A_96, %dma_start3A_99] : memref<640000x16xf32, #tpu.memory_space<hbm>> -> memref<2000x16xf32, #tpu.memory_space<hbm>>
    tpu.enqueue_dma source(%arg10 : memref<2000x16xf32, #tpu.memory_space<vmem>>) target(%dma_start3A_100 : memref<2000x16xf32, #tpu.memory_space<hbm>>) target_semaphore(%arg16 : memref<!tpu.dma_semaphore, #tpu.memory_space<semaphore_mem>>)
    %run_scoped3A_101 = arith.constant 3 : i32
    "tpu.region"() ({
      %run_scoped3A_278 = tpu.sem_alloc : memref<!tpu.dma_semaphore, #tpu.memory_space<semaphore_mem>>
      %dma_start3A_279 = arith.constant 0 : i32
      %dma_start3A_280 = tpu.memref_slice %arg8[%run_scoped3A_101, %dma_start3A_279] : memref<10x2000xi32, #tpu.memory_space<vmem>> -> memref<1x2000xi32, #tpu.memory_space<vmem>>
      %dma_start3A_281 = tpu.memref_squeeze %dma_start3A_280 : memref<1x2000xi32, #tpu.memory_space<vmem>> -> memref<2000xi32, #tpu.memory_space<vmem>>
      %dma_start3A_282 = arith.constant 0 : i32
      %dma_start3A_283 = tpu.memref_slice %arg12[%dma_start3A_282] : memref<10000xf32, #tpu.memory_space<vmem_shared>> -> memref<10000xf32, #tpu.memory_space<vmem_shared>>
      tpu.enqueue_indirect_dma source(%arg11 : memref<2000xf32, #tpu.memory_space<vmem>>) target(%dma_start3A_283 : memref<10000xf32, #tpu.memory_space<vmem_shared>>) offsets(%dma_start3A_281 : memref<2000xi32, #tpu.memory_space<vmem>>) semaphore(%run_scoped3A_278 : memref<!tpu.dma_semaphore, #tpu.memory_space<semaphore_mem>>) {add = true}
      %dma_wait3A_284 = arith.constant 0 : i32
      %dma_wait3A_285 = tpu.memref_slice %arg8[%run_scoped3A_101, %dma_wait3A_284] : memref<10x2000xi32, #tpu.memory_space<vmem>> -> memref<1x2000xi32, #tpu.memory_space<vmem>>
      %dma_wait3A_286 = tpu.memref_squeeze %dma_wait3A_285 : memref<1x2000xi32, #tpu.memory_space<vmem>> -> memref<2000xi32, #tpu.memory_space<vmem>>
      %dma_wait3A_287 = arith.constant 0 : i32
      %dma_wait3A_288 = tpu.memref_slice %arg12[%dma_wait3A_287] : memref<10000xf32, #tpu.memory_space<vmem_shared>> -> memref<10000xf32, #tpu.memory_space<vmem_shared>>
      tpu.wait_indirect_dma semaphore(%run_scoped3A_278 : memref<!tpu.dma_semaphore, #tpu.memory_space<semaphore_mem>>) src(%arg11 : memref<2000xf32, #tpu.memory_space<vmem>>) dst(%dma_wait3A_288 : memref<10000xf32, #tpu.memory_space<vmem_shared>>)
      tpu.yield
    }) : () -> ()
    %dma_wait3A_102 = arith.constant 0 : i32
    %dma_wait3A_103 = tpu.memref_slice %arg6[%add3A_69, %dma_wait3A_102] : memref<640000x16xf32, #tpu.memory_space<hbm>> -> memref<2000x16xf32, #tpu.memory_space<hbm>>
    %dma_wait3A_104 = arith.constant 0 : i32
    %dma_wait3A_105 = tpu.memref_slice %arg6[%add3A_69, %dma_wait3A_104] : memref<640000x16xf32, #tpu.memory_space<hbm>> -> memref<2000x16xf32, #tpu.memory_space<hbm>>
    tpu.wait_dma2 semaphore(%arg15 : memref<!tpu.dma_semaphore, #tpu.memory_space<semaphore_mem>>) src(%arg9 : memref<2000x16xf32, #tpu.memory_space<vmem>>) dst(%dma_wait3A_105 : memref<2000x16xf32, #tpu.memory_space<hbm>>)
    %dma_start3A_106 = arith.constant 4 : i32
    %dma_start3A_107 = arith.constant 0 : i32
    %dma_start3A_108 = tpu.memref_slice %arg8[%dma_start3A_106, %dma_start3A_107] : memref<10x2000xi32, #tpu.memory_space<vmem>> -> memref<1x2000xi32, #tpu.memory_space<vmem>>
    %dma_start3A_109 = tpu.memref_squeeze %dma_start3A_108 : memref<1x2000xi32, #tpu.memory_space<vmem>> -> memref<2000xi32, #tpu.memory_space<vmem>>
    %dma_start3A_110 = arith.constant 0 : i32
    %dma_start3A_111 = arith.constant 0 : i32
    %dma_start3A_112 = tpu.memref_slice %arg2[%dma_start3A_110, %dma_start3A_111] : memref<10000x16xf32, #tpu.memory_space<hbm>> -> memref<10000x16xf32, #tpu.memory_space<hbm>>
    tpu.enqueue_indirect_dma source(%dma_start3A_112 : memref<10000x16xf32, #tpu.memory_space<hbm>>) target(%arg9 : memref<2000x16xf32, #tpu.memory_space<vmem>>) offsets(%dma_start3A_109 : memref<2000xi32, #tpu.memory_space<vmem>>) semaphore(%arg13 : memref<!tpu.dma_semaphore, #tpu.memory_space<semaphore_mem>>)
    %dma_wait3A_113 = arith.constant 4 : i32
    %dma_wait3A_114 = arith.constant 0 : i32
    %dma_wait3A_115 = tpu.memref_slice %arg8[%dma_wait3A_113, %dma_wait3A_114] : memref<10x2000xi32, #tpu.memory_space<vmem>> -> memref<1x2000xi32, #tpu.memory_space<vmem>>
    %dma_wait3A_116 = tpu.memref_squeeze %dma_wait3A_115 : memref<1x2000xi32, #tpu.memory_space<vmem>> -> memref<2000xi32, #tpu.memory_space<vmem>>
    %dma_wait3A_117 = arith.constant 0 : i32
    %dma_wait3A_118 = arith.constant 0 : i32
    %dma_wait3A_119 = tpu.memref_slice %arg2[%dma_wait3A_117, %dma_wait3A_118] : memref<10000x16xf32, #tpu.memory_space<hbm>> -> memref<10000x16xf32, #tpu.memory_space<hbm>>
    tpu.wait_indirect_dma semaphore(%arg13 : memref<!tpu.dma_semaphore, #tpu.memory_space<semaphore_mem>>) src(%dma_wait3A_119 : memref<10000x16xf32, #tpu.memory_space<hbm>>) dst(%arg9 : memref<2000x16xf32, #tpu.memory_space<vmem>>)
    %mul3A_120 = arith.constant 20000 : i32
    %mul3A_121 = arith.muli %add3A, %mul3A_120 : i32
    %add3A_122 = arith.constant 8000 : i32
    %add3A_123 = arith.addi %mul3A_121, %add3A_122 : i32
    %dma_start3A_124 = arith.constant 0 : i32
    %dma_start3A_125 = tpu.memref_slice %arg6[%add3A_123, %dma_start3A_124] : memref<640000x16xf32, #tpu.memory_space<hbm>> -> memref<2000x16xf32, #tpu.memory_space<hbm>>
    %dma_start3A_126 = arith.constant 0 : i32
    %dma_start3A_127 = tpu.memref_slice %arg6[%add3A_123, %dma_start3A_126] : memref<640000x16xf32, #tpu.memory_space<hbm>> -> memref<2000x16xf32, #tpu.memory_space<hbm>>
    tpu.enqueue_dma source(%arg9 : memref<2000x16xf32, #tpu.memory_space<vmem>>) target(%dma_start3A_127 : memref<2000x16xf32, #tpu.memory_space<hbm>>) target_semaphore(%arg15 : memref<!tpu.dma_semaphore, #tpu.memory_space<semaphore_mem>>)
    %run_scoped3A_128 = arith.constant 4 : i32
    "tpu.region"() ({
      %run_scoped3A_278 = tpu.sem_alloc : memref<!tpu.dma_semaphore, #tpu.memory_space<semaphore_mem>>
      %dma_start3A_279 = arith.constant 0 : i32
      %dma_start3A_280 = tpu.memref_slice %arg8[%run_scoped3A_128, %dma_start3A_279] : memref<10x2000xi32, #tpu.memory_space<vmem>> -> memref<1x2000xi32, #tpu.memory_space<vmem>>
      %dma_start3A_281 = tpu.memref_squeeze %dma_start3A_280 : memref<1x2000xi32, #tpu.memory_space<vmem>> -> memref<2000xi32, #tpu.memory_space<vmem>>
      %dma_start3A_282 = arith.constant 0 : i32
      %dma_start3A_283 = tpu.memref_slice %arg12[%dma_start3A_282] : memref<10000xf32, #tpu.memory_space<vmem_shared>> -> memref<10000xf32, #tpu.memory_space<vmem_shared>>
      tpu.enqueue_indirect_dma source(%arg11 : memref<2000xf32, #tpu.memory_space<vmem>>) target(%dma_start3A_283 : memref<10000xf32, #tpu.memory_space<vmem_shared>>) offsets(%dma_start3A_281 : memref<2000xi32, #tpu.memory_space<vmem>>) semaphore(%run_scoped3A_278 : memref<!tpu.dma_semaphore, #tpu.memory_space<semaphore_mem>>) {add = true}
      %dma_wait3A_284 = arith.constant 0 : i32
      %dma_wait3A_285 = tpu.memref_slice %arg8[%run_scoped3A_128, %dma_wait3A_284] : memref<10x2000xi32, #tpu.memory_space<vmem>> -> memref<1x2000xi32, #tpu.memory_space<vmem>>
      %dma_wait3A_286 = tpu.memref_squeeze %dma_wait3A_285 : memref<1x2000xi32, #tpu.memory_space<vmem>> -> memref<2000xi32, #tpu.memory_space<vmem>>
      %dma_wait3A_287 = arith.constant 0 : i32
      %dma_wait3A_288 = tpu.memref_slice %arg12[%dma_wait3A_287] : memref<10000xf32, #tpu.memory_space<vmem_shared>> -> memref<10000xf32, #tpu.memory_space<vmem_shared>>
      tpu.wait_indirect_dma semaphore(%run_scoped3A_278 : memref<!tpu.dma_semaphore, #tpu.memory_space<semaphore_mem>>) src(%arg11 : memref<2000xf32, #tpu.memory_space<vmem>>) dst(%dma_wait3A_288 : memref<10000xf32, #tpu.memory_space<vmem_shared>>)
      tpu.yield
    }) : () -> ()
    %dma_wait3A_129 = arith.constant 0 : i32
    %dma_wait3A_130 = tpu.memref_slice %arg6[%add3A_96, %dma_wait3A_129] : memref<640000x16xf32, #tpu.memory_space<hbm>> -> memref<2000x16xf32, #tpu.memory_space<hbm>>
    %dma_wait3A_131 = arith.constant 0 : i32
    %dma_wait3A_132 = tpu.memref_slice %arg6[%add3A_96, %dma_wait3A_131] : memref<640000x16xf32, #tpu.memory_space<hbm>> -> memref<2000x16xf32, #tpu.memory_space<hbm>>
    tpu.wait_dma2 semaphore(%arg16 : memref<!tpu.dma_semaphore, #tpu.memory_space<semaphore_mem>>) src(%arg10 : memref<2000x16xf32, #tpu.memory_space<vmem>>) dst(%dma_wait3A_132 : memref<2000x16xf32, #tpu.memory_space<hbm>>)
    %dma_start3A_133 = arith.constant 5 : i32
    %dma_start3A_134 = arith.constant 0 : i32
    %dma_start3A_135 = tpu.memref_slice %arg8[%dma_start3A_133, %dma_start3A_134] : memref<10x2000xi32, #tpu.memory_space<vmem>> -> memref<1x2000xi32, #tpu.memory_space<vmem>>
    %dma_start3A_136 = tpu.memref_squeeze %dma_start3A_135 : memref<1x2000xi32, #tpu.memory_space<vmem>> -> memref<2000xi32, #tpu.memory_space<vmem>>
    %dma_start3A_137 = arith.constant 0 : i32
    %dma_start3A_138 = arith.constant 0 : i32
    %dma_start3A_139 = tpu.memref_slice %arg2[%dma_start3A_137, %dma_start3A_138] : memref<10000x16xf32, #tpu.memory_space<hbm>> -> memref<10000x16xf32, #tpu.memory_space<hbm>>
    tpu.enqueue_indirect_dma source(%dma_start3A_139 : memref<10000x16xf32, #tpu.memory_space<hbm>>) target(%arg10 : memref<2000x16xf32, #tpu.memory_space<vmem>>) offsets(%dma_start3A_136 : memref<2000xi32, #tpu.memory_space<vmem>>) semaphore(%arg14 : memref<!tpu.dma_semaphore, #tpu.memory_space<semaphore_mem>>)
    %dma_wait3A_140 = arith.constant 5 : i32
    %dma_wait3A_141 = arith.constant 0 : i32
    %dma_wait3A_142 = tpu.memref_slice %arg8[%dma_wait3A_140, %dma_wait3A_141] : memref<10x2000xi32, #tpu.memory_space<vmem>> -> memref<1x2000xi32, #tpu.memory_space<vmem>>
    %dma_wait3A_143 = tpu.memref_squeeze %dma_wait3A_142 : memref<1x2000xi32, #tpu.memory_space<vmem>> -> memref<2000xi32, #tpu.memory_space<vmem>>
    %dma_wait3A_144 = arith.constant 0 : i32
    %dma_wait3A_145 = arith.constant 0 : i32
    %dma_wait3A_146 = tpu.memref_slice %arg2[%dma_wait3A_144, %dma_wait3A_145] : memref<10000x16xf32, #tpu.memory_space<hbm>> -> memref<10000x16xf32, #tpu.memory_space<hbm>>
    tpu.wait_indirect_dma semaphore(%arg14 : memref<!tpu.dma_semaphore, #tpu.memory_space<semaphore_mem>>) src(%dma_wait3A_146 : memref<10000x16xf32, #tpu.memory_space<hbm>>) dst(%arg10 : memref<2000x16xf32, #tpu.memory_space<vmem>>)
    %mul3A_147 = arith.constant 20000 : i32
    %mul3A_148 = arith.muli %add3A, %mul3A_147 : i32
    %add3A_149 = arith.constant 10000 : i32
    %add3A_150 = arith.addi %mul3A_148, %add3A_149 : i32
    %dma_start3A_151 = arith.constant 0 : i32
    %dma_start3A_152 = tpu.memref_slice %arg6[%add3A_150, %dma_start3A_151] : memref<640000x16xf32, #tpu.memory_space<hbm>> -> memref<2000x16xf32, #tpu.memory_space<hbm>>
    %dma_start3A_153 = arith.constant 0 : i32
    %dma_start3A_154 = tpu.memref_slice %arg6[%add3A_150, %dma_start3A_153] : memref<640000x16xf32, #tpu.memory_space<hbm>> -> memref<2000x16xf32, #tpu.memory_space<hbm>>
    tpu.enqueue_dma source(%arg10 : memref<2000x16xf32, #tpu.memory_space<vmem>>) target(%dma_start3A_154 : memref<2000x16xf32, #tpu.memory_space<hbm>>) target_semaphore(%arg16 : memref<!tpu.dma_semaphore, #tpu.memory_space<semaphore_mem>>)
    %run_scoped3A_155 = arith.constant 5 : i32
    "tpu.region"() ({
      %run_scoped3A_278 = tpu.sem_alloc : memref<!tpu.dma_semaphore, #tpu.memory_space<semaphore_mem>>
      %dma_start3A_279 = arith.constant 0 : i32
      %dma_start3A_280 = tpu.memref_slice %arg8[%run_scoped3A_155, %dma_start3A_279] : memref<10x2000xi32, #tpu.memory_space<vmem>> -> memref<1x2000xi32, #tpu.memory_space<vmem>>
      %dma_start3A_281 = tpu.memref_squeeze %dma_start3A_280 : memref<1x2000xi32, #tpu.memory_space<vmem>> -> memref<2000xi32, #tpu.memory_space<vmem>>
      %dma_start3A_282 = arith.constant 0 : i32
      %dma_start3A_283 = tpu.memref_slice %arg12[%dma_start3A_282] : memref<10000xf32, #tpu.memory_space<vmem_shared>> -> memref<10000xf32, #tpu.memory_space<vmem_shared>>
      tpu.enqueue_indirect_dma source(%arg11 : memref<2000xf32, #tpu.memory_space<vmem>>) target(%dma_start3A_283 : memref<10000xf32, #tpu.memory_space<vmem_shared>>) offsets(%dma_start3A_281 : memref<2000xi32, #tpu.memory_space<vmem>>) semaphore(%run_scoped3A_278 : memref<!tpu.dma_semaphore, #tpu.memory_space<semaphore_mem>>) {add = true}
      %dma_wait3A_284 = arith.constant 0 : i32
      %dma_wait3A_285 = tpu.memref_slice %arg8[%run_scoped3A_155, %dma_wait3A_284] : memref<10x2000xi32, #tpu.memory_space<vmem>> -> memref<1x2000xi32, #tpu.memory_space<vmem>>
      %dma_wait3A_286 = tpu.memref_squeeze %dma_wait3A_285 : memref<1x2000xi32, #tpu.memory_space<vmem>> -> memref<2000xi32, #tpu.memory_space<vmem>>
      %dma_wait3A_287 = arith.constant 0 : i32
      %dma_wait3A_288 = tpu.memref_slice %arg12[%dma_wait3A_287] : memref<10000xf32, #tpu.memory_space<vmem_shared>> -> memref<10000xf32, #tpu.memory_space<vmem_shared>>
      tpu.wait_indirect_dma semaphore(%run_scoped3A_278 : memref<!tpu.dma_semaphore, #tpu.memory_space<semaphore_mem>>) src(%arg11 : memref<2000xf32, #tpu.memory_space<vmem>>) dst(%dma_wait3A_288 : memref<10000xf32, #tpu.memory_space<vmem_shared>>)
      tpu.yield
    }) : () -> ()
    %dma_wait3A_156 = arith.constant 0 : i32
    %dma_wait3A_157 = tpu.memref_slice %arg6[%add3A_123, %dma_wait3A_156] : memref<640000x16xf32, #tpu.memory_space<hbm>> -> memref<2000x16xf32, #tpu.memory_space<hbm>>
    %dma_wait3A_158 = arith.constant 0 : i32
    %dma_wait3A_159 = tpu.memref_slice %arg6[%add3A_123, %dma_wait3A_158] : memref<640000x16xf32, #tpu.memory_space<hbm>> -> memref<2000x16xf32, #tpu.memory_space<hbm>>
    tpu.wait_dma2 semaphore(%arg15 : memref<!tpu.dma_semaphore, #tpu.memory_space<semaphore_mem>>) src(%arg9 : memref<2000x16xf32, #tpu.memory_space<vmem>>) dst(%dma_wait3A_159 : memref<2000x16xf32, #tpu.memory_space<hbm>>)
    %dma_start3A_160 = arith.constant 6 : i32
    %dma_start3A_161 = arith.constant 0 : i32
    %dma_start3A_162 = tpu.memref_slice %arg8[%dma_start3A_160, %dma_start3A_161] : memref<10x2000xi32, #tpu.memory_space<vmem>> -> memref<1x2000xi32, #tpu.memory_space<vmem>>
    %dma_start3A_163 = tpu.memref_squeeze %dma_start3A_162 : memref<1x2000xi32, #tpu.memory_space<vmem>> -> memref<2000xi32, #tpu.memory_space<vmem>>
    %dma_start3A_164 = arith.constant 0 : i32
    %dma_start3A_165 = arith.constant 0 : i32
    %dma_start3A_166 = tpu.memref_slice %arg2[%dma_start3A_164, %dma_start3A_165] : memref<10000x16xf32, #tpu.memory_space<hbm>> -> memref<10000x16xf32, #tpu.memory_space<hbm>>
    tpu.enqueue_indirect_dma source(%dma_start3A_166 : memref<10000x16xf32, #tpu.memory_space<hbm>>) target(%arg9 : memref<2000x16xf32, #tpu.memory_space<vmem>>) offsets(%dma_start3A_163 : memref<2000xi32, #tpu.memory_space<vmem>>) semaphore(%arg13 : memref<!tpu.dma_semaphore, #tpu.memory_space<semaphore_mem>>)
    %dma_wait3A_167 = arith.constant 6 : i32
    %dma_wait3A_168 = arith.constant 0 : i32
    %dma_wait3A_169 = tpu.memref_slice %arg8[%dma_wait3A_167, %dma_wait3A_168] : memref<10x2000xi32, #tpu.memory_space<vmem>> -> memref<1x2000xi32, #tpu.memory_space<vmem>>
    %dma_wait3A_170 = tpu.memref_squeeze %dma_wait3A_169 : memref<1x2000xi32, #tpu.memory_space<vmem>> -> memref<2000xi32, #tpu.memory_space<vmem>>
    %dma_wait3A_171 = arith.constant 0 : i32
    %dma_wait3A_172 = arith.constant 0 : i32
    %dma_wait3A_173 = tpu.memref_slice %arg2[%dma_wait3A_171, %dma_wait3A_172] : memref<10000x16xf32, #tpu.memory_space<hbm>> -> memref<10000x16xf32, #tpu.memory_space<hbm>>
    tpu.wait_indirect_dma semaphore(%arg13 : memref<!tpu.dma_semaphore, #tpu.memory_space<semaphore_mem>>) src(%dma_wait3A_173 : memref<10000x16xf32, #tpu.memory_space<hbm>>) dst(%arg9 : memref<2000x16xf32, #tpu.memory_space<vmem>>)
    %mul3A_174 = arith.constant 20000 : i32
    %mul3A_175 = arith.muli %add3A, %mul3A_174 : i32
    %add3A_176 = arith.constant 12000 : i32
    %add3A_177 = arith.addi %mul3A_175, %add3A_176 : i32
    %dma_start3A_178 = arith.constant 0 : i32
    %dma_start3A_179 = tpu.memref_slice %arg6[%add3A_177, %dma_start3A_178] : memref<640000x16xf32, #tpu.memory_space<hbm>> -> memref<2000x16xf32, #tpu.memory_space<hbm>>
    %dma_start3A_180 = arith.constant 0 : i32
    %dma_start3A_181 = tpu.memref_slice %arg6[%add3A_177, %dma_start3A_180] : memref<640000x16xf32, #tpu.memory_space<hbm>> -> memref<2000x16xf32, #tpu.memory_space<hbm>>
    tpu.enqueue_dma source(%arg9 : memref<2000x16xf32, #tpu.memory_space<vmem>>) target(%dma_start3A_181 : memref<2000x16xf32, #tpu.memory_space<hbm>>) target_semaphore(%arg15 : memref<!tpu.dma_semaphore, #tpu.memory_space<semaphore_mem>>)
    %run_scoped3A_182 = arith.constant 6 : i32
    "tpu.region"() ({
      %run_scoped3A_278 = tpu.sem_alloc : memref<!tpu.dma_semaphore, #tpu.memory_space<semaphore_mem>>
      %dma_start3A_279 = arith.constant 0 : i32
      %dma_start3A_280 = tpu.memref_slice %arg8[%run_scoped3A_182, %dma_start3A_279] : memref<10x2000xi32, #tpu.memory_space<vmem>> -> memref<1x2000xi32, #tpu.memory_space<vmem>>
      %dma_start3A_281 = tpu.memref_squeeze %dma_start3A_280 : memref<1x2000xi32, #tpu.memory_space<vmem>> -> memref<2000xi32, #tpu.memory_space<vmem>>
      %dma_start3A_282 = arith.constant 0 : i32
      %dma_start3A_283 = tpu.memref_slice %arg12[%dma_start3A_282] : memref<10000xf32, #tpu.memory_space<vmem_shared>> -> memref<10000xf32, #tpu.memory_space<vmem_shared>>
      tpu.enqueue_indirect_dma source(%arg11 : memref<2000xf32, #tpu.memory_space<vmem>>) target(%dma_start3A_283 : memref<10000xf32, #tpu.memory_space<vmem_shared>>) offsets(%dma_start3A_281 : memref<2000xi32, #tpu.memory_space<vmem>>) semaphore(%run_scoped3A_278 : memref<!tpu.dma_semaphore, #tpu.memory_space<semaphore_mem>>) {add = true}
      %dma_wait3A_284 = arith.constant 0 : i32
      %dma_wait3A_285 = tpu.memref_slice %arg8[%run_scoped3A_182, %dma_wait3A_284] : memref<10x2000xi32, #tpu.memory_space<vmem>> -> memref<1x2000xi32, #tpu.memory_space<vmem>>
      %dma_wait3A_286 = tpu.memref_squeeze %dma_wait3A_285 : memref<1x2000xi32, #tpu.memory_space<vmem>> -> memref<2000xi32, #tpu.memory_space<vmem>>
      %dma_wait3A_287 = arith.constant 0 : i32
      %dma_wait3A_288 = tpu.memref_slice %arg12[%dma_wait3A_287] : memref<10000xf32, #tpu.memory_space<vmem_shared>> -> memref<10000xf32, #tpu.memory_space<vmem_shared>>
      tpu.wait_indirect_dma semaphore(%run_scoped3A_278 : memref<!tpu.dma_semaphore, #tpu.memory_space<semaphore_mem>>) src(%arg11 : memref<2000xf32, #tpu.memory_space<vmem>>) dst(%dma_wait3A_288 : memref<10000xf32, #tpu.memory_space<vmem_shared>>)
      tpu.yield
    }) : () -> ()
    %dma_wait3A_183 = arith.constant 0 : i32
    %dma_wait3A_184 = tpu.memref_slice %arg6[%add3A_150, %dma_wait3A_183] : memref<640000x16xf32, #tpu.memory_space<hbm>> -> memref<2000x16xf32, #tpu.memory_space<hbm>>
    %dma_wait3A_185 = arith.constant 0 : i32
    %dma_wait3A_186 = tpu.memref_slice %arg6[%add3A_150, %dma_wait3A_185] : memref<640000x16xf32, #tpu.memory_space<hbm>> -> memref<2000x16xf32, #tpu.memory_space<hbm>>
    tpu.wait_dma2 semaphore(%arg16 : memref<!tpu.dma_semaphore, #tpu.memory_space<semaphore_mem>>) src(%arg10 : memref<2000x16xf32, #tpu.memory_space<vmem>>) dst(%dma_wait3A_186 : memref<2000x16xf32, #tpu.memory_space<hbm>>)
    %dma_start3A_187 = arith.constant 7 : i32
    %dma_start3A_188 = arith.constant 0 : i32
    %dma_start3A_189 = tpu.memref_slice %arg8[%dma_start3A_187, %dma_start3A_188] : memref<10x2000xi32, #tpu.memory_space<vmem>> -> memref<1x2000xi32, #tpu.memory_space<vmem>>
    %dma_start3A_190 = tpu.memref_squeeze %dma_start3A_189 : memref<1x2000xi32, #tpu.memory_space<vmem>> -> memref<2000xi32, #tpu.memory_space<vmem>>
    %dma_start3A_191 = arith.constant 0 : i32
    %dma_start3A_192 = arith.constant 0 : i32
    %dma_start3A_193 = tpu.memref_slice %arg2[%dma_start3A_191, %dma_start3A_192] : memref<10000x16xf32, #tpu.memory_space<hbm>> -> memref<10000x16xf32, #tpu.memory_space<hbm>>
    tpu.enqueue_indirect_dma source(%dma_start3A_193 : memref<10000x16xf32, #tpu.memory_space<hbm>>) target(%arg10 : memref<2000x16xf32, #tpu.memory_space<vmem>>) offsets(%dma_start3A_190 : memref<2000xi32, #tpu.memory_space<vmem>>) semaphore(%arg14 : memref<!tpu.dma_semaphore, #tpu.memory_space<semaphore_mem>>)
    %dma_wait3A_194 = arith.constant 7 : i32
    %dma_wait3A_195 = arith.constant 0 : i32
    %dma_wait3A_196 = tpu.memref_slice %arg8[%dma_wait3A_194, %dma_wait3A_195] : memref<10x2000xi32, #tpu.memory_space<vmem>> -> memref<1x2000xi32, #tpu.memory_space<vmem>>
    %dma_wait3A_197 = tpu.memref_squeeze %dma_wait3A_196 : memref<1x2000xi32, #tpu.memory_space<vmem>> -> memref<2000xi32, #tpu.memory_space<vmem>>
    %dma_wait3A_198 = arith.constant 0 : i32
    %dma_wait3A_199 = arith.constant 0 : i32
    %dma_wait3A_200 = tpu.memref_slice %arg2[%dma_wait3A_198, %dma_wait3A_199] : memref<10000x16xf32, #tpu.memory_space<hbm>> -> memref<10000x16xf32, #tpu.memory_space<hbm>>
    tpu.wait_indirect_dma semaphore(%arg14 : memref<!tpu.dma_semaphore, #tpu.memory_space<semaphore_mem>>) src(%dma_wait3A_200 : memref<10000x16xf32, #tpu.memory_space<hbm>>) dst(%arg10 : memref<2000x16xf32, #tpu.memory_space<vmem>>)
    %mul3A_201 = arith.constant 20000 : i32
    %mul3A_202 = arith.muli %add3A, %mul3A_201 : i32
    %add3A_203 = arith.constant 14000 : i32
    %add3A_204 = arith.addi %mul3A_202, %add3A_203 : i32
    %dma_start3A_205 = arith.constant 0 : i32
    %dma_start3A_206 = tpu.memref_slice %arg6[%add3A_204, %dma_start3A_205] : memref<640000x16xf32, #tpu.memory_space<hbm>> -> memref<2000x16xf32, #tpu.memory_space<hbm>>
    %dma_start3A_207 = arith.constant 0 : i32
    %dma_start3A_208 = tpu.memref_slice %arg6[%add3A_204, %dma_start3A_207] : memref<640000x16xf32, #tpu.memory_space<hbm>> -> memref<2000x16xf32, #tpu.memory_space<hbm>>
    tpu.enqueue_dma source(%arg10 : memref<2000x16xf32, #tpu.memory_space<vmem>>) target(%dma_start3A_208 : memref<2000x16xf32, #tpu.memory_space<hbm>>) target_semaphore(%arg16 : memref<!tpu.dma_semaphore, #tpu.memory_space<semaphore_mem>>)
    %run_scoped3A_209 = arith.constant 7 : i32
    "tpu.region"() ({
      %run_scoped3A_278 = tpu.sem_alloc : memref<!tpu.dma_semaphore, #tpu.memory_space<semaphore_mem>>
      %dma_start3A_279 = arith.constant 0 : i32
      %dma_start3A_280 = tpu.memref_slice %arg8[%run_scoped3A_209, %dma_start3A_279] : memref<10x2000xi32, #tpu.memory_space<vmem>> -> memref<1x2000xi32, #tpu.memory_space<vmem>>
      %dma_start3A_281 = tpu.memref_squeeze %dma_start3A_280 : memref<1x2000xi32, #tpu.memory_space<vmem>> -> memref<2000xi32, #tpu.memory_space<vmem>>
      %dma_start3A_282 = arith.constant 0 : i32
      %dma_start3A_283 = tpu.memref_slice %arg12[%dma_start3A_282] : memref<10000xf32, #tpu.memory_space<vmem_shared>> -> memref<10000xf32, #tpu.memory_space<vmem_shared>>
      tpu.enqueue_indirect_dma source(%arg11 : memref<2000xf32, #tpu.memory_space<vmem>>) target(%dma_start3A_283 : memref<10000xf32, #tpu.memory_space<vmem_shared>>) offsets(%dma_start3A_281 : memref<2000xi32, #tpu.memory_space<vmem>>) semaphore(%run_scoped3A_278 : memref<!tpu.dma_semaphore, #tpu.memory_space<semaphore_mem>>) {add = true}
      %dma_wait3A_284 = arith.constant 0 : i32
      %dma_wait3A_285 = tpu.memref_slice %arg8[%run_scoped3A_209, %dma_wait3A_284] : memref<10x2000xi32, #tpu.memory_space<vmem>> -> memref<1x2000xi32, #tpu.memory_space<vmem>>
      %dma_wait3A_286 = tpu.memref_squeeze %dma_wait3A_285 : memref<1x2000xi32, #tpu.memory_space<vmem>> -> memref<2000xi32, #tpu.memory_space<vmem>>
      %dma_wait3A_287 = arith.constant 0 : i32
      %dma_wait3A_288 = tpu.memref_slice %arg12[%dma_wait3A_287] : memref<10000xf32, #tpu.memory_space<vmem_shared>> -> memref<10000xf32, #tpu.memory_space<vmem_shared>>
      tpu.wait_indirect_dma semaphore(%run_scoped3A_278 : memref<!tpu.dma_semaphore, #tpu.memory_space<semaphore_mem>>) src(%arg11 : memref<2000xf32, #tpu.memory_space<vmem>>) dst(%dma_wait3A_288 : memref<10000xf32, #tpu.memory_space<vmem_shared>>)
      tpu.yield
    }) : () -> ()
    %dma_wait3A_210 = arith.constant 0 : i32
    %dma_wait3A_211 = tpu.memref_slice %arg6[%add3A_177, %dma_wait3A_210] : memref<640000x16xf32, #tpu.memory_space<hbm>> -> memref<2000x16xf32, #tpu.memory_space<hbm>>
    %dma_wait3A_212 = arith.constant 0 : i32
    %dma_wait3A_213 = tpu.memref_slice %arg6[%add3A_177, %dma_wait3A_212] : memref<640000x16xf32, #tpu.memory_space<hbm>> -> memref<2000x16xf32, #tpu.memory_space<hbm>>
    tpu.wait_dma2 semaphore(%arg15 : memref<!tpu.dma_semaphore, #tpu.memory_space<semaphore_mem>>) src(%arg9 : memref<2000x16xf32, #tpu.memory_space<vmem>>) dst(%dma_wait3A_213 : memref<2000x16xf32, #tpu.memory_space<hbm>>)
    %dma_start3A_214 = arith.constant 8 : i32
    %dma_start3A_215 = arith.constant 0 : i32
    %dma_start3A_216 = tpu.memref_slice %arg8[%dma_start3A_214, %dma_start3A_215] : memref<10x2000xi32, #tpu.memory_space<vmem>> -> memref<1x2000xi32, #tpu.memory_space<vmem>>
    %dma_start3A_217 = tpu.memref_squeeze %dma_start3A_216 : memref<1x2000xi32, #tpu.memory_space<vmem>> -> memref<2000xi32, #tpu.memory_space<vmem>>
    %dma_start3A_218 = arith.constant 0 : i32
    %dma_start3A_219 = arith.constant 0 : i32
    %dma_start3A_220 = tpu.memref_slice %arg2[%dma_start3A_218, %dma_start3A_219] : memref<10000x16xf32, #tpu.memory_space<hbm>> -> memref<10000x16xf32, #tpu.memory_space<hbm>>
    tpu.enqueue_indirect_dma source(%dma_start3A_220 : memref<10000x16xf32, #tpu.memory_space<hbm>>) target(%arg9 : memref<2000x16xf32, #tpu.memory_space<vmem>>) offsets(%dma_start3A_217 : memref<2000xi32, #tpu.memory_space<vmem>>) semaphore(%arg13 : memref<!tpu.dma_semaphore, #tpu.memory_space<semaphore_mem>>)
    %dma_wait3A_221 = arith.constant 8 : i32
    %dma_wait3A_222 = arith.constant 0 : i32
    %dma_wait3A_223 = tpu.memref_slice %arg8[%dma_wait3A_221, %dma_wait3A_222] : memref<10x2000xi32, #tpu.memory_space<vmem>> -> memref<1x2000xi32, #tpu.memory_space<vmem>>
    %dma_wait3A_224 = tpu.memref_squeeze %dma_wait3A_223 : memref<1x2000xi32, #tpu.memory_space<vmem>> -> memref<2000xi32, #tpu.memory_space<vmem>>
    %dma_wait3A_225 = arith.constant 0 : i32
    %dma_wait3A_226 = arith.constant 0 : i32
    %dma_wait3A_227 = tpu.memref_slice %arg2[%dma_wait3A_225, %dma_wait3A_226] : memref<10000x16xf32, #tpu.memory_space<hbm>> -> memref<10000x16xf32, #tpu.memory_space<hbm>>
    tpu.wait_indirect_dma semaphore(%arg13 : memref<!tpu.dma_semaphore, #tpu.memory_space<semaphore_mem>>) src(%dma_wait3A_227 : memref<10000x16xf32, #tpu.memory_space<hbm>>) dst(%arg9 : memref<2000x16xf32, #tpu.memory_space<vmem>>)
    %mul3A_228 = arith.constant 20000 : i32
    %mul3A_229 = arith.muli %add3A, %mul3A_228 : i32
    %add3A_230 = arith.constant 16000 : i32
    %add3A_231 = arith.addi %mul3A_229, %add3A_230 : i32
    %dma_start3A_232 = arith.constant 0 : i32
    %dma_start3A_233 = tpu.memref_slice %arg6[%add3A_231, %dma_start3A_232] : memref<640000x16xf32, #tpu.memory_space<hbm>> -> memref<2000x16xf32, #tpu.memory_space<hbm>>
    %dma_start3A_234 = arith.constant 0 : i32
    %dma_start3A_235 = tpu.memref_slice %arg6[%add3A_231, %dma_start3A_234] : memref<640000x16xf32, #tpu.memory_space<hbm>> -> memref<2000x16xf32, #tpu.memory_space<hbm>>
    tpu.enqueue_dma source(%arg9 : memref<2000x16xf32, #tpu.memory_space<vmem>>) target(%dma_start3A_235 : memref<2000x16xf32, #tpu.memory_space<hbm>>) target_semaphore(%arg15 : memref<!tpu.dma_semaphore, #tpu.memory_space<semaphore_mem>>)
    %run_scoped3A_236 = arith.constant 8 : i32
    "tpu.region"() ({
      %run_scoped3A_278 = tpu.sem_alloc : memref<!tpu.dma_semaphore, #tpu.memory_space<semaphore_mem>>
      %dma_start3A_279 = arith.constant 0 : i32
      %dma_start3A_280 = tpu.memref_slice %arg8[%run_scoped3A_236, %dma_start3A_279] : memref<10x2000xi32, #tpu.memory_space<vmem>> -> memref<1x2000xi32, #tpu.memory_space<vmem>>
      %dma_start3A_281 = tpu.memref_squeeze %dma_start3A_280 : memref<1x2000xi32, #tpu.memory_space<vmem>> -> memref<2000xi32, #tpu.memory_space<vmem>>
      %dma_start3A_282 = arith.constant 0 : i32
      %dma_start3A_283 = tpu.memref_slice %arg12[%dma_start3A_282] : memref<10000xf32, #tpu.memory_space<vmem_shared>> -> memref<10000xf32, #tpu.memory_space<vmem_shared>>
      tpu.enqueue_indirect_dma source(%arg11 : memref<2000xf32, #tpu.memory_space<vmem>>) target(%dma_start3A_283 : memref<10000xf32, #tpu.memory_space<vmem_shared>>) offsets(%dma_start3A_281 : memref<2000xi32, #tpu.memory_space<vmem>>) semaphore(%run_scoped3A_278 : memref<!tpu.dma_semaphore, #tpu.memory_space<semaphore_mem>>) {add = true}
      %dma_wait3A_284 = arith.constant 0 : i32
      %dma_wait3A_285 = tpu.memref_slice %arg8[%run_scoped3A_236, %dma_wait3A_284] : memref<10x2000xi32, #tpu.memory_space<vmem>> -> memref<1x2000xi32, #tpu.memory_space<vmem>>
      %dma_wait3A_286 = tpu.memref_squeeze %dma_wait3A_285 : memref<1x2000xi32, #tpu.memory_space<vmem>> -> memref<2000xi32, #tpu.memory_space<vmem>>
      %dma_wait3A_287 = arith.constant 0 : i32
      %dma_wait3A_288 = tpu.memref_slice %arg12[%dma_wait3A_287] : memref<10000xf32, #tpu.memory_space<vmem_shared>> -> memref<10000xf32, #tpu.memory_space<vmem_shared>>
      tpu.wait_indirect_dma semaphore(%run_scoped3A_278 : memref<!tpu.dma_semaphore, #tpu.memory_space<semaphore_mem>>) src(%arg11 : memref<2000xf32, #tpu.memory_space<vmem>>) dst(%dma_wait3A_288 : memref<10000xf32, #tpu.memory_space<vmem_shared>>)
      tpu.yield
    }) : () -> ()
    %dma_wait3A_237 = arith.constant 0 : i32
    %dma_wait3A_238 = tpu.memref_slice %arg6[%add3A_204, %dma_wait3A_237] : memref<640000x16xf32, #tpu.memory_space<hbm>> -> memref<2000x16xf32, #tpu.memory_space<hbm>>
    %dma_wait3A_239 = arith.constant 0 : i32
    %dma_wait3A_240 = tpu.memref_slice %arg6[%add3A_204, %dma_wait3A_239] : memref<640000x16xf32, #tpu.memory_space<hbm>> -> memref<2000x16xf32, #tpu.memory_space<hbm>>
    tpu.wait_dma2 semaphore(%arg16 : memref<!tpu.dma_semaphore, #tpu.memory_space<semaphore_mem>>) src(%arg10 : memref<2000x16xf32, #tpu.memory_space<vmem>>) dst(%dma_wait3A_240 : memref<2000x16xf32, #tpu.memory_space<hbm>>)
    %dma_start3A_241 = arith.constant 9 : i32
    %dma_start3A_242 = arith.constant 0 : i32
    %dma_start3A_243 = tpu.memref_slice %arg8[%dma_start3A_241, %dma_start3A_242] : memref<10x2000xi32, #tpu.memory_space<vmem>> -> memref<1x2000xi32, #tpu.memory_space<vmem>>
    %dma_start3A_244 = tpu.memref_squeeze %dma_start3A_243 : memref<1x2000xi32, #tpu.memory_space<vmem>> -> memref<2000xi32, #tpu.memory_space<vmem>>
    %dma_start3A_245 = arith.constant 0 : i32
    %dma_start3A_246 = arith.constant 0 : i32
    %dma_start3A_247 = tpu.memref_slice %arg2[%dma_start3A_245, %dma_start3A_246] : memref<10000x16xf32, #tpu.memory_space<hbm>> -> memref<10000x16xf32, #tpu.memory_space<hbm>>
    tpu.enqueue_indirect_dma source(%dma_start3A_247 : memref<10000x16xf32, #tpu.memory_space<hbm>>) target(%arg10 : memref<2000x16xf32, #tpu.memory_space<vmem>>) offsets(%dma_start3A_244 : memref<2000xi32, #tpu.memory_space<vmem>>) semaphore(%arg14 : memref<!tpu.dma_semaphore, #tpu.memory_space<semaphore_mem>>)
    %dma_wait3A_248 = arith.constant 9 : i32
    %dma_wait3A_249 = arith.constant 0 : i32
    %dma_wait3A_250 = tpu.memref_slice %arg8[%dma_wait3A_248, %dma_wait3A_249] : memref<10x2000xi32, #tpu.memory_space<vmem>> -> memref<1x2000xi32, #tpu.memory_space<vmem>>
    %dma_wait3A_251 = tpu.memref_squeeze %dma_wait3A_250 : memref<1x2000xi32, #tpu.memory_space<vmem>> -> memref<2000xi32, #tpu.memory_space<vmem>>
    %dma_wait3A_252 = arith.constant 0 : i32
    %dma_wait3A_253 = arith.constant 0 : i32
    %dma_wait3A_254 = tpu.memref_slice %arg2[%dma_wait3A_252, %dma_wait3A_253] : memref<10000x16xf32, #tpu.memory_space<hbm>> -> memref<10000x16xf32, #tpu.memory_space<hbm>>
    tpu.wait_indirect_dma semaphore(%arg14 : memref<!tpu.dma_semaphore, #tpu.memory_space<semaphore_mem>>) src(%dma_wait3A_254 : memref<10000x16xf32, #tpu.memory_space<hbm>>) dst(%arg10 : memref<2000x16xf32, #tpu.memory_space<vmem>>)
    %mul3A_255 = arith.constant 20000 : i32
    %mul3A_256 = arith.muli %add3A, %mul3A_255 : i32
    %add3A_257 = arith.constant 18000 : i32
    %add3A_258 = arith.addi %mul3A_256, %add3A_257 : i32
    %dma_start3A_259 = arith.constant 0 : i32
    %dma_start3A_260 = tpu.memref_slice %arg6[%add3A_258, %dma_start3A_259] : memref<640000x16xf32, #tpu.memory_space<hbm>> -> memref<2000x16xf32, #tpu.memory_space<hbm>>
    %dma_start3A_261 = arith.constant 0 : i32
    %dma_start3A_262 = tpu.memref_slice %arg6[%add3A_258, %dma_start3A_261] : memref<640000x16xf32, #tpu.memory_space<hbm>> -> memref<2000x16xf32, #tpu.memory_space<hbm>>
    tpu.enqueue_dma source(%arg10 : memref<2000x16xf32, #tpu.memory_space<vmem>>) target(%dma_start3A_262 : memref<2000x16xf32, #tpu.memory_space<hbm>>) target_semaphore(%arg16 : memref<!tpu.dma_semaphore, #tpu.memory_space<semaphore_mem>>)
    %run_scoped3A_263 = arith.constant 9 : i32
    "tpu.region"() ({
      %run_scoped3A_278 = tpu.sem_alloc : memref<!tpu.dma_semaphore, #tpu.memory_space<semaphore_mem>>
      %dma_start3A_279 = arith.constant 0 : i32
      %dma_start3A_280 = tpu.memref_slice %arg8[%run_scoped3A_263, %dma_start3A_279] : memref<10x2000xi32, #tpu.memory_space<vmem>> -> memref<1x2000xi32, #tpu.memory_space<vmem>>
      %dma_start3A_281 = tpu.memref_squeeze %dma_start3A_280 : memref<1x2000xi32, #tpu.memory_space<vmem>> -> memref<2000xi32, #tpu.memory_space<vmem>>
      %dma_start3A_282 = arith.constant 0 : i32
      %dma_start3A_283 = tpu.memref_slice %arg12[%dma_start3A_282] : memref<10000xf32, #tpu.memory_space<vmem_shared>> -> memref<10000xf32, #tpu.memory_space<vmem_shared>>
      tpu.enqueue_indirect_dma source(%arg11 : memref<2000xf32, #tpu.memory_space<vmem>>) target(%dma_start3A_283 : memref<10000xf32, #tpu.memory_space<vmem_shared>>) offsets(%dma_start3A_281 : memref<2000xi32, #tpu.memory_space<vmem>>) semaphore(%run_scoped3A_278 : memref<!tpu.dma_semaphore, #tpu.memory_space<semaphore_mem>>) {add = true}
      %dma_wait3A_284 = arith.constant 0 : i32
      %dma_wait3A_285 = tpu.memref_slice %arg8[%run_scoped3A_263, %dma_wait3A_284] : memref<10x2000xi32, #tpu.memory_space<vmem>> -> memref<1x2000xi32, #tpu.memory_space<vmem>>
      %dma_wait3A_286 = tpu.memref_squeeze %dma_wait3A_285 : memref<1x2000xi32, #tpu.memory_space<vmem>> -> memref<2000xi32, #tpu.memory_space<vmem>>
      %dma_wait3A_287 = arith.constant 0 : i32
      %dma_wait3A_288 = tpu.memref_slice %arg12[%dma_wait3A_287] : memref<10000xf32, #tpu.memory_space<vmem_shared>> -> memref<10000xf32, #tpu.memory_space<vmem_shared>>
      tpu.wait_indirect_dma semaphore(%run_scoped3A_278 : memref<!tpu.dma_semaphore, #tpu.memory_space<semaphore_mem>>) src(%arg11 : memref<2000xf32, #tpu.memory_space<vmem>>) dst(%dma_wait3A_288 : memref<10000xf32, #tpu.memory_space<vmem_shared>>)
      tpu.yield
    }) : () -> ()
    %dma_wait3A_264 = arith.constant 0 : i32
    %dma_wait3A_265 = tpu.memref_slice %arg6[%add3A_231, %dma_wait3A_264] : memref<640000x16xf32, #tpu.memory_space<hbm>> -> memref<2000x16xf32, #tpu.memory_space<hbm>>
    %dma_wait3A_266 = arith.constant 0 : i32
    %dma_wait3A_267 = tpu.memref_slice %arg6[%add3A_231, %dma_wait3A_266] : memref<640000x16xf32, #tpu.memory_space<hbm>> -> memref<2000x16xf32, #tpu.memory_space<hbm>>
    tpu.wait_dma2 semaphore(%arg15 : memref<!tpu.dma_semaphore, #tpu.memory_space<semaphore_mem>>) src(%arg9 : memref<2000x16xf32, #tpu.memory_space<vmem>>) dst(%dma_wait3A_267 : memref<2000x16xf32, #tpu.memory_space<hbm>>)
    %dma_wait3A_268 = arith.constant 0 : i32
    %dma_wait3A_269 = tpu.memref_slice %arg6[%add3A_258, %dma_wait3A_268] : memref<640000x16xf32, #tpu.memory_space<hbm>> -> memref<2000x16xf32, #tpu.memory_space<hbm>>
    %dma_wait3A_270 = arith.constant 0 : i32
    %dma_wait3A_271 = tpu.memref_slice %arg6[%add3A_258, %dma_wait3A_270] : memref<640000x16xf32, #tpu.memory_space<hbm>> -> memref<2000x16xf32, #tpu.memory_space<hbm>>
    tpu.wait_dma2 semaphore(%arg16 : memref<!tpu.dma_semaphore, #tpu.memory_space<semaphore_mem>>) src(%arg10 : memref<2000x16xf32, #tpu.memory_space<vmem>>) dst(%dma_wait3A_271 : memref<2000x16xf32, #tpu.memory_space<hbm>>)
    %barrier3A_272 = arith.constant 0 : index
    tpu.barrier barrier_id(%barrier3A_272)
    %eq3A_273 = arith.constant 0 : i32
    %eq3A_274 = arith.cmpi eq, %arg1, %eq3A_273 : i32
    %convert_element_type3A_275 = arith.extui %eq3A_274 : i1 to i32
    %cond3A_276 = arith.constant 0 : i32
    %cond3A_277 = arith.cmpi ne, %convert_element_type3A_275, %cond3A_276 : i32
    scf.if %cond3A_277 {
      %scan3A = arith.constant 0 : i32
      %scan3A_278 = arith.constant 5 : i32
      %scan3A_279 = arith.addi %scan3A, %scan3A_278 : i32
      %scan3A_280 = arith.constant 1 : i32
      scf.for %scan3A_282 = %scan3A to %scan3A_279 step %scan3A_280  : i32 {
        %mul3A_283 = arith.constant 2000 : i32
        %mul3A_284 = arith.muli %scan3A_282, %mul3A_283 : i32
        "tpu.region"() ({
          %run_scoped3A_285 = tpu.sem_alloc : memref<!tpu.dma_semaphore, #tpu.memory_space<semaphore_mem>>
          %dma_start3A_286 = arith.constant 0 : i32
          %dma_start3A_287 = tpu.memref_slice %arg7[%scan3A_282, %arg0, %dma_start3A_286] : memref<5x2x2000xf32, #tpu.memory_space<hbm>> -> memref<1x1x2000xf32, #tpu.memory_space<hbm>>
          %dma_start3A_288 = tpu.memref_squeeze %dma_start3A_287 : memref<1x1x2000xf32, #tpu.memory_space<hbm>> -> memref<2000xf32, #tpu.memory_space<hbm>>
          %dma_start3A_289 = tpu.memref_slice %arg12[%mul3A_284] : memref<10000xf32, #tpu.memory_space<vmem_shared>> -> memref<2000xf32, #tpu.memory_space<vmem_shared>>
          tpu.enqueue_dma source(%dma_start3A_289 : memref<2000xf32, #tpu.memory_space<vmem_shared>>) target(%dma_start3A_288 : memref<2000xf32, #tpu.memory_space<hbm>>) target_semaphore(%run_scoped3A_285 : memref<!tpu.dma_semaphore, #tpu.memory_space<semaphore_mem>>)
          %dma_wait3A_290 = arith.constant 0 : i32
          %dma_wait3A_291 = tpu.memref_slice %arg7[%scan3A_282, %arg0, %dma_wait3A_290] : memref<5x2x2000xf32, #tpu.memory_space<hbm>> -> memref<1x1x2000xf32, #tpu.memory_space<hbm>>
          %dma_wait3A_292 = tpu.memref_squeeze %dma_wait3A_291 : memref<1x1x2000xf32, #tpu.memory_space<hbm>> -> memref<2000xf32, #tpu.memory_space<hbm>>
          %dma_wait3A_293 = tpu.memref_slice %arg12[%mul3A_284] : memref<10000xf32, #tpu.memory_space<vmem_shared>> -> memref<2000xf32, #tpu.memory_space<vmem_shared>>
          tpu.wait_dma2 semaphore(%run_scoped3A_285 : memref<!tpu.dma_semaphore, #tpu.memory_space<semaphore_mem>>) src(%dma_wait3A_293 : memref<2000xf32, #tpu.memory_space<vmem_shared>>) dst(%dma_wait3A_292 : memref<2000xf32, #tpu.memory_space<hbm>>)
          tpu.yield
        }) : () -> ()
      }
      %scan3A_281 = arith.constant 5 : i32
    } else {
    }
    return
  }
}

module attributes {stable_mosaic.version = 14 : i64} {
  func.func @body(%arg0: i32, %arg1: memref<2000x128xf32, #tpu.memory_space<vmem>>, %arg2: memref<128x16xf32, #tpu.memory_space<vmem>>, %arg3: memref<2000x16xf32, #tpu.memory_space<vmem>>) attributes {dimension_semantics = [#tpu.dimension_semantics<arbitrary>], iteration_bounds = array<i64: 5>, scalar_prefetch = 0 : i64, scratch_operands = 0 : i64, tpu.core_type = #tpu.core_type<tc>, window_params = [{transform_indices = @transform_0, window_bounds = array<i64: 2000, 128>}, {pipeline_mode = #tpu.pipeline_mode<synchronous>, transform_indices = @transform_1, window_bounds = array<i64: 128, 16>}, {transform_indices = @transform_2, window_bounds = array<i64: 2000, 16>}]} {
    %get3A = arith.constant 0 : index
    %get3A_0 = arith.constant 0 : index
    %get3A_1 = vector.load %arg1[%get3A, %get3A_0] : memref<2000x128xf32, #tpu.memory_space<vmem>>, vector<2000x128xf32>
    %get3A_2 = arith.constant 0 : index
    %get3A_3 = arith.constant 0 : index
    %get3A_4 = vector.load %arg2[%get3A_2, %get3A_3] : memref<128x16xf32, #tpu.memory_space<vmem>>, vector<128x16xf32>
    %dot_general3A = arith.constant dense<0.000000e+00> : vector<2000x16xf32>
    %dot_general3A_5 = tpu.matmul %get3A_1, %get3A_4, %dot_general3A {dimension_numbers = #tpu.dot_dimension_numbers<[1], [0], [0], [1], [0, 0, 1, 1], [], []>, transpose_lhs_hint = false} : vector<2000x128xf32>, vector<128x16xf32>, vector<2000x16xf32> -> vector<2000x16xf32>
    %swap3A = arith.constant 0 : index
    %swap3A_6 = arith.constant 0 : index
    %swap3A_7 = vector.load %arg3[%swap3A, %swap3A_6] : memref<2000x16xf32, #tpu.memory_space<vmem>>, vector<2000x16xf32>
    tpu.vector_store %arg3[%swap3A, %swap3A_6], %dot_general3A_5 {strides = array<i32>} : memref<2000x16xf32, #tpu.memory_space<vmem>>, vector<2000x16xf32>,
    return
  }
  func.func @transform_0(%arg0: i32) -> (i32, i32) {
    %c0_i32 = arith.constant 0 : i32
    %c0_i32_0 = arith.constant 0 : i32
    return %arg0, %c0_i32 : i32, i32
  }
  func.func @transform_1(%arg0: i32) -> (i32, i32) {
    %c0_i32 = arith.constant 0 : i32
    %c0_i32_0 = arith.constant 0 : i32
    %c0_i32_1 = arith.constant 0 : i32
    return %c0_i32, %c0_i32_0 : i32, i32
  }
  func.func @transform_2(%arg0: i32) -> (i32, i32) {
    %c0_i32 = arith.constant 0 : i32
    %c0_i32_0 = arith.constant 0 : i32
    return %arg0, %c0_i32 : i32, i32
  }
}

module attributes {stable_mosaic.version = 14 : i64} {
  func.func @body(%arg0: i32, %arg1: memref<1x4000x128xf32, #tpu.memory_space<vmem>>, %arg2: memref<1x4000x128xf32, #tpu.memory_space<vmem>>, %arg3: memref<4000x128xf32, #tpu.memory_space<vmem>>, %arg4: memref<128x128xf32, #tpu.memory_space<vmem>>, %arg5: memref<4000x128xf32, #tpu.memory_space<vmem>>) attributes {dimension_semantics = [#tpu.dimension_semantics<arbitrary>], iteration_bounds = array<i64: 10>, scalar_prefetch = 0 : i64, scratch_operands = 0 : i64, tpu.core_type = #tpu.core_type<tc>, window_params = [{transform_indices = @transform_0, window_bounds = array<i64: 1, 4000, 128>}, {transform_indices = @transform_1, window_bounds = array<i64: 1, 4000, 128>}, {transform_indices = @transform_2, window_bounds = array<i64: 4000, 128>}, {pipeline_mode = #tpu.pipeline_mode<synchronous>, transform_indices = @transform_3, window_bounds = array<i64: 128, 128>}, {transform_indices = @transform_4, window_bounds = array<i64: 4000, 128>}]} {
    %get3A = arith.constant 0 : index
    %get3A_0 = arith.constant 0 : index
    %get3A_1 = arith.constant 0 : index
    %get3A_2 = vector.load %arg1[%get3A, %get3A_0, %get3A_1] : memref<1x4000x128xf32, #tpu.memory_space<vmem>>, vector<1x4000x128xf32>
    %get3A_3 = vector.shape_cast %get3A_2 : vector<1x4000x128xf32> to vector<4000x128xf32>
    %get3A_4 = arith.constant 0 : index
    %get3A_5 = arith.constant 0 : index
    %get3A_6 = arith.constant 0 : index
    %get3A_7 = vector.load %arg2[%get3A_4, %get3A_5, %get3A_6] : memref<1x4000x128xf32, #tpu.memory_space<vmem>>, vector<1x4000x128xf32>
    %get3A_8 = vector.shape_cast %get3A_7 : vector<1x4000x128xf32> to vector<4000x128xf32>
    %add3A = arith.addf %get3A_3, %get3A_8 : vector<4000x128xf32>
    %get3A_9 = arith.constant 0 : index
    %get3A_10 = arith.constant 0 : index
    %get3A_11 = vector.load %arg3[%get3A_9, %get3A_10] : memref<4000x128xf32, #tpu.memory_space<vmem>>, vector<4000x128xf32>
    %get3A_12 = arith.constant 0 : index
    %get3A_13 = arith.constant 0 : index
    %get3A_14 = vector.load %arg4[%get3A_12, %get3A_13] : memref<128x128xf32, #tpu.memory_space<vmem>>, vector<128x128xf32>
    %dot_general3A = arith.constant dense<0.000000e+00> : vector<4000x128xf32>
    %dot_general3A_15 = tpu.matmul %get3A_11, %get3A_14, %dot_general3A {dimension_numbers = #tpu.dot_dimension_numbers<[1], [0], [0], [1], [0, 0, 1, 1], [], []>, transpose_lhs_hint = false} : vector<4000x128xf32>, vector<128x128xf32>, vector<4000x128xf32> -> vector<4000x128xf32>
    %add3A_16 = arith.addf %add3A, %dot_general3A_15 : vector<4000x128xf32>
    %max3A = arith.constant 0.000000e+00 : f32
    %max3A_17 = vector.broadcast %max3A : f32 to vector<4000x128xf32>
    %max3A_18 = arith.maximumf %add3A_16, %max3A_17 : vector<4000x128xf32>
    %swap3A = arith.constant 0 : index
    %swap3A_19 = arith.constant 0 : index
    %swap3A_20 = vector.load %arg5[%swap3A, %swap3A_19] : memref<4000x128xf32, #tpu.memory_space<vmem>>, vector<4000x128xf32>
    tpu.vector_store %arg5[%swap3A, %swap3A_19], %max3A_18 {strides = array<i32>} : memref<4000x128xf32, #tpu.memory_space<vmem>>, vector<4000x128xf32>,
    return
  }
  func.func @transform_0(%arg0: i32) -> (i32, i32, i32) {
    %c0_i32 = arith.constant 0 : i32
    %c0_i32_0 = arith.constant 0 : i32
    %c0_i32_1 = arith.constant 0 : i32
    return %c0_i32, %arg0, %c0_i32_0 : i32, i32, i32
  }
  func.func @transform_1(%arg0: i32) -> (i32, i32, i32) {
    %c1_i32 = arith.constant 1 : i32
    %c0_i32 = arith.constant 0 : i32
    %c0_i32_0 = arith.constant 0 : i32
    return %c1_i32, %arg0, %c0_i32 : i32, i32, i32
  }
  func.func @transform_2(%arg0: i32) -> (i32, i32) {
    %c0_i32 = arith.constant 0 : i32
    %c0_i32_0 = arith.constant 0 : i32
    return %arg0, %c0_i32 : i32, i32
  }
  func.func @transform_3(%arg0: i32) -> (i32, i32) {
    %c0_i32 = arith.constant 0 : i32
    %c0_i32_0 = arith.constant 0 : i32
    %c0_i32_1 = arith.constant 0 : i32
    return %c0_i32, %c0_i32_0 : i32, i32
  }
  func.func @transform_4(%arg0: i32) -> (i32, i32) {
    %c0_i32 = arith.constant 0 : i32
    %c0_i32_0 = arith.constant 0 : i32
    return %arg0, %c0_i32 : i32, i32
  }
}

module attributes {stable_mosaic.version = 14 : i64} {
  func.func @body(%arg0: i32, %arg1: memref<2x2000x16xf32, #tpu.memory_space<vmem>>, %arg2: memref<1x2x2000xf32, #tpu.memory_space<vmem>>, %arg3: memref<2000x128xf32, #tpu.memory_space<vmem>>, %arg4: memref<16x16xf32, #tpu.memory_space<vmem>>, %arg5: memref<16x128xf32, #tpu.memory_space<vmem>>, %arg6: memref<1x1xf32, #tpu.memory_space<vmem>>, %arg7: memref<2000x128xf32, #tpu.memory_space<vmem>>) attributes {dimension_semantics = [#tpu.dimension_semantics<arbitrary>], iteration_bounds = array<i64: 5>, scalar_prefetch = 0 : i64, scratch_operands = 0 : i64, tpu.core_type = #tpu.core_type<tc>, window_params = [{transform_indices = @transform_0, window_bounds = array<i64: 2, 2000, 16>}, {transform_indices = @transform_1, window_bounds = array<i64: 1, 2, 2000>}, {transform_indices = @transform_2, window_bounds = array<i64: 2000, 128>}, {pipeline_mode = #tpu.pipeline_mode<synchronous>, transform_indices = @transform_3, window_bounds = array<i64: 16, 16>}, {pipeline_mode = #tpu.pipeline_mode<synchronous>, transform_indices = @transform_4, window_bounds = array<i64: 16, 128>}, {pipeline_mode = #tpu.pipeline_mode<synchronous>, transform_indices = @transform_5, window_bounds = array<i64: 1, 1>}, {transform_indices = @transform_6, window_bounds = array<i64: 2000, 128>}]} {
    %get3A = arith.constant 0 : index
    %get3A_0 = arith.constant 0 : index
    %get3A_1 = arith.constant 0 : index
    %get3A_2 = vector.load %arg1[%get3A, %get3A_0, %get3A_1] : memref<2x2000x16xf32, #tpu.memory_space<vmem>>, vector<1x2000x16xf32>
    %get3A_3 = vector.shape_cast %get3A_2 : vector<1x2000x16xf32> to vector<2000x16xf32>
    %get3A_4 = arith.constant 1 : index
    %get3A_5 = arith.constant 0 : index
    %get3A_6 = arith.constant 0 : index
    %get3A_7 = vector.load %arg1[%get3A_4, %get3A_5, %get3A_6] : memref<2x2000x16xf32, #tpu.memory_space<vmem>>, vector<1x2000x16xf32>
    %get3A_8 = vector.shape_cast %get3A_7 : vector<1x2000x16xf32> to vector<2000x16xf32>
    %add3A = arith.addf %get3A_3, %get3A_8 : vector<2000x16xf32>
    %get3A_9 = arith.constant 0 : index
    %get3A_10 = arith.constant 0 : index
    %get3A_11 = vector.load %arg4[%get3A_9, %get3A_10] : memref<16x16xf32, #tpu.memory_space<vmem>>, vector<16x16xf32>
    %dot_general3A = arith.constant dense<0.000000e+00> : vector<2000x16xf32>
    %dot_general3A_12 = tpu.matmul %add3A, %get3A_11, %dot_general3A {dimension_numbers = #tpu.dot_dimension_numbers<[1], [0], [0], [1], [0, 0, 1, 1], [], []>, transpose_lhs_hint = false} : vector<2000x16xf32>, vector<16x16xf32>, vector<2000x16xf32> -> vector<2000x16xf32>
    %get3A_13 = arith.constant 0 : index
    %get3A_14 = arith.constant 0 : index
    %get3A_15 = arith.constant 0 : index
    %get3A_16 = vector.load %arg2[%get3A_13, %get3A_14, %get3A_15] : memref<1x2x2000xf32, #tpu.memory_space<vmem>>, vector<1x2x2000xf32>
    %get3A_17 = vector.shape_cast %get3A_16 : vector<1x2x2000xf32> to vector<2x2000xf32>
    %slice3A = vector.extract_strided_slice %get3A_17 {offsets = [0, 0], sizes = [1, 2000], strides = [1, 1]} : vector<2x2000xf32> to vector<1x2000xf32>
    %slice3A_18 = vector.extract_strided_slice %get3A_17 {offsets = [1, 0], sizes = [1, 2000], strides = [1, 1]} : vector<2x2000xf32> to vector<1x2000xf32>
    %add3A_19 = arith.addf %slice3A, %slice3A_18 : vector<1x2000xf32>
    %gt3A = arith.constant 0.000000e+00 : f32
    %gt3A_20 = vector.broadcast %gt3A : f32 to vector<1x2000xf32>
    %gt3A_21 = arith.cmpf ogt, %add3A_19, %gt3A_20 : vector<1x2000xf32>
    %max3A = arith.constant 1.000000e+00 : f32
    %max3A_22 = vector.broadcast %max3A : f32 to vector<1x2000xf32>
    %max3A_23 = arith.maximumf %add3A_19, %max3A_22 : vector<1x2000xf32>
    %div3A = arith.constant 1.000000e+00 : f32
    %div3A_24 = vector.broadcast %div3A : f32 to vector<1x2000xf32>
    %div3A_25 = arith.divf %div3A_24, %max3A_23 : vector<1x2000xf32>
    %jit3A = arith.constant 0.000000e+00 : f32
    %broadcast_in_dim3A = vector.broadcast %jit3A : f32 to vector<1x2000xf32>
    %select_n3A = arith.select %gt3A_21, %div3A_25, %broadcast_in_dim3A : vector<1x2000xi1>, vector<1x2000xf32>
    %transpose3A = tpu.transpose %select_n3A, [1, 0] : vector<1x2000xf32> -> vector<2000x1xf32>
    %mul3A = vector.broadcast %transpose3A : vector<2000x1xf32> to vector<2000x16xf32>
    %mul3A_26 = arith.mulf %dot_general3A_12, %mul3A : vector<2000x16xf32>
    %max3A_27 = arith.constant 0.000000e+00 : f32
    %max3A_28 = vector.broadcast %max3A_27 : f32 to vector<2000x16xf32>
    %max3A_29 = arith.maximumf %mul3A_26, %max3A_28 : vector<2000x16xf32>
    %get3A_30 = arith.constant 0 : index
    %get3A_31 = arith.constant 0 : index
    %get3A_32 = vector.load %arg6[%get3A_30, %get3A_31] : memref<1x1xf32, #tpu.memory_space<vmem>>, vector<1x1xf32>
    %get3A_33 = vector.extract %get3A_32[0, 0] : f32 from vector<1x1xf32>
    %get3A_34 = arith.constant 0 : index
    %get3A_35 = arith.constant 0 : index
    %get3A_36 = vector.load %arg3[%get3A_34, %get3A_35] : memref<2000x128xf32, #tpu.memory_space<vmem>>, vector<2000x128xf32>
    %mul3A_37 = vector.broadcast %get3A_33 : f32 to vector<2000x128xf32>
    %mul3A_38 = arith.mulf %mul3A_37, %get3A_36 : vector<2000x128xf32>
    %get3A_39 = arith.constant 0 : index
    %get3A_40 = arith.constant 0 : index
    %get3A_41 = vector.load %arg5[%get3A_39, %get3A_40] : memref<16x128xf32, #tpu.memory_space<vmem>>, vector<16x128xf32>
    %dot_general3A_42 = arith.constant dense<0.000000e+00> : vector<2000x128xf32>
    %dot_general3A_43 = tpu.matmul %max3A_29, %get3A_41, %dot_general3A_42 {dimension_numbers = #tpu.dot_dimension_numbers<[1], [0], [0], [1], [0, 0, 1, 1], [], []>, transpose_lhs_hint = false} : vector<2000x16xf32>, vector<16x128xf32>, vector<2000x128xf32> -> vector<2000x128xf32>
    %add3A_44 = arith.addf %mul3A_38, %dot_general3A_43 : vector<2000x128xf32>
    %max3A_45 = arith.constant 0.000000e+00 : f32
    %max3A_46 = vector.broadcast %max3A_45 : f32 to vector<2000x128xf32>
    %max3A_47 = arith.maximumf %add3A_44, %max3A_46 : vector<2000x128xf32>
    %swap3A = arith.constant 0 : index
    %swap3A_48 = arith.constant 0 : index
    %swap3A_49 = vector.load %arg7[%swap3A, %swap3A_48] : memref<2000x128xf32, #tpu.memory_space<vmem>>, vector<2000x128xf32>
    tpu.vector_store %arg7[%swap3A, %swap3A_48], %max3A_47 {strides = array<i32>} : memref<2000x128xf32, #tpu.memory_space<vmem>>, vector<2000x128xf32>,
    return
  }
  func.func @transform_0(%arg0: i32) -> (i32, i32, i32) {
    %c0_i32 = arith.constant 0 : i32
    %c0_i32_0 = arith.constant 0 : i32
    %c0_i32_1 = arith.constant 0 : i32
    return %c0_i32, %arg0, %c0_i32_0 : i32, i32, i32
  }
  func.func @transform_1(%arg0: i32) -> (i32, i32, i32) {
    %c0_i32 = arith.constant 0 : i32
    %c0_i32_0 = arith.constant 0 : i32
    %c0_i32_1 = arith.constant 0 : i32
    return %arg0, %c0_i32, %c0_i32_0 : i32, i32, i32
  }
  func.func @transform_2(%arg0: i32) -> (i32, i32) {
    %c0_i32 = arith.constant 0 : i32
    %c0_i32_0 = arith.constant 0 : i32
    return %arg0, %c0_i32 : i32, i32
  }
  func.func @transform_3(%arg0: i32) -> (i32, i32) {
    %c0_i32 = arith.constant 0 : i32
    %c0_i32_0 = arith.constant 0 : i32
    %c0_i32_1 = arith.constant 0 : i32
    return %c0_i32, %c0_i32_0 : i32, i32
  }
  func.func @transform_4(%arg0: i32) -> (i32, i32) {
    %c0_i32 = arith.constant 0 : i32
    %c0_i32_0 = arith.constant 0 : i32
    %c0_i32_1 = arith.constant 0 : i32
    return %c0_i32, %c0_i32_0 : i32, i32
  }
  func.func @transform_5(%arg0: i32) -> (i32, i32) {
    %c0_i32 = arith.constant 0 : i32
    %c0_i32_0 = arith.constant 0 : i32
    %c0_i32_1 = arith.constant 0 : i32
    return %c0_i32, %c0_i32_0 : i32, i32
  }
  func.func @transform_6(%arg0: i32) -> (i32, i32) {
    %c0_i32 = arith.constant 0 : i32
    %c0_i32_0 = arith.constant 0 : i32
    return %arg0, %c0_i32 : i32, i32
  }
}

</mosaic_0001>

<sc_bundles>
// kernel: kernel.10.cloned.1.call-start
scs
__scs_entry_jumppad:
0x0: {  	(pc) =	sbr.rel $0x88, $3  }
0x1: {  	(tag) =	ssettag $0x0;
	lr =	simm.s32 $0x1  }
0x2: {  	[smem:$0x3F99] =	sst lr;
	_ =	strace $0xD0000000  }
0x3: {  	_ = 	snop  }
0x4: {  	_ = 	snop  }
0x5: {  	_ = 	snop  }
0x6: {  	_ = 	snop  }
0x7: {  	_ = 	snop  }
__scs_overlays_trampoline_lowered:
0x8: {  	[smem:$0x3FA8] =	sst s0  }
0x9: {  	[smem:$0x3FA9] =	sst s1  }
0xa: {  	[smem:$0x3FAA] =	sst s2  }
0xb: {  	[smem:$0x3FAB] =	sst s3  }
0xc: {  	[smem:$0x3FAC] =	sst s4  }
0xd: {  	[smem:$0x3FAD] =	sst s5  }
0xe: {  	[smem:$0x3FAE] =	sst s6  }
0xf: {  	[smem:$0x3FAF] =	sst s7  }
0x10: {  	[smem:$0x3FB0] =	sst s8  }
0x11: {  	[smem:$0x3FB1] =	sst s9;
	s0 =	simm.s32 @!p0 $0x0  }
0x12: {  	s1 =	sld [smem:$0x3F97];
	s0 =	simm.s32 @p0 $0x1  }
0x13: {  	[smem:$0x3FB2] =	sst s0;
	s0 =	simm.s32 @!p1 $0x0  }
0x14: {  	s2 =	sld [smem:$0x3F96];
	s0 =	simm.s32 @p1 $0x1  }
0x15: {  	[smem:$0x3FB3] =	sst s0;
	s0 =	simm.s32 @!p2 $0x0  }
0x16: {  	s3 =	sld [smem:$0x3FDB];
	s0 =	simm.s32 @p2 $0x1  }
0x17: {  	s4 =	simm.s32 $0x1BF5;
	[smem:$0x3FB5] =	sst s0  }
0x18: {  	s0 =	sld [smem:$0x3F98];
	_ =	swait.ge [sflag:s4], $0x0  }
0x19: {  	s7 =	sld [smem:$0x3F99]  }
0x1a: {  	s8 =	sadd.s32 $0xFFFFE003, lr  }
0x1b: {  	s9 =	sadd.s32 $0xFFFFFEF7, lr;
	s5 =	simm.s32 $0xFFFFFFFF;
	p2 =	slt.u32 s8, $0xFFFFF086  }
0x1c: {  	p1 =	slt.u32 s9, $0xF7A;
	s5 =	simm.s32 @!p2 $0x0  }
0x1d: {  	s5 =	simm.s32 @p1 $0x1;
	p0 =	seq.s32 s7, s2  }
0x1e: {  	s7 =	smul.u32 @!p0 $0xF7A, s2;
	p2 =	seq.s32 @!p0 s5, $0x0  }
0x1f: {  	s9 =	smul.u32 $0xF7A, s1;
	s8 =	simm.s32 @!p0 $0x1BF5;
	p2 =	por !p2, p0  }
0x20: {  	[sflag:s8] =	ssyncset.s32 @!p0 $0xFFFFF086;
	s6 =	sadd.s32 @!p0 s3, s7;
	s7 =	simm.s32 @!p0 $0x108  }
0x21: {  	s3 =	sadd.s32 s3, s9;
	s6 =	sadd.s32 @!p0 $0x88, s6;
	s7 =	simm.s32 @p2 $0x1082  }
0x22: {  	[simem:s7], [sflag:s8] =	dma.local @!p0 [hbm:s6], $0xF7A  }
0x23: {  	s9 =	sor.u32 $0xD0000000, s2;
	s6 =	simm.s32 $0x108;
	_ =	swait.ge @!p0 [sflag:s8], $0x0  }
0x24: {  	s3 =	sadd.s32 $0x88, s3;
	s6 =	simm.s32 @!p1 $0x1082;
	[sflag:s4] =	ssyncset.s32 $0xFFFFF086  }
0x25: {  	[simem:s6], [sflag:s4] =	dma.local [hbm:s3], $0xF7A  }
0x26: {  	[smem:$0x3F99] =	sst s1;
	(tag) =	ssettag s2;
	_ =	strace s9  }
0x27: {  	s1 =	sld [smem:$0x3FA9]  }
0x28: {  	s2 =	sld [smem:$0x3FAA]  }
0x29: {  	s4 =	sld [smem:$0x3FAC]  }
0x2a: {  	p0 =	seq.s32 s5, $0x0;
	s5 =	sld [smem:$0x3FAD]  }
0x2b: {  	s6 =	sld [smem:$0x3FAE]  }
0x2c: {  	s7 =	sld [smem:$0x3FAF]  }
0x2d: {  	s3 =	simm.s32 $0x108;
	s8 =	sld [smem:$0x3FB0]  }
0x2e: {  	s3 =	simm.s32 @!p0 $0x1082;
	s9 =	sld [smem:$0x3FB1]  }
0x2f: {  	lr =	sadd.s32 s0, s3;
	s0 =	sld [smem:$0x3FA8]  }
0x30: {  	s3 =	sld [smem:$0x3FAB]  }
0x31: {  	[smem:$0x3FB4] =	sst s10  }
0x32: {  	s10 =	sld [smem:$0x3FB2];
	_ =	sdelay $0x3  }
0x33: {  	p0 =	seq.s32 s10, $0x1;
	s10 =	sld [smem:$0x3FB4];
	_ =	sdelay $0x3  }
0x34: {  	[smem:$0x3FB4] =	sst s10  }
0x35: {  	s10 =	sld [smem:$0x3FB3];
	_ =	sdelay $0x3  }
0x36: {  	p1 =	seq.s32 s10, $0x1;
	s10 =	sld [smem:$0x3FB4];
	_ =	sdelay $0x3  }
0x37: {  	[smem:$0x3FB4] =	sst s10  }
0x38: {  	s10 =	sld [smem:$0x3FB5]  }
0x39: {  	_ = 	snop;
	(pc) =	sbr.ind lr, $3  }
0x3a: {  	_ = 	snop  }
0x3b: {  	_ = 	snop  }
0x3c: {  	p2 =	seq.s32 s10, $0x1;
	s10 =	sld [smem:$0x3FB4]  }
0x3d: {  	_ =	shalt  }
0x3e: {  	_ =	shalt  }
0x3f: {  	_ =	shalt  }
0x40: {  	_ =	shalt  }
0x41: {  	_ =	shalt  }
0x42: {  	_ =	shalt  }
0x43: {  	_ =	shalt  }
0x44: {  	_ =	shalt  }
0x45: {  	_ =	shalt  }
0x46: {  	_ =	shalt  }
0x47: {  	_ =	shalt  }
0x48: {  	_ =	shalt  }
0x49: {  	_ =	shalt  }
0x4a: {  	_ =	shalt  }
0x4b: {  	_ =	shalt  }
0x4c: {  	_ =	shalt  }
0x4d: {  	_ =	shalt  }
0x4e: {  	_ =	shalt  }
0x4f: {  	_ =	shalt  }
0x50: {  	_ =	shalt  }
0x51: {  	_ =	shalt  }
0x52: {  	_ =	shalt  }
0x53: {  	_ =	shalt  }
0x54: {  	_ =	shalt  }
0x55: {  	_ =	shalt  }
0x56: {  	_ =	shalt  }
0x57: {  	_ =	shalt  }
0x58: {  	_ =	shalt  }
0x59: {  	_ =	shalt  }
0x5a: {  	_ =	shalt  }
0x5b: {  	_ =	shalt  }
0x5c: {  	_ =	shalt  }
0x5d: {  	_ =	shalt  }
0x5e: {  	_ =	shalt  }
0x5f: {  	_ =	shalt  }
0x60: {  	_ =	shalt  }
0x61: {  	_ =	shalt  }
0x62: {  	_ =	shalt  }
0x63: {  	_ =	shalt  }
0x64: {  	_ =	shalt  }
0x65: {  	_ =	shalt  }
0x66: {  	_ =	shalt  }
0x67: {  	_ =	shalt  }
0x68: {  	_ =	shalt  }
0x69: {  	_ =	shalt  }
0x6a: {  	_ =	shalt  }
0x6b: {  	_ =	shalt  }
0x6c: {  	_ =	shalt  }
0x6d: {  	_ =	shalt  }
0x6e: {  	_ =	shalt  }
0x6f: {  	_ =	shalt  }
0x70: {  	_ =	shalt  }
0x71: {  	_ =	shalt  }
0x72: {  	_ =	shalt  }
0x73: {  	_ =	shalt  }
0x74: {  	_ =	shalt  }
0x75: {  	_ =	shalt  }
0x76: {  	_ =	shalt  }
0x77: {  	_ =	shalt  }
0x78: {  	_ =	shalt  }
0x79: {  	_ =	shalt  }
0x7a: {  	_ =	shalt  }
0x7b: {  	_ =	shalt  }
0x7c: {  	_ =	shalt  }
0x7d: {  	_ =	shalt  }
0x7e: {  	_ =	shalt  }
0x7f: {  	_ =	shalt  }
0x80: {  	_ =	shalt  }
0x81: {  	_ =	shalt  }
0x82: {  	_ =	shalt  }
0x83: {  	_ =	shalt  }
0x84: {  	_ =	shalt  }
0x85: {  	_ =	shalt  }
0x86: {  	_ =	shalt  }
0x87: {  	_ =	shalt  }
.Lfunc_end0:
.L_simem_size_0:
called_computation.1_lowered:
.L_overlay_start_0:
0x88: {  	s2 =	sld [smem:$0x3FD9]  }
0x89: {  	s3 =	sld [smem:$0x3FFE];
	_ =	sdelay $0x1  }
0x8a: {  	s1 =	srdreg.scid  }
0x8b: {  	s0 =	sand.u32 $0x1, s1  }
0x8c: {  	s14 =	sshll.u32 s0, $0xA;
	s2 =	sadd.s32 s3, s2  }
0x8d: {  	s2 =	sadd.s32 s2, s14  }
0x8e: {  	[smem:$0x3FC0] =	sst s2  }
0x8f: {  	_ = 	snop  }
0x90: {  	s2 =	sld [smem:$0x3FD0];
	_ =	sdelay $0x2  }
0x91: {  	s15 =	simm.s32 $0xA;
	s4 =	simm.s32 $0x10  }
0x92: {  	[smem:s4], [sflag:s15] =	dma.local [hbm:s2], $0x1  }
0x93: {  	_ =	swait.eq [sflag:s15], $0x1  }
0x94: {  	[sflag:s15] =	ssyncset.done $0x0  }
0x95: {  	[sflag:s15] =	ssyncadd.s32 $0xFFFFFFFF  }
0x96: {  	s16 =	sld [smem:$0x10];
	(tm) =	ssettm $0x1  }
0x97: {  	s17 =	sld [smem:$0x3FFB];
	_ =	sdelay $0x3  }
0x98: {  	_ =	strace s17  }
0x99: {  	s3 =	sld [smem:$0x3FFC];
	_ =	sdelay $0x3  }
0x9a: {  	_ =	strace s3  }
0x9b: {  	s3 =	sld [smem:$0x3FFD];
	_ =	sdelay $0x3  }
0x9c: {  	_ =	strace s3  }
0x9d: {  	_ =	strace $0x8FFFFFFF  }
0x9e: {  	s18 =	sld [smem:$0x3FDB];
	_ =	sdelay $0x1  }
0x9f: {  	s19 =	simm.s32 $_scs_section_size  }
0xa0: {  	s5 =	simm.s32 $_size__tile_overlayer_lowered;
	s6 =	simm.s32 $_tile_overlayer_lowered  }
0xa1: {  	s22 =	simm.s32 $0x1BFF;
	s21 =	sshll.u32 s6, $0x1;
	s3 =	sadd.s32 s19, s18  }
0xa2: {  	s7 =	simm.s32 $0x0;
	s20 =	sshll.u32 s5, $0x1;
	s5 =	sadd.s32 s21, s3  }
0xa3: {  	[timem:s7], [sflag:s22] =	dma.local [hbm:s5], s20  }
0xa4: {  	_ =	swait.ge [sflag:s22], s20  }
0xa5: {  	s4 =	ssub.s32 $0x0, s20;
	[sflag:s22] =	ssyncset.done $0x0  }
0xa6: {  	[sflag:s22] =	ssyncadd.s32 s4;
	_ =	sdelay $0x1  }
0xa7: {  	s23 =	simm.s32 $0x1B8B  }
0xa8: {  	_ =	swait.ge [sflag:s23], $0x1  }
0xa9: {  	[sflag:s23] =	ssyncset.done $0x0  }
0xaa: {  	s25 =	simm.s32 $0x1B8E;
	s24 =	sld [smem:$0x3FFE];
	[sflag:s23] =	ssyncadd.s32 $0xFFFFFFFF  }
0xab: {  	s26 =	simm.s32 $execute0_lowered;
	[smem:$0x3FD2] =	sst s25  }
0xac: {  	s5 =	sshll.u32 s26, $0x1;
	_ =	strace $0x80000049;
	[dreg:$0x1] =	wrdreg $0xFFFFFFFF  }
0xad: {  	s28 =	simm.s32 $_size_execute0_lowered;
	s3 =	sadd.s32 s3, s5;
	[dreg:$0x0] =	wrdreg $0x0  }
0xae: {  	s5 =	sshll.u32 s28, $0x1;
	[dreg:$0x2] =	wrdreg s3  }
0xaf: {  	[dreg:$0x3] =	wrdreg s5  }
0xb0: {  	[dreg:$0x4] =	wrdreg $0xC0  }
0xb1: {  	_ =	task [dreg:s7], $0x5FFFF  }
0xb2: {  	[dreg:$0x1] =	wrdreg $0xFFFFFFFF  }
0xb3: {  	[dreg:$0x0] =	wrdreg $0x60  }
0xb4: {  	[dreg:$0x2] =	wrdreg s24  }
0xb5: {  	[dreg:$0x3] =	wrdreg s16  }
0xb6: {  	[dreg:$0x4] =	wrdreg $0x148200  }
0xb7: {  	[dreg:$0x5] =	wrdreg $0x9  }
0xb8: {  	_ =	task.clear_ibuf [dreg:s7], $0x6FFFF;
	_ =	strace $0x90000049  }
0xb9: {  	s29 =	simm.s32 $0x9;
	_ =	strace $0x8000004B  }
0xba: {  	_ =	swait.ge [sflag:s29], $0x1  }
0xbb: {  	[sflag:s29] =	ssyncadd.s32 $0xFFFFFFFF  }
0xbc: {  	_ =	strace $0x9000004B  }
0xbd: {  	_ =	sfence  }
0xbe: {  	s30 =	sld [smem:$0x0];
	_ =	sdelay $0x2  }
0xbf: {  	s31 =	sshll.u32 s1, $0xD;
	s1 =	sshrl.u32 s1, $0x2  }
0xc0: {  	s3 =	sand.u32 $0x4000, s31;
	s1 =	sadd.s32 s1, s30  }
0xc1: {  	s0 =	sor.u32 s3, s0;
	s1 =	sshll.u32 s1, $0x11  }
0xc2: {  	s0 =	sor.u32 s1, s0  }
0xc3: {  	s0 =	sadd.s32 $0x8F2B, s0  }
0xc4: {  	[sflag:s0] =	ssyncadd.remote.s32 $0x1  }
0xc5: {  	_ =	sfence.sel $0xFFFF  }
0xc6: {  	[dreg:$0x0] =	wrdreg $0xFFFFFFFF;
	(pc) =	sbr.abs _section_cstart, $3  }
0xc7: {  	[dreg:$0x1] =	wrdreg $0xFFFFFFFF  }
0xc8: {  	_ =	task.clear_ibuf [dreg:s7], $0x2FFFF;
	_ =	strace $0x9FFFFFFF  }
0xc9: {  	(tm) =	ssettm $0x7FFFFFFF  }
tec
execute0_lowered:
.L_overlay_start_1:
0x0: {  	(tag) =	ssettag $0x1  }
0x1: {  	s0 =	rddreg [dreg:$0x0]  }
0x2: {  	s3 =	rddreg [dreg:$0x1]  }
0x3: {  	s1 =	rddreg [dreg:$0x2]  }
0x4: {  	s2 =	srdreg.scid;
	s5 =	stileid.u32;
	s12 =	simm.s32 $0x1  }
0x5: {  	s28 =	simm.s32 $0xFA0;
	s23 =	simm.s32 $0x1F40;
	s21 =	simm.s32 $0x2710  }
0x6: {  	s19 =	simm.s32 $0x2EE0;
	p1 =	por $0x0, $0x0;
	s17 =	simm.s32 $0x36B0  }
0x7: {  	s15 =	simm.s32 $0x3E80;
	s13 =	simm.s32 $0x4650;
	s4 =	sand.u32 $0x1, s2  }
0x8: {  	s2 =	simm.s32 $0x0;
	s8 =	sadd.s32 $0x9E800, s0;
	s24 =	smul.u32 $0x4E200, s5  }
0x9: {  	s9 =	sadd.s32 $0x2400, s0;
	s25 =	smul.u32 $0x9C40, s5;
	p0 =	sne.s32 s5, $0x0  }
0xa: {  	s6 =	sshll.u32 s4, $0x4;
	[smem:$0x7FF] =	sst s2;
	s7 =	smul.u32 $0x4E20, s4  }
0xb: {  	s4 =	ssub.s32 $0x2, s4;
	s6 =	sor.u32 s5, s6;
	_ =	strace $0x8000004A  }
0xc: {  	[dreg:$0x4] =	wrdreg s8;
	s10 =	sshrl.u32 s4, $0x1;
	s26 =	sshrl.u32 s24, $0x3  }
0xd: {  	s29 =	sadd.s32 s9, s25;
	s5 =	simm.s32 $0x3;
	s8 =	simm.s32 $0x7D0  }
0xe: {  	s25 =	simm.s32 $0x1770;
	s6 =	smul.u32 $0x9C4, s6;
	s4 =	ssub.s32 s4, s10  }
0xf: {  	s0 =	sadd.s32 s7, s0;
	[dreg:$0x6] =	wrdreg s29;
	s30 =	smax.u32 s4, $0x1  }
0x10: {  	s10 =	simm.s32 $0x4E20;
	s7 =	simm.s32 $0xCB20;
	s31 =	sadd.s32 $0xFFFFFFFF, s30  }
0x11: {  	s4 =	sshrl.u32 @!p0 s1, $0x3;
	s3 =	sadd.s32 s3, s6;
	p2 =	sne.s32 s31, $0x0  }
.Ltmp0:
0x12: {  	s6 =	sadd.s32 s9, s26;
	s9 =	simm.s32 $0x2;
	(pc) =	sbr.rel @!p2 .LBB2_1-.Ltmp0, $4  }
0x13: {  	[dreg:$0x5] =	wrdreg s3;
	s26 =	sadd.s32 $0xFA0, s6;
	s24 =	sadd.s32 $0x1F40, s6  }
0x14: {  	s22 =	sadd.s32 $0x2EE0, s6;
	s20 =	sadd.s32 $0x3E80, s6;
	s18 =	sadd.s32 $0x4E20, s6  }
0x15: {  	s16 =	sadd.s32 $0x5DC0, s6;
	s14 =	sadd.s32 $0x6D60, s6;
	s11 =	sadd.s32 $0x7D00, s6  }
0x16: {  	s6 =	sadd.s32 $0x8CA0, s6;
	s3 =	sadd.s32 $0xA3800, s0;
	s0 =	rddreg [dreg:$0x4]  }
0x17: {  	s30 =	simm.s32 @!p0 $0x1C03;
	s29 =	simm.s32 @!p0 $0x3  }
0x18: {  	[spmem:s4], [sflag:s30] =	dma.local @!p0 [hbm:s0], $0x4E20  }
0x19: {  	_ =	swait.ge @!p0 [sflag:s29], $0x4E20  }
0x1a: {  	[sflag:s29] =	ssyncset.done @!p0 $0x0  }
0x1b: {  	s0 =	rddreg [dreg:$0x5];
	[sflag:s29] =	ssyncadd.s32 @!p0 $0xFFFFB1E0  }
0x1c: {  	[tilespmem:s2], [sflag:$0x3] =	stream.linear.gather [hbm4b:s0+s2], $0x4E20, $0x38;
	[tilespmem:$0x16F30] =	vst v63  }
0x1d: {  	_ =	swait.ge [sflag:s5], $0x4E20  }
0x1e: {  	[sflag:s5] =	ssyncset.done $0x0  }
0x1f: {  	[sflag:s5] =	ssyncadd.s32 $0xFFFFB1E0  }
0x20: {  	[bflag:$0x0] =	sbarrier.arrive $0xFFFF  }
0x21: {  	s0 =	rddreg [dreg:$0x6]  }
0x22: {  	[tilespmem:s10], [sflag:$0x1] =	stream.linear.gather [hbm4b:s0+s2], $0x7D00, $0x38;
	[tilespmem:$0x16F30] =	vst v63  }
0x23: {  	_ =	swait.ge [sflag:s12], $0x7D00  }
0x24: {  	[sflag:s12] =	ssyncset.done $0x0  }
0x25: {  	[sflag:s12] =	ssyncadd.s32 $0xFFFF8300  }
0x26: {  	[tilespmem:s7], [sflag:$0x2] =	stream.linear.gather [hbm4b:s26+s2], $0x7D00, $0x38;
	[tilespmem:$0x16F30] =	vst v63  }
0x27: {  	_ = 	snop  }
0x28: {  	[spmem:s1] =	stream.indirect.scatter.add.f32 [tilespmem:s10], [sflag:$0x3], $0x10, s2, s8, $0xb8;
	[tilespmem:$0x16F30] =	vst v63  }
0x29: {  	_ =	swait.ge [sflag:s5], $0x7D00  }
0x2a: {  	[sflag:s5] =	ssyncset.done $0x0  }
0x2b: {  	[sflag:s5] =	ssyncadd.s32 $0xFFFF8300  }
0x2c: {  	_ =	swait.ge [sflag:s9], $0x7D00  }
0x2d: {  	[sflag:s9] =	ssyncset.done $0x0  }
0x2e: {  	[sflag:s9] =	ssyncadd.s32 $0xFFFF8300  }
0x2f: {  	[tilespmem:s10], [sflag:$0x1] =	stream.linear.gather [hbm4b:s24+s2], $0x7D00, $0x38;
	[tilespmem:$0x16F30] =	vst v63  }
0x30: {  	_ = 	snop  }
0x31: {  	[spmem:s1] =	stream.indirect.scatter.add.f32 [tilespmem:s7], [sflag:$0x3], $0x10, s8, s8, $0xb8;
	[tilespmem:$0x16F30] =	vst v63  }
0x32: {  	_ =	swait.ge [sflag:s5], $0x7D00  }
0x33: {  	[sflag:s5] =	ssyncset.done $0x0  }
0x34: {  	[sflag:s5] =	ssyncadd.s32 $0xFFFF8300  }
0x35: {  	_ =	swait.ge [sflag:s12], $0x7D00  }
0x36: {  	[sflag:s12] =	ssyncset.done $0x0  }
0x37: {  	[sflag:s12] =	ssyncadd.s32 $0xFFFF8300  }
0x38: {  	[tilespmem:s7], [sflag:$0x2] =	stream.linear.gather [hbm4b:s22+s2], $0x7D00, $0x38;
	[tilespmem:$0x16F30] =	vst v63  }
0x39: {  	_ = 	snop  }
0x3a: {  	[spmem:s1] =	stream.indirect.scatter.add.f32 [tilespmem:s10], [sflag:$0x3], $0x10, s28, s8, $0xb8;
	[tilespmem:$0x16F30] =	vst v63  }
0x3b: {  	_ =	swait.ge [sflag:s5], $0x7D00  }
0x3c: {  	[sflag:s5] =	ssyncset.done $0x0  }
0x3d: {  	[sflag:s5] =	ssyncadd.s32 $0xFFFF8300  }
0x3e: {  	_ =	swait.ge [sflag:s9], $0x7D00  }
0x3f: {  	[sflag:s9] =	ssyncset.done $0x0  }
0x40: {  	[sflag:s9] =	ssyncadd.s32 $0xFFFF8300  }
0x41: {  	[tilespmem:s10], [sflag:$0x1] =	stream.linear.gather [hbm4b:s20+s2], $0x7D00, $0x38;
	[tilespmem:$0x16F30] =	vst v63  }
0x42: {  	_ = 	snop  }
0x43: {  	[spmem:s1] =	stream.indirect.scatter.add.f32 [tilespmem:s7], [sflag:$0x3], $0x10, s25, s8, $0xb8;
	[tilespmem:$0x16F30] =	vst v63  }
0x44: {  	_ =	swait.ge [sflag:s5], $0x7D00  }
0x45: {  	[sflag:s5] =	ssyncset.done $0x0  }
0x46: {  	[sflag:s5] =	ssyncadd.s32 $0xFFFF8300  }
0x47: {  	_ =	swait.ge [sflag:s12], $0x7D00  }
0x48: {  	[sflag:s12] =	ssyncset.done $0x0  }
0x49: {  	[sflag:s12] =	ssyncadd.s32 $0xFFFF8300  }
0x4a: {  	[tilespmem:s7], [sflag:$0x2] =	stream.linear.gather [hbm4b:s18+s2], $0x7D00, $0x38;
	[tilespmem:$0x16F30] =	vst v63  }
0x4b: {  	_ = 	snop  }
0x4c: {  	[spmem:s1] =	stream.indirect.scatter.add.f32 [tilespmem:s10], [sflag:$0x3], $0x10, s23, s8, $0xb8;
	[tilespmem:$0x16F30] =	vst v63  }
0x4d: {  	_ =	swait.ge [sflag:s5], $0x7D00  }
0x4e: {  	[sflag:s5] =	ssyncset.done $0x0  }
0x4f: {  	[sflag:s5] =	ssyncadd.s32 $0xFFFF8300  }
0x50: {  	_ =	swait.ge [sflag:s9], $0x7D00  }
0x51: {  	[sflag:s9] =	ssyncset.done $0x0  }
0x52: {  	[sflag:s9] =	ssyncadd.s32 $0xFFFF8300  }
0x53: {  	[tilespmem:s10], [sflag:$0x1] =	stream.linear.gather [hbm4b:s16+s2], $0x7D00, $0x38;
	[tilespmem:$0x16F30] =	vst v63  }
0x54: {  	_ = 	snop  }
0x55: {  	[spmem:s1] =	stream.indirect.scatter.add.f32 [tilespmem:s7], [sflag:$0x3], $0x10, s21, s8, $0xb8;
	[tilespmem:$0x16F30] =	vst v63  }
0x56: {  	_ =	swait.ge [sflag:s5], $0x7D00  }
0x57: {  	[sflag:s5] =	ssyncset.done $0x0  }
0x58: {  	[sflag:s5] =	ssyncadd.s32 $0xFFFF8300  }
0x59: {  	_ =	swait.ge [sflag:s12], $0x7D00  }
0x5a: {  	[sflag:s12] =	ssyncset.done $0x0  }
0x5b: {  	[sflag:s12] =	ssyncadd.s32 $0xFFFF8300  }
0x5c: {  	[tilespmem:s7], [sflag:$0x2] =	stream.linear.gather [hbm4b:s14+s2], $0x7D00, $0x38;
	[tilespmem:$0x16F30] =	vst v63  }
0x5d: {  	_ = 	snop  }
0x5e: {  	[spmem:s1] =	stream.indirect.scatter.add.f32 [tilespmem:s10], [sflag:$0x3], $0x10, s19, s8, $0xb8;
	[tilespmem:$0x16F30] =	vst v63  }
0x5f: {  	_ =	swait.ge [sflag:s5], $0x7D00  }
0x60: {  	[sflag:s5] =	ssyncset.done $0x0  }
0x61: {  	[sflag:s5] =	ssyncadd.s32 $0xFFFF8300  }
0x62: {  	_ =	swait.ge [sflag:s9], $0x7D00  }
0x63: {  	[sflag:s9] =	ssyncset.done $0x0  }
0x64: {  	[sflag:s9] =	ssyncadd.s32 $0xFFFF8300  }
0x65: {  	[tilespmem:s10], [sflag:$0x1] =	stream.linear.gather [hbm4b:s11+s2], $0x7D00, $0x38;
	[tilespmem:$0x16F30] =	vst v63  }
0x66: {  	_ = 	snop  }
0x67: {  	[spmem:s1] =	stream.indirect.scatter.add.f32 [tilespmem:s7], [sflag:$0x3], $0x10, s17, s8, $0xb8;
	[tilespmem:$0x16F30] =	vst v63  }
0x68: {  	_ =	swait.ge [sflag:s5], $0x7D00  }
0x69: {  	[sflag:s5] =	ssyncset.done $0x0  }
0x6a: {  	[sflag:s5] =	ssyncadd.s32 $0xFFFF8300  }
0x6b: {  	_ =	swait.ge [sflag:s12], $0x7D00  }
0x6c: {  	[sflag:s12] =	ssyncset.done $0x0  }
0x6d: {  	[sflag:s12] =	ssyncadd.s32 $0xFFFF8300  }
0x6e: {  	[tilespmem:s7], [sflag:$0x2] =	stream.linear.gather [hbm4b:s6+s2], $0x7D00, $0x38;
	[tilespmem:$0x16F30] =	vst v63  }
0x6f: {  	_ = 	snop  }
0x70: {  	[spmem:s1] =	stream.indirect.scatter.add.f32 [tilespmem:s10], [sflag:$0x3], $0x10, s15, s8, $0xb8;
	[tilespmem:$0x16F30] =	vst v63  }
0x71: {  	_ =	swait.ge [sflag:s5], $0x7D00  }
0x72: {  	[sflag:s5] =	ssyncset.done $0x0  }
0x73: {  	[sflag:s5] =	ssyncadd.s32 $0xFFFF8300  }
0x74: {  	_ =	swait.ge [sflag:s9], $0x7D00  }
0x75: {  	[sflag:s9] =	ssyncset.done $0x0  }
0x76: {  	[sflag:s9] =	ssyncadd.s32 $0xFFFF8300  }
0x77: {  	[spmem:s1] =	stream.indirect.scatter.add.f32 [tilespmem:s7], [sflag:$0x3], $0x10, s13, s8, $0xb8;
	[tilespmem:$0x16F30] =	vst v63  }
0x78: {  	s31 =	sadd.s32 $0xFFFFFFFF, s31;
	_ =	swait.ge [sflag:s5], $0x7D00  }
0x79: {  	p2 =	sne.s32 s31, $0x0;
	[sflag:s5] =	ssyncset.done $0x0  }
.Ltmp1:
0x7a: {  	[sflag:s5] =	ssyncadd.s32 $0xFFFF8300;
	(pc) =	sbr.rel @!p2 .LBB2_4-.Ltmp1, $4  }
0x7b: {  	[bflag:$0x0] =	sbarrier.arrive $0xFFFF  }
0x7c: {  	[hbm:s3], [sflag:s30] =	dma.local @!p0 [spmem:s4], $0x4E20  }
0x7d: {  	_ =	swait.ge @!p0 [sflag:s29], $0x4E20  }
0x7e: {  	p1 =	por $0x1, $0x1;
	s0 =	rddreg [dreg:$0x4];
	[sflag:s29] =	ssyncset.done @!p0 $0x0  }
.LBB2_3:
0x7f: {  	[sflag:s29] =	ssyncadd.s32 @!p0 $0xFFFFB1E0  }
0x80: {  	[spmem:s4], [sflag:s30] =	dma.local @!p0 [hbm:s0], $0x4E20  }
0x81: {  	_ =	swait.ge @!p0 [sflag:s29], $0x4E20  }
0x82: {  	[sflag:s29] =	ssyncset.done @!p0 $0x0  }
0x83: {  	s0 =	rddreg [dreg:$0x5];
	[sflag:s29] =	ssyncadd.s32 @!p0 $0xFFFFB1E0  }
0x84: {  	[tilespmem:s2], [sflag:$0x3] =	stream.linear.gather [hbm4b:s0+s2], $0x4E20, $0x38;
	[tilespmem:$0x16F30] =	vst v63  }
0x85: {  	_ =	swait.ge [sflag:s5], $0x4E20  }
0x86: {  	[sflag:s5] =	ssyncset.done $0x0  }
0x87: {  	[sflag:s5] =	ssyncadd.s32 $0xFFFFB1E0  }
0x88: {  	[bflag:$0x0] =	sbarrier.arrive $0xFFFF  }
0x89: {  	s0 =	rddreg [dreg:$0x6]  }
0x8a: {  	[tilespmem:s10], [sflag:$0x1] =	stream.linear.gather [hbm4b:s0+s2], $0x7D00, $0x38;
	[tilespmem:$0x16F30] =	vst v63  }
0x8b: {  	_ =	swait.ge [sflag:s12], $0x7D00  }
0x8c: {  	[sflag:s12] =	ssyncset.done $0x0  }
0x8d: {  	[sflag:s12] =	ssyncadd.s32 $0xFFFF8300  }
0x8e: {  	[tilespmem:s7], [sflag:$0x2] =	stream.linear.gather [hbm4b:s26+s2], $0x7D00, $0x38;
	[tilespmem:$0x16F30] =	vst v63  }
0x8f: {  	_ = 	snop  }
0x90: {  	[spmem:s1] =	stream.indirect.scatter.add.f32 [tilespmem:s10], [sflag:$0x3], $0x10, s2, s8, $0xb8;
	[tilespmem:$0x16F30] =	vst v63  }
0x91: {  	_ =	swait.ge [sflag:s5], $0x7D00  }
0x92: {  	[sflag:s5] =	ssyncset.done $0x0  }
0x93: {  	[sflag:s5] =	ssyncadd.s32 $0xFFFF8300  }
0x94: {  	_ =	swait.ge [sflag:s9], $0x7D00  }
0x95: {  	[sflag:s9] =	ssyncset.done $0x0  }
0x96: {  	[sflag:s9] =	ssyncadd.s32 $0xFFFF8300  }
0x97: {  	[tilespmem:s10], [sflag:$0x1] =	stream.linear.gather [hbm4b:s24+s2], $0x7D00, $0x38;
	[tilespmem:$0x16F30] =	vst v63  }
0x98: {  	_ = 	snop  }
0x99: {  	[spmem:s1] =	stream.indirect.scatter.add.f32 [tilespmem:s7], [sflag:$0x3], $0x10, s8, s8, $0xb8;
	[tilespmem:$0x16F30] =	vst v63  }
0x9a: {  	_ =	swait.ge [sflag:s5], $0x7D00  }
0x9b: {  	[sflag:s5] =	ssyncset.done $0x0  }
0x9c: {  	[sflag:s5] =	ssyncadd.s32 $0xFFFF8300  }
0x9d: {  	_ =	swait.ge [sflag:s12], $0x7D00  }
0x9e: {  	[sflag:s12] =	ssyncset.done $0x0  }
0x9f: {  	[sflag:s12] =	ssyncadd.s32 $0xFFFF8300  }
0xa0: {  	[tilespmem:s7], [sflag:$0x2] =	stream.linear.gather [hbm4b:s22+s2], $0x7D00, $0x38;
	[tilespmem:$0x16F30] =	vst v63  }
0xa1: {  	_ = 	snop  }
0xa2: {  	[spmem:s1] =	stream.indirect.scatter.add.f32 [tilespmem:s10], [sflag:$0x3], $0x10, s28, s8, $0xb8;
	[tilespmem:$0x16F30] =	vst v63  }
0xa3: {  	_ =	swait.ge [sflag:s5], $0x7D00  }
0xa4: {  	[sflag:s5] =	ssyncset.done $0x0  }
0xa5: {  	[sflag:s5] =	ssyncadd.s32 $0xFFFF8300  }
0xa6: {  	_ =	swait.ge [sflag:s9], $0x7D00  }
0xa7: {  	[sflag:s9] =	ssyncset.done $0x0  }
0xa8: {  	[sflag:s9] =	ssyncadd.s32 $0xFFFF8300  }
0xa9: {  	[tilespmem:s10], [sflag:$0x1] =	stream.linear.gather [hbm4b:s20+s2], $0x7D00, $0x38;
	[tilespmem:$0x16F30] =	vst v63  }
0xaa: {  	_ = 	snop  }
0xab: {  	[spmem:s1] =	stream.indirect.scatter.add.f32 [tilespmem:s7], [sflag:$0x3], $0x10, s25, s8, $0xb8;
	[tilespmem:$0x16F30] =	vst v63  }
0xac: {  	_ =	swait.ge [sflag:s5], $0x7D00  }
0xad: {  	[sflag:s5] =	ssyncset.done $0x0  }
0xae: {  	[sflag:s5] =	ssyncadd.s32 $0xFFFF8300  }
0xaf: {  	_ =	swait.ge [sflag:s12], $0x7D00  }
0xb0: {  	[sflag:s12] =	ssyncset.done $0x0  }
0xb1: {  	[sflag:s12] =	ssyncadd.s32 $0xFFFF8300  }
0xb2: {  	[tilespmem:s7], [sflag:$0x2] =	stream.linear.gather [hbm4b:s18+s2], $0x7D00, $0x38;
	[tilespmem:$0x16F30] =	vst v63  }
0xb3: {  	_ = 	snop  }
0xb4: {  	[spmem:s1] =	stream.indirect.scatter.add.f32 [tilespmem:s10], [sflag:$0x3], $0x10, s23, s8, $0xb8;
	[tilespmem:$0x16F30] =	vst v63  }
0xb5: {  	_ =	swait.ge [sflag:s5], $0x7D00  }
0xb6: {  	[sflag:s5] =	ssyncset.done $0x0  }
0xb7: {  	[sflag:s5] =	ssyncadd.s32 $0xFFFF8300  }
0xb8: {  	_ =	swait.ge [sflag:s9], $0x7D00  }
0xb9: {  	[sflag:s9] =	ssyncset.done $0x0  }
0xba: {  	[sflag:s9] =	ssyncadd.s32 $0xFFFF8300  }
0xbb: {  	[tilespmem:s10], [sflag:$0x1] =	stream.linear.gather [hbm4b:s16+s2], $0x7D00, $0x38;
	[tilespmem:$0x16F30] =	vst v63  }
0xbc: {  	_ = 	snop  }
0xbd: {  	[spmem:s1] =	stream.indirect.scatter.add.f32 [tilespmem:s7], [sflag:$0x3], $0x10, s21, s8, $0xb8;
	[tilespmem:$0x16F30] =	vst v63  }
0xbe: {  	_ =	swait.ge [sflag:s5], $0x7D00  }
0xbf: {  	[sflag:s5] =	ssyncset.done $0x0  }
0xc0: {  	[sflag:s5] =	ssyncadd.s32 $0xFFFF8300  }
0xc1: {  	_ =	swait.ge [sflag:s12], $0x7D00  }
0xc2: {  	[sflag:s12] =	ssyncset.done $0x0  }
0xc3: {  	[sflag:s12] =	ssyncadd.s32 $0xFFFF8300  }
0xc4: {  	[tilespmem:s7], [sflag:$0x2] =	stream.linear.gather [hbm4b:s14+s2], $0x7D00, $0x38;
	[tilespmem:$0x16F30] =	vst v63  }
0xc5: {  	_ = 	snop  }
0xc6: {  	[spmem:s1] =	stream.indirect.scatter.add.f32 [tilespmem:s10], [sflag:$0x3], $0x10, s19, s8, $0xb8;
	[tilespmem:$0x16F30] =	vst v63  }
0xc7: {  	_ =	swait.ge [sflag:s5], $0x7D00  }
0xc8: {  	[sflag:s5] =	ssyncset.done $0x0  }
0xc9: {  	[sflag:s5] =	ssyncadd.s32 $0xFFFF8300  }
0xca: {  	_ =	swait.ge [sflag:s9], $0x7D00  }
0xcb: {  	[sflag:s9] =	ssyncset.done $0x0  }
0xcc: {  	[sflag:s9] =	ssyncadd.s32 $0xFFFF8300  }
0xcd: {  	[tilespmem:s10], [sflag:$0x1] =	stream.linear.gather [hbm4b:s11+s2], $0x7D00, $0x38;
	[tilespmem:$0x16F30] =	vst v63  }
0xce: {  	_ = 	snop  }
0xcf: {  	[spmem:s1] =	stream.indirect.scatter.add.f32 [tilespmem:s7], [sflag:$0x3], $0x10, s17, s8, $0xb8;
	[tilespmem:$0x16F30] =	vst v63  }
0xd0: {  	_ =	swait.ge [sflag:s5], $0x7D00  }
0xd1: {  	[sflag:s5] =	ssyncset.done $0x0  }
0xd2: {  	[sflag:s5] =	ssyncadd.s32 $0xFFFF8300  }
0xd3: {  	_ =	swait.ge [sflag:s12], $0x7D00  }
0xd4: {  	[sflag:s12] =	ssyncset.done $0x0  }
0xd5: {  	[sflag:s12] =	ssyncadd.s32 $0xFFFF8300  }
0xd6: {  	[tilespmem:s7], [sflag:$0x2] =	stream.linear.gather [hbm4b:s6+s2], $0x7D00, $0x38;
	[tilespmem:$0x16F30] =	vst v63  }
0xd7: {  	_ = 	snop  }
0xd8: {  	[spmem:s1] =	stream.indirect.scatter.add.f32 [tilespmem:s10], [sflag:$0x3], $0x10, s15, s8, $0xb8;
	[tilespmem:$0x16F30] =	vst v63  }
0xd9: {  	_ =	swait.ge [sflag:s5], $0x7D00  }
0xda: {  	[sflag:s5] =	ssyncset.done $0x0  }
0xdb: {  	[sflag:s5] =	ssyncadd.s32 $0xFFFF8300  }
0xdc: {  	_ =	swait.ge [sflag:s9], $0x7D00  }
0xdd: {  	[sflag:s9] =	ssyncset.done $0x0  }
0xde: {  	[sflag:s9] =	ssyncadd.s32 $0xFFFF8300  }
0xdf: {  	[spmem:s1] =	stream.indirect.scatter.add.f32 [tilespmem:s7], [sflag:$0x3], $0x10, s13, s8, $0xb8;
	[tilespmem:$0x16F30] =	vst v63  }
0xe0: {  	s31 =	sadd.s32 $0xFFFFFFFF, s31;
	_ =	swait.ge [sflag:s5], $0x7D00  }
0xe1: {  	p2 =	sne.s32 s31, $0x0;
	[sflag:s5] =	ssyncset.done $0x0  }
.Ltmp2:
0xe2: {  	[sflag:s5] =	ssyncadd.s32 $0xFFFF8300;
	(pc) =	sbr.rel @p2 .LBB2_3-.Ltmp2, $4  }
0xe3: {  	[bflag:$0x0] =	sbarrier.arrive $0xFFFF  }
0xe4: {  	[hbm:s3], [sflag:s30] =	dma.local @!p0 [spmem:s4], $0x4E20  }
0xe5: {  	_ =	swait.ge @!p0 [sflag:s29], $0x4E20  }
0xe6: {  	s0 =	rddreg [dreg:$0x4];
	[sflag:s29] =	ssyncset.done @!p0 $0x0  }
.LBB2_4:
0xe7: {  	p1 =	por p0, !p1  }
0xe8: {  	s30 =	simm.s32 @!p0 $0x1C03;
	[sflag:s29] =	ssyncadd.s32 @!p1 $0xFFFFB1E0;
	s29 =	simm.s32 @!p0 $0x3  }
0xe9: {  	[spmem:s4], [sflag:s30] =	dma.local @!p0 [hbm:s0], $0x4E20  }
0xea: {  	_ =	swait.ge @!p0 [sflag:s29], $0x4E20  }
0xeb: {  	[sflag:s29] =	ssyncset.done @!p0 $0x0  }
0xec: {  	s31 =	rddreg [dreg:$0x5];
	[sflag:s29] =	ssyncadd.s32 @!p0 $0xFFFFB1E0  }
0xed: {  	[tilespmem:s2], [sflag:$0x3] =	stream.linear.gather [hbm4b:s31+s2], $0x4E20, $0x38;
	[tilespmem:$0x16F30] =	vst v63  }
0xee: {  	_ =	swait.ge [sflag:s5], $0x4E20  }
0xef: {  	[sflag:s5] =	ssyncset.done $0x0  }
0xf0: {  	[sflag:s5] =	ssyncadd.s32 $0xFFFFB1E0  }
0xf1: {  	[bflag:$0x0] =	sbarrier.arrive $0xFFFF  }
0xf2: {  	s31 =	rddreg [dreg:$0x6]  }
0xf3: {  	[tilespmem:s10], [sflag:$0x1] =	stream.linear.gather [hbm4b:s31+s2], $0x7D00, $0x38;
	[tilespmem:$0x16F30] =	vst v63  }
0xf4: {  	_ =	swait.ge [sflag:s12], $0x7D00  }
0xf5: {  	[sflag:s12] =	ssyncset.done $0x0  }
0xf6: {  	[sflag:s12] =	ssyncadd.s32 $0xFFFF8300  }
0xf7: {  	[tilespmem:s7], [sflag:$0x2] =	stream.linear.gather [hbm4b:s26+s2], $0x7D00, $0x38;
	[tilespmem:$0x16F30] =	vst v63  }
0xf8: {  	_ = 	snop  }
0xf9: {  	[spmem:s1] =	stream.indirect.scatter.add.f32 [tilespmem:s10], [sflag:$0x3], $0x10, s2, s8, $0xb8;
	[tilespmem:$0x16F30] =	vst v63  }
0xfa: {  	_ =	swait.ge [sflag:s5], $0x7D00  }
0xfb: {  	[sflag:s5] =	ssyncset.done $0x0  }
0xfc: {  	[sflag:s5] =	ssyncadd.s32 $0xFFFF8300  }
0xfd: {  	_ =	swait.ge [sflag:s9], $0x7D00  }
0xfe: {  	[sflag:s9] =	ssyncset.done $0x0  }
0xff: {  	[sflag:s9] =	ssyncadd.s32 $0xFFFF8300  }
0x100: {  	[tilespmem:s10], [sflag:$0x1] =	stream.linear.gather [hbm4b:s24+s2], $0x7D00, $0x38;
	[tilespmem:$0x16F30] =	vst v63  }
0x101: {  	_ = 	snop  }
0x102: {  	[spmem:s1] =	stream.indirect.scatter.add.f32 [tilespmem:s7], [sflag:$0x3], $0x10, s8, s8, $0xb8;
	[tilespmem:$0x16F30] =	vst v63  }
0x103: {  	_ =	swait.ge [sflag:s5], $0x7D00  }
0x104: {  	[sflag:s5] =	ssyncset.done $0x0  }
0x105: {  	[sflag:s5] =	ssyncadd.s32 $0xFFFF8300  }
0x106: {  	_ =	swait.ge [sflag:s12], $0x7D00  }
0x107: {  	[sflag:s12] =	ssyncset.done $0x0  }
0x108: {  	[sflag:s12] =	ssyncadd.s32 $0xFFFF8300  }
0x109: {  	[tilespmem:s7], [sflag:$0x2] =	stream.linear.gather [hbm4b:s22+s2], $0x7D00, $0x38;
	[tilespmem:$0x16F30] =	vst v63  }
0x10a: {  	_ = 	snop  }
0x10b: {  	[spmem:s1] =	stream.indirect.scatter.add.f32 [tilespmem:s10], [sflag:$0x3], $0x10, s28, s8, $0xb8;
	[tilespmem:$0x16F30] =	vst v63  }
0x10c: {  	_ =	swait.ge [sflag:s5], $0x7D00  }
0x10d: {  	[sflag:s5] =	ssyncset.done $0x0  }
0x10e: {  	[sflag:s5] =	ssyncadd.s32 $0xFFFF8300  }
0x10f: {  	_ =	swait.ge [sflag:s9], $0x7D00  }
0x110: {  	[sflag:s9] =	ssyncset.done $0x0  }
0x111: {  	[sflag:s9] =	ssyncadd.s32 $0xFFFF8300  }
0x112: {  	[tilespmem:s10], [sflag:$0x1] =	stream.linear.gather [hbm4b:s20+s2], $0x7D00, $0x38;
	[tilespmem:$0x16F30] =	vst v63  }
0x113: {  	_ = 	snop  }
0x114: {  	[spmem:s1] =	stream.indirect.scatter.add.f32 [tilespmem:s7], [sflag:$0x3], $0x10, s25, s8, $0xb8;
	[tilespmem:$0x16F30] =	vst v63  }
0x115: {  	_ =	swait.ge [sflag:s5], $0x7D00  }
0x116: {  	[sflag:s5] =	ssyncset.done $0x0  }
0x117: {  	[sflag:s5] =	ssyncadd.s32 $0xFFFF8300  }
0x118: {  	_ =	swait.ge [sflag:s12], $0x7D00  }
0x119: {  	[sflag:s12] =	ssyncset.done $0x0  }
0x11a: {  	[sflag:s12] =	ssyncadd.s32 $0xFFFF8300  }
0x11b: {  	[tilespmem:s7], [sflag:$0x2] =	stream.linear.gather [hbm4b:s18+s2], $0x7D00, $0x38;
	[tilespmem:$0x16F30] =	vst v63  }
0x11c: {  	_ = 	snop  }
0x11d: {  	[spmem:s1] =	stream.indirect.scatter.add.f32 [tilespmem:s10], [sflag:$0x3], $0x10, s23, s8, $0xb8;
	[tilespmem:$0x16F30] =	vst v63  }
0x11e: {  	_ =	swait.ge [sflag:s5], $0x7D00  }
0x11f: {  	[sflag:s5] =	ssyncset.done $0x0  }
0x120: {  	[sflag:s5] =	ssyncadd.s32 $0xFFFF8300  }
0x121: {  	_ =	swait.ge [sflag:s9], $0x7D00  }
0x122: {  	[sflag:s9] =	ssyncset.done $0x0  }
0x123: {  	[sflag:s9] =	ssyncadd.s32 $0xFFFF8300  }
0x124: {  	[tilespmem:s10], [sflag:$0x1] =	stream.linear.gather [hbm4b:s16+s2], $0x7D00, $0x38;
	[tilespmem:$0x16F30] =	vst v63  }
0x125: {  	_ = 	snop  }
0x126: {  	[spmem:s1] =	stream.indirect.scatter.add.f32 [tilespmem:s7], [sflag:$0x3], $0x10, s21, s8, $0xb8;
	[tilespmem:$0x16F30] =	vst v63  }
0x127: {  	_ =	swait.ge [sflag:s5], $0x7D00  }
0x128: {  	[sflag:s5] =	ssyncset.done $0x0  }
0x129: {  	[sflag:s5] =	ssyncadd.s32 $0xFFFF8300  }
0x12a: {  	_ =	swait.ge [sflag:s12], $0x7D00  }
0x12b: {  	[sflag:s12] =	ssyncset.done $0x0  }
0x12c: {  	[sflag:s12] =	ssyncadd.s32 $0xFFFF8300  }
0x12d: {  	[tilespmem:s7], [sflag:$0x2] =	stream.linear.gather [hbm4b:s14+s2], $0x7D00, $0x38;
	[tilespmem:$0x16F30] =	vst v63  }
0x12e: {  	_ = 	snop  }
0x12f: {  	[spmem:s1] =	stream.indirect.scatter.add.f32 [tilespmem:s10], [sflag:$0x3], $0x10, s19, s8, $0xb8;
	[tilespmem:$0x16F30] =	vst v63  }
0x130: {  	_ =	swait.ge [sflag:s5], $0x7D00  }
0x131: {  	[sflag:s5] =	ssyncset.done $0x0  }
0x132: {  	[sflag:s5] =	ssyncadd.s32 $0xFFFF8300  }
0x133: {  	_ =	swait.ge [sflag:s9], $0x7D00  }
0x134: {  	[sflag:s9] =	ssyncset.done $0x0  }
0x135: {  	[sflag:s9] =	ssyncadd.s32 $0xFFFF8300  }
0x136: {  	[tilespmem:s10], [sflag:$0x1] =	stream.linear.gather [hbm4b:s11+s2], $0x7D00, $0x38;
	[tilespmem:$0x16F30] =	vst v63  }
0x137: {  	_ = 	snop  }
0x138: {  	[spmem:s1] =	stream.indirect.scatter.add.f32 [tilespmem:s7], [sflag:$0x3], $0x10, s17, s8, $0xb8;
	[tilespmem:$0x16F30] =	vst v63  }
0x139: {  	_ =	swait.ge [sflag:s5], $0x7D00  }
0x13a: {  	[sflag:s5] =	ssyncset.done $0x0  }
0x13b: {  	[sflag:s5] =	ssyncadd.s32 $0xFFFF8300  }
0x13c: {  	_ =	swait.ge [sflag:s12], $0x7D00  }
0x13d: {  	[sflag:s12] =	ssyncset.done $0x0  }
0x13e: {  	[sflag:s12] =	ssyncadd.s32 $0xFFFF8300  }
0x13f: {  	[tilespmem:s7], [sflag:$0x2] =	stream.linear.gather [hbm4b:s6+s2], $0x7D00, $0x38;
	[tilespmem:$0x16F30] =	vst v63  }
0x140: {  	_ = 	snop  }
0x141: {  	[spmem:s1] =	stream.indirect.scatter.add.f32 [tilespmem:s10], [sflag:$0x3], $0x10, s15, s8, $0xb8;
	[tilespmem:$0x16F30] =	vst v63  }
0x142: {  	_ =	swait.ge [sflag:s5], $0x7D00  }
0x143: {  	[sflag:s5] =	ssyncset.done $0x0  }
0x144: {  	[sflag:s5] =	ssyncadd.s32 $0xFFFF8300  }
0x145: {  	_ =	swait.ge [sflag:s9], $0x7D00  }
0x146: {  	[sflag:s9] =	ssyncset.done $0x0  }
0x147: {  	[sflag:s9] =	ssyncadd.s32 $0xFFFF8300  }
0x148: {  	[spmem:s1] =	stream.indirect.scatter.add.f32 [tilespmem:s7], [sflag:$0x3], $0x10, s13, s8, $0xb8;
	[tilespmem:$0x16F30] =	vst v63  }
0x149: {  	_ =	swait.ge [sflag:s5], $0x7D00  }
0x14a: {  	[sflag:s5] =	ssyncset.done $0x0  }
0x14b: {  	[sflag:s5] =	ssyncadd.s32 $0xFFFF8300  }
0x14c: {  	[bflag:$0x0] =	sbarrier.arrive $0xFFFF  }
0x14d: {  	[hbm:s3], [sflag:s30] =	dma.local @!p0 [spmem:s4], $0x4E20  }
0x14e: {  	_ =	swait.ge @!p0 [sflag:s29], $0x4E20  }
0x14f: {  	[sflag:s29] =	ssyncset.done @!p0 $0x0  }
0x150: {  	[sflag:s29] =	ssyncadd.s32 @!p0 $0xFFFFB1E0  }
0x151: {  	_ =	sfence.sel $0x180000  }
0x152: {  	[bflag:$0x0] =	sbarrier.arrive $0xFFFF  }
0x153: {  	_ =	strace $0x9000004A  }
0x154: {  	[bflag:$0x2] =	sbarrier.arrive $0xFFFF  }
0x155: {  	s0 =	rddreg [dreg:$0x3]  }
0x156: {  	s0 =	sadd.s32 @!p0 $0x100000, s0  }
0x157: {  	[sflag:s0] =	ssyncadd.tile.s32 @!p0 $0x1;
	_ =	shalt  }
.LBB2_1:
.Ltmp3:
0x158: {  	(pc) =	sbr.rel .LBB2_4-.Ltmp3, $2  }
0x159: {  	_ =	sdelay $0x2  }
0x15a: {  	_ = 	snop  }
.Lfunc_end2:
_tile_overlayer_lowered:
.L_overlay_start_2:
0x15b: {  	(tag) =	ssettag $0x2  }
0x15c: {  	s0 =	rddreg [dreg:$0x0];
	s2 =	stileid.u32  }
0x15d: {  	s1 =	rddreg [dreg:$0x1];
	p0 =	sne.s32 s2, $0x0  }
0x15e: {  	s3 =	rddreg [dreg:$0x2];
	[bflag:$0x3] =	sbarrier.arrive $0xFFFF;
	s2 =	simm.s32 @!p0 $0x1C03  }
0x15f: {  	[timem:s3], [sflag:s2] =	dma.local @!p0 [hbm:s0], s1  }
0x160: {  	s0 =	simm.s32 @!p0 $0x3  }
0x161: {  	_ =	swait.ge @!p0 [sflag:s0], s1  }
0x162: {  	s1 =	ssub.s32 @!p0 $0x0, s1;
	[sflag:s0] =	ssyncset.done @!p0 $0x0  }
0x163: {  	[sflag:s0] =	ssyncadd.s32 @!p0 s1  }
0x164: {  	[bflag:$0x3] =	sbarrier.arrive $0xFFFF  }
0x165: {  	_ =	shalt  }

// kernel: kernel.7.cloned.1.call-start
scs
__scs_entry_jumppad:
0x0: {  	(pc) =	sbr.rel $0x88, $3  }
0x1: {  	(tag) =	ssettag $0x0;
	lr =	simm.s32 $0x1  }
0x2: {  	[smem:$0x3F99] =	sst lr;
	_ =	strace $0xD0000000  }
0x3: {  	_ = 	snop  }
0x4: {  	_ = 	snop  }
0x5: {  	_ = 	snop  }
0x6: {  	_ = 	snop  }
0x7: {  	_ = 	snop  }
__scs_overlays_trampoline_lowered:
0x8: {  	[smem:$0x3FA8] =	sst s0  }
0x9: {  	[smem:$0x3FA9] =	sst s1  }
0xa: {  	[smem:$0x3FAA] =	sst s2  }
0xb: {  	[smem:$0x3FAB] =	sst s3  }
0xc: {  	[smem:$0x3FAC] =	sst s4  }
0xd: {  	[smem:$0x3FAD] =	sst s5  }
0xe: {  	[smem:$0x3FAE] =	sst s6  }
0xf: {  	[smem:$0x3FAF] =	sst s7  }
0x10: {  	[smem:$0x3FB0] =	sst s8  }
0x11: {  	[smem:$0x3FB1] =	sst s9;
	s0 =	simm.s32 @!p0 $0x0  }
0x12: {  	s1 =	sld [smem:$0x3F97];
	s0 =	simm.s32 @p0 $0x1  }
0x13: {  	[smem:$0x3FB2] =	sst s0;
	s0 =	simm.s32 @!p1 $0x0  }
0x14: {  	s2 =	sld [smem:$0x3F96];
	s0 =	simm.s32 @p1 $0x1  }
0x15: {  	[smem:$0x3FB3] =	sst s0;
	s0 =	simm.s32 @!p2 $0x0  }
0x16: {  	s3 =	sld [smem:$0x3FDB];
	s0 =	simm.s32 @p2 $0x1  }
0x17: {  	s4 =	simm.s32 $0x1BF5;
	[smem:$0x3FB5] =	sst s0  }
0x18: {  	s0 =	sld [smem:$0x3F98];
	_ =	swait.ge [sflag:s4], $0x0  }
0x19: {  	s7 =	sld [smem:$0x3F99]  }
0x1a: {  	s8 =	sadd.s32 $0xFFFFE003, lr  }
0x1b: {  	s9 =	sadd.s32 $0xFFFFFEF7, lr;
	s5 =	simm.s32 $0xFFFFFFFF;
	p2 =	slt.u32 s8, $0xFFFFF086  }
0x1c: {  	p1 =	slt.u32 s9, $0xF7A;
	s5 =	simm.s32 @!p2 $0x0  }
0x1d: {  	s5 =	simm.s32 @p1 $0x1;
	p0 =	seq.s32 s7, s2  }
0x1e: {  	s7 =	smul.u32 @!p0 $0xF7A, s2;
	p2 =	seq.s32 @!p0 s5, $0x0  }
0x1f: {  	s9 =	smul.u32 $0xF7A, s1;
	s8 =	simm.s32 @!p0 $0x1BF5;
	p2 =	por !p2, p0  }
0x20: {  	[sflag:s8] =	ssyncset.s32 @!p0 $0xFFFFF086;
	s6 =	sadd.s32 @!p0 s3, s7;
	s7 =	simm.s32 @!p0 $0x108  }
0x21: {  	s3 =	sadd.s32 s3, s9;
	s6 =	sadd.s32 @!p0 $0x88, s6;
	s7 =	simm.s32 @p2 $0x1082  }
0x22: {  	[simem:s7], [sflag:s8] =	dma.local @!p0 [hbm:s6], $0xF7A  }
0x23: {  	s9 =	sor.u32 $0xD0000000, s2;
	s6 =	simm.s32 $0x108;
	_ =	swait.ge @!p0 [sflag:s8], $0x0  }
0x24: {  	s3 =	sadd.s32 $0x88, s3;
	s6 =	simm.s32 @!p1 $0x1082;
	[sflag:s4] =	ssyncset.s32 $0xFFFFF086  }
0x25: {  	[simem:s6], [sflag:s4] =	dma.local [hbm:s3], $0xF7A  }
0x26: {  	[smem:$0x3F99] =	sst s1;
	(tag) =	ssettag s2;
	_ =	strace s9  }
0x27: {  	s1 =	sld [smem:$0x3FA9]  }
0x28: {  	s2 =	sld [smem:$0x3FAA]  }
0x29: {  	s4 =	sld [smem:$0x3FAC]  }
0x2a: {  	p0 =	seq.s32 s5, $0x0;
	s5 =	sld [smem:$0x3FAD]  }
0x2b: {  	s6 =	sld [smem:$0x3FAE]  }
0x2c: {  	s7 =	sld [smem:$0x3FAF]  }
0x2d: {  	s3 =	simm.s32 $0x108;
	s8 =	sld [smem:$0x3FB0]  }
0x2e: {  	s3 =	simm.s32 @!p0 $0x1082;
	s9 =	sld [smem:$0x3FB1]  }
0x2f: {  	lr =	sadd.s32 s0, s3;
	s0 =	sld [smem:$0x3FA8]  }
0x30: {  	s3 =	sld [smem:$0x3FAB]  }
0x31: {  	[smem:$0x3FB4] =	sst s10  }
0x32: {  	s10 =	sld [smem:$0x3FB2];
	_ =	sdelay $0x3  }
0x33: {  	p0 =	seq.s32 s10, $0x1;
	s10 =	sld [smem:$0x3FB4];
	_ =	sdelay $0x3  }
0x34: {  	[smem:$0x3FB4] =	sst s10  }
0x35: {  	s10 =	sld [smem:$0x3FB3];
	_ =	sdelay $0x3  }
0x36: {  	p1 =	seq.s32 s10, $0x1;
	s10 =	sld [smem:$0x3FB4];
	_ =	sdelay $0x3  }
0x37: {  	[smem:$0x3FB4] =	sst s10  }
0x38: {  	s10 =	sld [smem:$0x3FB5]  }
0x39: {  	_ = 	snop;
	(pc) =	sbr.ind lr, $3  }
0x3a: {  	_ = 	snop  }
0x3b: {  	_ = 	snop  }
0x3c: {  	p2 =	seq.s32 s10, $0x1;
	s10 =	sld [smem:$0x3FB4]  }
0x3d: {  	_ =	shalt  }
0x3e: {  	_ =	shalt  }
0x3f: {  	_ =	shalt  }
0x40: {  	_ =	shalt  }
0x41: {  	_ =	shalt  }
0x42: {  	_ =	shalt  }
0x43: {  	_ =	shalt  }
0x44: {  	_ =	shalt  }
0x45: {  	_ =	shalt  }
0x46: {  	_ =	shalt  }
0x47: {  	_ =	shalt  }
0x48: {  	_ =	shalt  }
0x49: {  	_ =	shalt  }
0x4a: {  	_ =	shalt  }
0x4b: {  	_ =	shalt  }
0x4c: {  	_ =	shalt  }
0x4d: {  	_ =	shalt  }
0x4e: {  	_ =	shalt  }
0x4f: {  	_ =	shalt  }
0x50: {  	_ =	shalt  }
0x51: {  	_ =	shalt  }
0x52: {  	_ =	shalt  }
0x53: {  	_ =	shalt  }
0x54: {  	_ =	shalt  }
0x55: {  	_ =	shalt  }
0x56: {  	_ =	shalt  }
0x57: {  	_ =	shalt  }
0x58: {  	_ =	shalt  }
0x59: {  	_ =	shalt  }
0x5a: {  	_ =	shalt  }
0x5b: {  	_ =	shalt  }
0x5c: {  	_ =	shalt  }
0x5d: {  	_ =	shalt  }
0x5e: {  	_ =	shalt  }
0x5f: {  	_ =	shalt  }
0x60: {  	_ =	shalt  }
0x61: {  	_ =	shalt  }
0x62: {  	_ =	shalt  }
0x63: {  	_ =	shalt  }
0x64: {  	_ =	shalt  }
0x65: {  	_ =	shalt  }
0x66: {  	_ =	shalt  }
0x67: {  	_ =	shalt  }
0x68: {  	_ =	shalt  }
0x69: {  	_ =	shalt  }
0x6a: {  	_ =	shalt  }
0x6b: {  	_ =	shalt  }
0x6c: {  	_ =	shalt  }
0x6d: {  	_ =	shalt  }
0x6e: {  	_ =	shalt  }
0x6f: {  	_ =	shalt  }
0x70: {  	_ =	shalt  }
0x71: {  	_ =	shalt  }
0x72: {  	_ =	shalt  }
0x73: {  	_ =	shalt  }
0x74: {  	_ =	shalt  }
0x75: {  	_ =	shalt  }
0x76: {  	_ =	shalt  }
0x77: {  	_ =	shalt  }
0x78: {  	_ =	shalt  }
0x79: {  	_ =	shalt  }
0x7a: {  	_ =	shalt  }
0x7b: {  	_ =	shalt  }
0x7c: {  	_ =	shalt  }
0x7d: {  	_ =	shalt  }
0x7e: {  	_ =	shalt  }
0x7f: {  	_ =	shalt  }
0x80: {  	_ =	shalt  }
0x81: {  	_ =	shalt  }
0x82: {  	_ =	shalt  }
0x83: {  	_ =	shalt  }
0x84: {  	_ =	shalt  }
0x85: {  	_ =	shalt  }
0x86: {  	_ =	shalt  }
0x87: {  	_ =	shalt  }
.Lfunc_end0:
.L_simem_size_0:
called_computation_lowered:
.L_overlay_start_0:
0x88: {  	s2 =	sld [smem:$0x3FD9]  }
0x89: {  	s3 =	sld [smem:$0x3FFE];
	_ =	sdelay $0x1  }
0x8a: {  	s1 =	srdreg.scid  }
0x8b: {  	s0 =	sand.u32 $0x1, s1  }
0x8c: {  	s14 =	sshll.u32 s0, $0xA;
	s2 =	sadd.s32 s3, s2  }
0x8d: {  	s2 =	sadd.s32 s2, s14  }
0x8e: {  	[smem:$0x3FC0] =	sst s2  }
0x8f: {  	_ = 	snop  }
0x90: {  	s2 =	sld [smem:$0x3FD0];
	_ =	sdelay $0x2  }
0x91: {  	s15 =	simm.s32 $0xA;
	s4 =	simm.s32 $0x10  }
0x92: {  	[smem:s4], [sflag:s15] =	dma.local [hbm:s2], $0x1  }
0x93: {  	_ =	swait.eq [sflag:s15], $0x1  }
0x94: {  	[sflag:s15] =	ssyncset.done $0x0  }
0x95: {  	[sflag:s15] =	ssyncadd.s32 $0xFFFFFFFF  }
0x96: {  	s16 =	sld [smem:$0x10];
	(tm) =	ssettm $0x1  }
0x97: {  	s17 =	sld [smem:$0x3FFB];
	_ =	sdelay $0x3  }
0x98: {  	_ =	strace s17  }
0x99: {  	s3 =	sld [smem:$0x3FFC];
	_ =	sdelay $0x3  }
0x9a: {  	_ =	strace s3  }
0x9b: {  	s3 =	sld [smem:$0x3FFD];
	_ =	sdelay $0x3  }
0x9c: {  	_ =	strace s3  }
0x9d: {  	_ =	strace $0x8FFFFFFF  }
0x9e: {  	s18 =	sld [smem:$0x3FDB];
	_ =	sdelay $0x1  }
0x9f: {  	s19 =	simm.s32 $_scs_section_size  }
0xa0: {  	s5 =	simm.s32 $_size__tile_overlayer_lowered;
	s6 =	simm.s32 $_tile_overlayer_lowered  }
0xa1: {  	s22 =	simm.s32 $0x1BFF;
	s21 =	sshll.u32 s6, $0x1;
	s3 =	sadd.s32 s19, s18  }
0xa2: {  	s7 =	simm.s32 $0x0;
	s20 =	sshll.u32 s5, $0x1;
	s5 =	sadd.s32 s21, s3  }
0xa3: {  	[timem:s7], [sflag:s22] =	dma.local [hbm:s5], s20  }
0xa4: {  	_ =	swait.ge [sflag:s22], s20  }
0xa5: {  	s4 =	ssub.s32 $0x0, s20;
	[sflag:s22] =	ssyncset.done $0x0  }
0xa6: {  	[sflag:s22] =	ssyncadd.s32 s4;
	_ =	sdelay $0x1  }
0xa7: {  	s23 =	simm.s32 $0x1B8B  }
0xa8: {  	_ =	swait.ge [sflag:s23], $0x1  }
0xa9: {  	[sflag:s23] =	ssyncset.done $0x0  }
0xaa: {  	s25 =	simm.s32 $0x1B8E;
	s24 =	sld [smem:$0x3FFE];
	[sflag:s23] =	ssyncadd.s32 $0xFFFFFFFF  }
0xab: {  	s26 =	simm.s32 $execute0_lowered;
	[smem:$0x3FD2] =	sst s25  }
0xac: {  	s5 =	sshll.u32 s26, $0x1;
	_ =	strace $0x80000046;
	[dreg:$0x1] =	wrdreg $0xFFFFFFFF  }
0xad: {  	s28 =	simm.s32 $_size_execute0_lowered;
	s3 =	sadd.s32 s3, s5;
	[dreg:$0x0] =	wrdreg $0x0  }
0xae: {  	s5 =	sshll.u32 s28, $0x1;
	[dreg:$0x2] =	wrdreg s3  }
0xaf: {  	[dreg:$0x3] =	wrdreg s5  }
0xb0: {  	[dreg:$0x4] =	wrdreg $0xC0  }
0xb1: {  	_ =	task [dreg:s7], $0x5FFFF  }
0xb2: {  	[dreg:$0x1] =	wrdreg $0xFFFFFFFF  }
0xb3: {  	[dreg:$0x0] =	wrdreg $0x60  }
0xb4: {  	[dreg:$0x2] =	wrdreg s24  }
0xb5: {  	[dreg:$0x3] =	wrdreg s16  }
0xb6: {  	[dreg:$0x4] =	wrdreg $0x14FF00  }
0xb7: {  	[dreg:$0x5] =	wrdreg $0x9  }
0xb8: {  	_ =	task.clear_ibuf [dreg:s7], $0x6FFFF;
	_ =	strace $0x90000046  }
0xb9: {  	s29 =	simm.s32 $0x9;
	_ =	strace $0x80000048  }
0xba: {  	_ =	swait.ge [sflag:s29], $0x1  }
0xbb: {  	[sflag:s29] =	ssyncadd.s32 $0xFFFFFFFF  }
0xbc: {  	_ =	strace $0x90000048  }
0xbd: {  	_ =	sfence  }
0xbe: {  	s30 =	sld [smem:$0x0];
	_ =	sdelay $0x2  }
0xbf: {  	s31 =	sshll.u32 s1, $0xD;
	s1 =	sshrl.u32 s1, $0x2  }
0xc0: {  	s3 =	sand.u32 $0x4000, s31;
	s1 =	sadd.s32 s1, s30  }
0xc1: {  	s0 =	sor.u32 s3, s0;
	s1 =	sshll.u32 s1, $0x11  }
0xc2: {  	s0 =	sor.u32 s1, s0  }
0xc3: {  	s0 =	sadd.s32 $0x8F2B, s0  }
0xc4: {  	[sflag:s0] =	ssyncadd.remote.s32 $0x1  }
0xc5: {  	_ =	sfence.sel $0xFFFF  }
0xc6: {  	[dreg:$0x0] =	wrdreg $0xFFFFFFFF;
	(pc) =	sbr.abs _section_cstart, $3  }
0xc7: {  	[dreg:$0x1] =	wrdreg $0xFFFFFFFF  }
0xc8: {  	_ =	task.clear_ibuf [dreg:s7], $0x2FFFF;
	_ =	strace $0x9FFFFFFF  }
0xc9: {  	(tm) =	ssettm $0x7FFFFFFF  }
tec
execute0_lowered:
.L_overlay_start_1:
0x0: {  	(tag) =	ssettag $0x1  }
0x1: {  	s0 =	rddreg [dreg:$0x0]  }
0x2: {  	s3 =	rddreg [dreg:$0x1]  }
0x3: {  	s1 =	rddreg [dreg:$0x2];
	s2 =	srdreg.scid  }
0x4: {  	s6 =	stileid.u32;
	s28 =	simm.s32 $0xFA0;
	p1 =	por $0x0, $0x0  }
0x5: {  	s4 =	sand.u32 $0x1, s2;
	s2 =	simm.s32 $0x0;
	s7 =	sadd.s32 $0x7400, s0  }
0x6: {  	s11 =	sadd.s32 $0x7A00, s0;
	s12 =	sadd.s32 $0x7C00, s0;
	s5 =	sshll.u32 s4, $0x4  }
0x7: {  	p0 =	sne.s32 s6, $0x0;
	s18 =	smul.u32 $0x7D0, s4;
	s5 =	sor.u32 s6, s5  }
0x8: {  	[smem:$0x7FF] =	sst s2;
	s4 =	ssub.s32 $0x2, s4;
	s8 =	smul.u32 $0x9C4, s5  }
0x9: {  	_ =	strace $0x80000047;
	[dreg:$0x4] =	wrdreg s7;
	s9 =	smul.u32 $0x4E200, s5  }
0xa: {  	[dreg:$0x5] =	wrdreg s11;
	s24 =	sshrl.u32 s4, $0x1;
	s5 =	smul.u32 $0x9C40, s5  }
0xb: {  	s11 =	simm.s32 $0x14820;
	s4 =	ssub.s32 s4, s24;
	s24 =	simm.s32 $0x2710  }
0xc: {  	s3 =	sadd.s32 s3, s8;
	s13 =	sshrl.u32 s9, $0x3;
	s14 =	sadd.s32 s12, s5  }
0xd: {  	s5 =	sadd.s32 $0x2400, s0;
	[dreg:$0x6] =	wrdreg s3;
	s7 =	sadd.s32 s12, s13  }
0xe: {  	s8 =	sshrl.u32 s18, $0x3;
	[dreg:$0x7] =	wrdreg s14;
	s15 =	sadd.s32 $0xFA0, s7  }
0xf: {  	s9 =	simm.s32 $0x5;
	s16 =	sadd.s32 $0x1F40, s7;
	[dreg:$0x8] =	wrdreg s15  }
0x10: {  	s18 =	simm.s32 $0x4E20;
	s17 =	sadd.s32 $0x2EE0, s7;
	[dreg:$0x9] =	wrdreg s16  }
0x11: {  	s0 =	sadd.s32 s8, s0;
	s19 =	sadd.s32 $0x3E80, s7;
	[dreg:$0xa] =	wrdreg s17  }
0x12: {  	s8 =	sadd.s32 $0xFA0, s1;
	s20 =	sadd.s32 $0x4E20, s7;
	[dreg:$0xb] =	wrdreg s19  }
0x13: {  	s14 =	simm.s32 $0x7D0;
	s21 =	sadd.s32 $0x5DC0, s7;
	[dreg:$0xc] =	wrdreg s20  }
0x14: {  	s13 =	simm.s32 $0x3;
	s22 =	sadd.s32 $0x6D60, s7;
	[dreg:$0xd] =	wrdreg s21  }
0x15: {  	s12 =	simm.s32 $0x4;
	s23 =	sadd.s32 $0x7D00, s7;
	[dreg:$0xe] =	wrdreg s22  }
0x16: {  	s25 =	sadd.s32 $0x8CA0, s7;
	s26 =	sadd.s32 $0x140400, s0;
	[dreg:$0xf] =	wrdreg s23  }
0x17: {  	s29 =	sadd.s32 $0x1405F4, s0;
	s7 =	sadd.s32 $0x7D0, s1;
	[dreg:$0x10] =	wrdreg s25  }
0x18: {  	s30 =	sadd.s32 $0x1407E8, s0;
	s3 =	sadd.s32 $0x140BD0, s0;
	[dreg:$0x11] =	wrdreg s26  }
0x19: {  	s8 =	sshrl.u32 @!p0 s8, $0x3;
	s17 =	smax.u32 s4, $0x1;
	[dreg:$0x12] =	wrdreg s29  }
0x1a: {  	[dreg:$0x13] =	wrdreg s30;
	s4 =	sadd.s32 $0x1409DC, s0;
	s31 =	sadd.s32 $0xFFFFFFFF, s17  }
0x1b: {  	s20 =	sadd.s32 $0x1770, s1;
	s0 =	sadd.s32 $0x1F40, s1;
	p2 =	sne.s32 s31, $0x0  }
.Ltmp0:
0x1c: {  	s19 =	simm.s32 $0x1;
	s15 =	simm.s32 $0xCB20;
	(pc) =	sbr.rel @!p2 .LBB2_1-.Ltmp0, $4  }
0x1d: {  	s16 =	simm.s32 $0x2;
	s26 =	simm.s32 $0x1770;
	s25 =	simm.s32 $0x1F40  }
0x1e: {  	s23 =	simm.s32 $0x2EE0;
	s22 =	simm.s32 $0x36B0;
	s10 =	sshrl.u32 @!p0 s7, $0x3  }
0x1f: {  	s21 =	simm.s32 $0x3E80;
	s7 =	sshrl.u32 @!p0 s20, $0x3;
	s6 =	sshrl.u32 @!p0 s0, $0x3  }
0x20: {  	s20 =	simm.s32 $0x4650;
	s0 =	rddreg [dreg:$0x4];
	s17 =	sshrl.u32 @!p0 s1, $0x3  }
0x21: {  	s30 =	simm.s32 @!p0 $0x1C05;
	s29 =	simm.s32 @!p0 $0x5  }
0x22: {  	[spmem:s17], [sflag:s30] =	dma.local @!p0 [hbm:s0], $0x4E2  }
0x23: {  	_ =	swait.ge @!p0 [sflag:s29], $0x4E2  }
0x24: {  	[sflag:s29] =	ssyncset.done @!p0 $0x0  }
0x25: {  	s0 =	rddreg [dreg:$0x5];
	[sflag:s29] =	ssyncadd.s32 @!p0 $0xFFFFFB1E  }
0x26: {  	[tilespmem:s11], [sflag:$0x5] =	stream.linear.gather [hbm4b:s0+s2], $0x7D0, $0x38;
	[tilespmem:$0x15268] =	vst v63  }
0x27: {  	_ =	swait.ge [sflag:s9], $0x7D0  }
0x28: {  	[sflag:s9] =	ssyncset.done $0x0  }
0x29: {  	s0 =	rddreg [dreg:$0x6];
	[sflag:s9] =	ssyncadd.s32 $0xFFFFF830  }
0x2a: {  	[tilespmem:s2], [sflag:$0x5] =	stream.linear.gather [hbm4b:s0+s2], $0x4E20, $0x38;
	[tilespmem:$0x15268] =	vst v63  }
0x2b: {  	_ =	swait.ge [sflag:s9], $0x4E20  }
0x2c: {  	[sflag:s9] =	ssyncset.done $0x0  }
0x2d: {  	[sflag:s9] =	ssyncadd.s32 $0xFFFFB1E0  }
0x2e: {  	[bflag:$0x0] =	sbarrier.arrive $0xFFFF  }
0x2f: {  	[tilespmem:s18], [sflag:$0x1] =	stream.indirect.gather [hbm4b:s5+s14], $0x10, s2, s14, $0xb8;
	[tilespmem:$0x15268] =	vst v63  }
0x30: {  	_ =	swait.ge [sflag:s19], $0x7D00  }
0x31: {  	[sflag:s19] =	ssyncset.done $0x0  }
0x32: {  	s0 =	rddreg [dreg:$0x7];
	[sflag:s19] =	ssyncadd.s32 $0xFFFF8300  }
0x33: {  	[hbm4b:s0+s2] =	stream.linear.scatter [tilespmem:s18], [sflag:$0x3], $0x7D00, $0x38;
	[tilespmem:$0x15268] =	vst v63  }
0x34: {  	_ = 	snop  }
0x35: {  	[spmem:s1] =	stream.indirect.scatter.add.f32 [tilespmem:s11], [sflag:$0x5], $0x1, s2, s14, $0xb8;
	[tilespmem:$0x15268] =	vst v63  }
0x36: {  	_ =	swait.ge [sflag:s9], $0x7D0  }
0x37: {  	[sflag:s9] =	ssyncset.done $0x0  }
0x38: {  	[sflag:s9] =	ssyncadd.s32 $0xFFFFF830  }
0x39: {  	[tilespmem:s15], [sflag:$0x2] =	stream.indirect.gather [hbm4b:s5+s14], $0x10, s14, s14, $0xb8;
	[tilespmem:$0x15268] =	vst v63  }
0x3a: {  	_ =	swait.ge [sflag:s16], $0x7D00  }
0x3b: {  	[sflag:s16] =	ssyncset.done $0x0  }
0x3c: {  	s0 =	rddreg [dreg:$0x8];
	[sflag:s16] =	ssyncadd.s32 $0xFFFF8300  }
0x3d: {  	[hbm4b:s0+s2] =	stream.linear.scatter [tilespmem:s15], [sflag:$0x4], $0x7D00, $0x38;
	[tilespmem:$0x15268] =	vst v63  }
0x3e: {  	_ = 	snop  }
0x3f: {  	[spmem:s1] =	stream.indirect.scatter.add.f32 [tilespmem:s11], [sflag:$0x5], $0x1, s14, s14, $0xb8;
	[tilespmem:$0x15268] =	vst v63  }
0x40: {  	_ =	swait.ge [sflag:s9], $0x7D0  }
0x41: {  	[sflag:s9] =	ssyncset.done $0x0  }
0x42: {  	[sflag:s9] =	ssyncadd.s32 $0xFFFFF830  }
0x43: {  	_ =	swait.ge [sflag:s13], $0x7D00  }
0x44: {  	[sflag:s13] =	ssyncset.done $0x0  }
0x45: {  	[sflag:s13] =	ssyncadd.s32 $0xFFFF8300  }
0x46: {  	[tilespmem:s18], [sflag:$0x1] =	stream.indirect.gather [hbm4b:s5+s14], $0x10, s28, s14, $0xb8;
	[tilespmem:$0x15268] =	vst v63  }
0x47: {  	_ =	swait.ge [sflag:s19], $0x7D00  }
0x48: {  	[sflag:s19] =	ssyncset.done $0x0  }
0x49: {  	s0 =	rddreg [dreg:$0x9];
	[sflag:s19] =	ssyncadd.s32 $0xFFFF8300  }
0x4a: {  	[hbm4b:s0+s2] =	stream.linear.scatter [tilespmem:s18], [sflag:$0x3], $0x7D00, $0x38;
	[tilespmem:$0x15268] =	vst v63  }
0x4b: {  	_ = 	snop  }
0x4c: {  	[spmem:s1] =	stream.indirect.scatter.add.f32 [tilespmem:s11], [sflag:$0x5], $0x1, s28, s14, $0xb8;
	[tilespmem:$0x15268] =	vst v63  }
0x4d: {  	_ =	swait.ge [sflag:s9], $0x7D0  }
0x4e: {  	[sflag:s9] =	ssyncset.done $0x0  }
0x4f: {  	[sflag:s9] =	ssyncadd.s32 $0xFFFFF830  }
0x50: {  	_ =	swait.ge [sflag:s12], $0x7D00  }
0x51: {  	[sflag:s12] =	ssyncset.done $0x0  }
0x52: {  	[sflag:s12] =	ssyncadd.s32 $0xFFFF8300  }
0x53: {  	[tilespmem:s15], [sflag:$0x2] =	stream.indirect.gather [hbm4b:s5+s14], $0x10, s26, s14, $0xb8;
	[tilespmem:$0x15268] =	vst v63  }
0x54: {  	_ =	swait.ge [sflag:s16], $0x7D00  }
0x55: {  	[sflag:s16] =	ssyncset.done $0x0  }
0x56: {  	s0 =	rddreg [dreg:$0xa];
	[sflag:s16] =	ssyncadd.s32 $0xFFFF8300  }
0x57: {  	[hbm4b:s0+s2] =	stream.linear.scatter [tilespmem:s15], [sflag:$0x4], $0x7D00, $0x38;
	[tilespmem:$0x15268] =	vst v63  }
0x58: {  	_ = 	snop  }
0x59: {  	[spmem:s1] =	stream.indirect.scatter.add.f32 [tilespmem:s11], [sflag:$0x5], $0x1, s26, s14, $0xb8;
	[tilespmem:$0x15268] =	vst v63  }
0x5a: {  	_ =	swait.ge [sflag:s9], $0x7D0  }
0x5b: {  	[sflag:s9] =	ssyncset.done $0x0  }
0x5c: {  	[sflag:s9] =	ssyncadd.s32 $0xFFFFF830  }
0x5d: {  	_ =	swait.ge [sflag:s13], $0x7D00  }
0x5e: {  	[sflag:s13] =	ssyncset.done $0x0  }
0x5f: {  	[sflag:s13] =	ssyncadd.s32 $0xFFFF8300  }
0x60: {  	[tilespmem:s18], [sflag:$0x1] =	stream.indirect.gather [hbm4b:s5+s14], $0x10, s25, s14, $0xb8;
	[tilespmem:$0x15268] =	vst v63  }
0x61: {  	_ =	swait.ge [sflag:s19], $0x7D00  }
0x62: {  	[sflag:s19] =	ssyncset.done $0x0  }
0x63: {  	s0 =	rddreg [dreg:$0xb];
	[sflag:s19] =	ssyncadd.s32 $0xFFFF8300  }
0x64: {  	[hbm4b:s0+s2] =	stream.linear.scatter [tilespmem:s18], [sflag:$0x3], $0x7D00, $0x38;
	[tilespmem:$0x15268] =	vst v63  }
0x65: {  	_ = 	snop  }
0x66: {  	[spmem:s1] =	stream.indirect.scatter.add.f32 [tilespmem:s11], [sflag:$0x5], $0x1, s25, s14, $0xb8;
	[tilespmem:$0x15268] =	vst v63  }
0x67: {  	_ =	swait.ge [sflag:s9], $0x7D0  }
0x68: {  	[sflag:s9] =	ssyncset.done $0x0  }
0x69: {  	[sflag:s9] =	ssyncadd.s32 $0xFFFFF830  }
0x6a: {  	_ =	swait.ge [sflag:s12], $0x7D00  }
0x6b: {  	[sflag:s12] =	ssyncset.done $0x0  }
0x6c: {  	[sflag:s12] =	ssyncadd.s32 $0xFFFF8300  }
0x6d: {  	[tilespmem:s15], [sflag:$0x2] =	stream.indirect.gather [hbm4b:s5+s14], $0x10, s24, s14, $0xb8;
	[tilespmem:$0x15268] =	vst v63  }
0x6e: {  	_ =	swait.ge [sflag:s16], $0x7D00  }
0x6f: {  	[sflag:s16] =	ssyncset.done $0x0  }
0x70: {  	s0 =	rddreg [dreg:$0xc];
	[sflag:s16] =	ssyncadd.s32 $0xFFFF8300  }
0x71: {  	[hbm4b:s0+s2] =	stream.linear.scatter [tilespmem:s15], [sflag:$0x4], $0x7D00, $0x38;
	[tilespmem:$0x15268] =	vst v63  }
0x72: {  	_ = 	snop  }
0x73: {  	[spmem:s1] =	stream.indirect.scatter.add.f32 [tilespmem:s11], [sflag:$0x5], $0x1, s24, s14, $0xb8;
	[tilespmem:$0x15268] =	vst v63  }
0x74: {  	_ =	swait.ge [sflag:s9], $0x7D0  }
0x75: {  	[sflag:s9] =	ssyncset.done $0x0  }
0x76: {  	[sflag:s9] =	ssyncadd.s32 $0xFFFFF830  }
0x77: {  	_ =	swait.ge [sflag:s13], $0x7D00  }
0x78: {  	[sflag:s13] =	ssyncset.done $0x0  }
0x79: {  	[sflag:s13] =	ssyncadd.s32 $0xFFFF8300  }
0x7a: {  	[tilespmem:s18], [sflag:$0x1] =	stream.indirect.gather [hbm4b:s5+s14], $0x10, s23, s14, $0xb8;
	[tilespmem:$0x15268] =	vst v63  }
0x7b: {  	_ =	swait.ge [sflag:s19], $0x7D00  }
0x7c: {  	[sflag:s19] =	ssyncset.done $0x0  }
0x7d: {  	s0 =	rddreg [dreg:$0xd];
	[sflag:s19] =	ssyncadd.s32 $0xFFFF8300  }
0x7e: {  	[hbm4b:s0+s2] =	stream.linear.scatter [tilespmem:s18], [sflag:$0x3], $0x7D00, $0x38;
	[tilespmem:$0x15268] =	vst v63  }
0x7f: {  	_ = 	snop  }
0x80: {  	[spmem:s1] =	stream.indirect.scatter.add.f32 [tilespmem:s11], [sflag:$0x5], $0x1, s23, s14, $0xb8;
	[tilespmem:$0x15268] =	vst v63  }
0x81: {  	_ =	swait.ge [sflag:s9], $0x7D0  }
0x82: {  	[sflag:s9] =	ssyncset.done $0x0  }
0x83: {  	[sflag:s9] =	ssyncadd.s32 $0xFFFFF830  }
0x84: {  	_ =	swait.ge [sflag:s12], $0x7D00  }
0x85: {  	[sflag:s12] =	ssyncset.done $0x0  }
0x86: {  	[sflag:s12] =	ssyncadd.s32 $0xFFFF8300  }
0x87: {  	[tilespmem:s15], [sflag:$0x2] =	stream.indirect.gather [hbm4b:s5+s14], $0x10, s22, s14, $0xb8;
	[tilespmem:$0x15268] =	vst v63  }
0x88: {  	_ =	swait.ge [sflag:s16], $0x7D00  }
0x89: {  	[sflag:s16] =	ssyncset.done $0x0  }
0x8a: {  	s0 =	rddreg [dreg:$0xe];
	[sflag:s16] =	ssyncadd.s32 $0xFFFF8300  }
0x8b: {  	[hbm4b:s0+s2] =	stream.linear.scatter [tilespmem:s15], [sflag:$0x4], $0x7D00, $0x38;
	[tilespmem:$0x15268] =	vst v63  }
0x8c: {  	_ = 	snop  }
0x8d: {  	[spmem:s1] =	stream.indirect.scatter.add.f32 [tilespmem:s11], [sflag:$0x5], $0x1, s22, s14, $0xb8;
	[tilespmem:$0x15268] =	vst v63  }
0x8e: {  	_ =	swait.ge [sflag:s9], $0x7D0  }
0x8f: {  	[sflag:s9] =	ssyncset.done $0x0  }
0x90: {  	[sflag:s9] =	ssyncadd.s32 $0xFFFFF830  }
0x91: {  	_ =	swait.ge [sflag:s13], $0x7D00  }
0x92: {  	[sflag:s13] =	ssyncset.done $0x0  }
0x93: {  	[sflag:s13] =	ssyncadd.s32 $0xFFFF8300  }
0x94: {  	[tilespmem:s18], [sflag:$0x1] =	stream.indirect.gather [hbm4b:s5+s14], $0x10, s21, s14, $0xb8;
	[tilespmem:$0x15268] =	vst v63  }
0x95: {  	_ =	swait.ge [sflag:s19], $0x7D00  }
0x96: {  	[sflag:s19] =	ssyncset.done $0x0  }
0x97: {  	s0 =	rddreg [dreg:$0xf];
	[sflag:s19] =	ssyncadd.s32 $0xFFFF8300  }
0x98: {  	[hbm4b:s0+s2] =	stream.linear.scatter [tilespmem:s18], [sflag:$0x3], $0x7D00, $0x38;
	[tilespmem:$0x15268] =	vst v63  }
0x99: {  	_ = 	snop  }
0x9a: {  	[spmem:s1] =	stream.indirect.scatter.add.f32 [tilespmem:s11], [sflag:$0x5], $0x1, s21, s14, $0xb8;
	[tilespmem:$0x15268] =	vst v63  }
0x9b: {  	_ =	swait.ge [sflag:s9], $0x7D0  }
0x9c: {  	[sflag:s9] =	ssyncset.done $0x0  }
0x9d: {  	[sflag:s9] =	ssyncadd.s32 $0xFFFFF830  }
0x9e: {  	_ =	swait.ge [sflag:s12], $0x7D00  }
0x9f: {  	[sflag:s12] =	ssyncset.done $0x0  }
0xa0: {  	[sflag:s12] =	ssyncadd.s32 $0xFFFF8300  }
0xa1: {  	[tilespmem:s15], [sflag:$0x2] =	stream.indirect.gather [hbm4b:s5+s14], $0x10, s20, s14, $0xb8;
	[tilespmem:$0x15268] =	vst v63  }
0xa2: {  	_ =	swait.ge [sflag:s16], $0x7D00  }
0xa3: {  	[sflag:s16] =	ssyncset.done $0x0  }
0xa4: {  	s0 =	rddreg [dreg:$0x10];
	[sflag:s16] =	ssyncadd.s32 $0xFFFF8300  }
0xa5: {  	[hbm4b:s0+s2] =	stream.linear.scatter [tilespmem:s15], [sflag:$0x4], $0x7D00, $0x38;
	[tilespmem:$0x15268] =	vst v63  }
0xa6: {  	_ = 	snop  }
0xa7: {  	[spmem:s1] =	stream.indirect.scatter.add.f32 [tilespmem:s11], [sflag:$0x5], $0x1, s20, s14, $0xb8;
	[tilespmem:$0x15268] =	vst v63  }
0xa8: {  	_ =	swait.ge [sflag:s9], $0x7D0  }
0xa9: {  	[sflag:s9] =	ssyncset.done $0x0  }
0xaa: {  	[sflag:s9] =	ssyncadd.s32 $0xFFFFF830  }
0xab: {  	_ =	swait.ge [sflag:s13], $0x7D00  }
0xac: {  	[sflag:s13] =	ssyncset.done $0x0  }
0xad: {  	[sflag:s13] =	ssyncadd.s32 $0xFFFF8300  }
0xae: {  	_ =	swait.ge [sflag:s12], $0x7D00  }
0xaf: {  	[sflag:s12] =	ssyncset.done $0x0  }
0xb0: {  	[sflag:s12] =	ssyncadd.s32 $0xFFFF8300  }
0xb1: {  	[bflag:$0x0] =	sbarrier.arrive $0xFFFF  }
0xb2: {  	s0 =	rddreg [dreg:$0x11]  }
0xb3: {  	[hbm:s0], [sflag:s30] =	dma.local @!p0 [spmem:s17], $0xFA  }
0xb4: {  	_ =	swait.ge @!p0 [sflag:s29], $0xFA  }
0xb5: {  	[sflag:s29] =	ssyncset.done @!p0 $0x0  }
0xb6: {  	s0 =	rddreg [dreg:$0x12];
	[sflag:s29] =	ssyncadd.s32 @!p0 $0xFFFFFF06  }
0xb7: {  	[hbm:s0], [sflag:s30] =	dma.local @!p0 [spmem:s10], $0xFA  }
0xb8: {  	_ =	swait.ge @!p0 [sflag:s29], $0xFA  }
0xb9: {  	[sflag:s29] =	ssyncset.done @!p0 $0x0  }
0xba: {  	s0 =	rddreg [dreg:$0x13];
	[sflag:s29] =	ssyncadd.s32 @!p0 $0xFFFFFF06  }
0xbb: {  	[hbm:s0], [sflag:s30] =	dma.local @!p0 [spmem:s8], $0xFA  }
0xbc: {  	_ =	swait.ge @!p0 [sflag:s29], $0xFA  }
0xbd: {  	[sflag:s29] =	ssyncset.done @!p0 $0x0  }
0xbe: {  	s31 =	sadd.s32 $0xFFFFFFFF, s31;
	[sflag:s29] =	ssyncadd.s32 @!p0 $0xFFFFFF06  }
0xbf: {  	[hbm:s4], [sflag:s30] =	dma.local @!p0 [spmem:s7], $0xFA  }
0xc0: {  	p2 =	sne.s32 s31, $0x0;
	_ =	swait.ge @!p0 [sflag:s29], $0xFA  }
.Ltmp1:
0xc1: {  	[sflag:s29] =	ssyncset.done @!p0 $0x0;
	(pc) =	sbr.rel @!p2 .LBB2_4-.Ltmp1, $4  }
0xc2: {  	[sflag:s29] =	ssyncadd.s32 @!p0 $0xFFFFFF06  }
0xc3: {  	[hbm:s3], [sflag:s30] =	dma.local @!p0 [spmem:s6], $0xFA  }
0xc4: {  	_ =	swait.ge @!p0 [sflag:s29], $0xFA  }
0xc5: {  	p1 =	por $0x1, $0x1;
	s0 =	rddreg [dreg:$0x4];
	[sflag:s29] =	ssyncset.done @!p0 $0x0  }
.LBB2_3:
0xc6: {  	[sflag:s29] =	ssyncadd.s32 @!p0 $0xFFFFFF06  }
0xc7: {  	[spmem:s17], [sflag:s30] =	dma.local @!p0 [hbm:s0], $0x4E2  }
0xc8: {  	_ =	swait.ge @!p0 [sflag:s29], $0x4E2  }
0xc9: {  	[sflag:s29] =	ssyncset.done @!p0 $0x0  }
0xca: {  	s0 =	rddreg [dreg:$0x5];
	[sflag:s29] =	ssyncadd.s32 @!p0 $0xFFFFFB1E  }
0xcb: {  	[tilespmem:s11], [sflag:$0x5] =	stream.linear.gather [hbm4b:s0+s2], $0x7D0, $0x38;
	[tilespmem:$0x15268] =	vst v63  }
0xcc: {  	_ =	swait.ge [sflag:s9], $0x7D0  }
0xcd: {  	[sflag:s9] =	ssyncset.done $0x0  }
0xce: {  	s0 =	rddreg [dreg:$0x6];
	[sflag:s9] =	ssyncadd.s32 $0xFFFFF830  }
0xcf: {  	[tilespmem:s2], [sflag:$0x5] =	stream.linear.gather [hbm4b:s0+s2], $0x4E20, $0x38;
	[tilespmem:$0x15268] =	vst v63  }
0xd0: {  	_ =	swait.ge [sflag:s9], $0x4E20  }
0xd1: {  	[sflag:s9] =	ssyncset.done $0x0  }
0xd2: {  	[sflag:s9] =	ssyncadd.s32 $0xFFFFB1E0  }
0xd3: {  	[bflag:$0x0] =	sbarrier.arrive $0xFFFF  }
0xd4: {  	[tilespmem:s18], [sflag:$0x1] =	stream.indirect.gather [hbm4b:s5+s14], $0x10, s2, s14, $0xb8;
	[tilespmem:$0x15268] =	vst v63  }
0xd5: {  	_ =	swait.ge [sflag:s19], $0x7D00  }
0xd6: {  	[sflag:s19] =	ssyncset.done $0x0  }
0xd7: {  	s0 =	rddreg [dreg:$0x7];
	[sflag:s19] =	ssyncadd.s32 $0xFFFF8300  }
0xd8: {  	[hbm4b:s0+s2] =	stream.linear.scatter [tilespmem:s18], [sflag:$0x3], $0x7D00, $0x38;
	[tilespmem:$0x15268] =	vst v63  }
0xd9: {  	_ = 	snop  }
0xda: {  	[spmem:s1] =	stream.indirect.scatter.add.f32 [tilespmem:s11], [sflag:$0x5], $0x1, s2, s14, $0xb8;
	[tilespmem:$0x15268] =	vst v63  }
0xdb: {  	_ =	swait.ge [sflag:s9], $0x7D0  }
0xdc: {  	[sflag:s9] =	ssyncset.done $0x0  }
0xdd: {  	[sflag:s9] =	ssyncadd.s32 $0xFFFFF830  }
0xde: {  	[tilespmem:s15], [sflag:$0x2] =	stream.indirect.gather [hbm4b:s5+s14], $0x10, s14, s14, $0xb8;
	[tilespmem:$0x15268] =	vst v63  }
0xdf: {  	_ =	swait.ge [sflag:s16], $0x7D00  }
0xe0: {  	[sflag:s16] =	ssyncset.done $0x0  }
0xe1: {  	s0 =	rddreg [dreg:$0x8];
	[sflag:s16] =	ssyncadd.s32 $0xFFFF8300  }
0xe2: {  	[hbm4b:s0+s2] =	stream.linear.scatter [tilespmem:s15], [sflag:$0x4], $0x7D00, $0x38;
	[tilespmem:$0x15268] =	vst v63  }
0xe3: {  	_ = 	snop  }
0xe4: {  	[spmem:s1] =	stream.indirect.scatter.add.f32 [tilespmem:s11], [sflag:$0x5], $0x1, s14, s14, $0xb8;
	[tilespmem:$0x15268] =	vst v63  }
0xe5: {  	_ =	swait.ge [sflag:s9], $0x7D0  }
0xe6: {  	[sflag:s9] =	ssyncset.done $0x0  }
0xe7: {  	[sflag:s9] =	ssyncadd.s32 $0xFFFFF830  }
0xe8: {  	_ =	swait.ge [sflag:s13], $0x7D00  }
0xe9: {  	[sflag:s13] =	ssyncset.done $0x0  }
0xea: {  	[sflag:s13] =	ssyncadd.s32 $0xFFFF8300  }
0xeb: {  	[tilespmem:s18], [sflag:$0x1] =	stream.indirect.gather [hbm4b:s5+s14], $0x10, s28, s14, $0xb8;
	[tilespmem:$0x15268] =	vst v63  }
0xec: {  	_ =	swait.ge [sflag:s19], $0x7D00  }
0xed: {  	[sflag:s19] =	ssyncset.done $0x0  }
0xee: {  	s0 =	rddreg [dreg:$0x9];
	[sflag:s19] =	ssyncadd.s32 $0xFFFF8300  }
0xef: {  	[hbm4b:s0+s2] =	stream.linear.scatter [tilespmem:s18], [sflag:$0x3], $0x7D00, $0x38;
	[tilespmem:$0x15268] =	vst v63  }
0xf0: {  	_ = 	snop  }
0xf1: {  	[spmem:s1] =	stream.indirect.scatter.add.f32 [tilespmem:s11], [sflag:$0x5], $0x1, s28, s14, $0xb8;
	[tilespmem:$0x15268] =	vst v63  }
0xf2: {  	_ =	swait.ge [sflag:s9], $0x7D0  }
0xf3: {  	[sflag:s9] =	ssyncset.done $0x0  }
0xf4: {  	[sflag:s9] =	ssyncadd.s32 $0xFFFFF830  }
0xf5: {  	_ =	swait.ge [sflag:s12], $0x7D00  }
0xf6: {  	[sflag:s12] =	ssyncset.done $0x0  }
0xf7: {  	[sflag:s12] =	ssyncadd.s32 $0xFFFF8300  }
0xf8: {  	[tilespmem:s15], [sflag:$0x2] =	stream.indirect.gather [hbm4b:s5+s14], $0x10, s26, s14, $0xb8;
	[tilespmem:$0x15268] =	vst v63  }
0xf9: {  	_ =	swait.ge [sflag:s16], $0x7D00  }
0xfa: {  	[sflag:s16] =	ssyncset.done $0x0  }
0xfb: {  	s0 =	rddreg [dreg:$0xa];
	[sflag:s16] =	ssyncadd.s32 $0xFFFF8300  }
0xfc: {  	[hbm4b:s0+s2] =	stream.linear.scatter [tilespmem:s15], [sflag:$0x4], $0x7D00, $0x38;
	[tilespmem:$0x15268] =	vst v63  }
0xfd: {  	_ = 	snop  }
0xfe: {  	[spmem:s1] =	stream.indirect.scatter.add.f32 [tilespmem:s11], [sflag:$0x5], $0x1, s26, s14, $0xb8;
	[tilespmem:$0x15268] =	vst v63  }
0xff: {  	_ =	swait.ge [sflag:s9], $0x7D0  }
0x100: {  	[sflag:s9] =	ssyncset.done $0x0  }
0x101: {  	[sflag:s9] =	ssyncadd.s32 $0xFFFFF830  }
0x102: {  	_ =	swait.ge [sflag:s13], $0x7D00  }
0x103: {  	[sflag:s13] =	ssyncset.done $0x0  }
0x104: {  	[sflag:s13] =	ssyncadd.s32 $0xFFFF8300  }
0x105: {  	[tilespmem:s18], [sflag:$0x1] =	stream.indirect.gather [hbm4b:s5+s14], $0x10, s25, s14, $0xb8;
	[tilespmem:$0x15268] =	vst v63  }
0x106: {  	_ =	swait.ge [sflag:s19], $0x7D00  }
0x107: {  	[sflag:s19] =	ssyncset.done $0x0  }
0x108: {  	s0 =	rddreg [dreg:$0xb];
	[sflag:s19] =	ssyncadd.s32 $0xFFFF8300  }
0x109: {  	[hbm4b:s0+s2] =	stream.linear.scatter [tilespmem:s18], [sflag:$0x3], $0x7D00, $0x38;
	[tilespmem:$0x15268] =	vst v63  }
0x10a: {  	_ = 	snop  }
0x10b: {  	[spmem:s1] =	stream.indirect.scatter.add.f32 [tilespmem:s11], [sflag:$0x5], $0x1, s25, s14, $0xb8;
	[tilespmem:$0x15268] =	vst v63  }
0x10c: {  	_ =	swait.ge [sflag:s9], $0x7D0  }
0x10d: {  	[sflag:s9] =	ssyncset.done $0x0  }
0x10e: {  	[sflag:s9] =	ssyncadd.s32 $0xFFFFF830  }
0x10f: {  	_ =	swait.ge [sflag:s12], $0x7D00  }
0x110: {  	[sflag:s12] =	ssyncset.done $0x0  }
0x111: {  	[sflag:s12] =	ssyncadd.s32 $0xFFFF8300  }
0x112: {  	[tilespmem:s15], [sflag:$0x2] =	stream.indirect.gather [hbm4b:s5+s14], $0x10, s24, s14, $0xb8;
	[tilespmem:$0x15268] =	vst v63  }
0x113: {  	_ =	swait.ge [sflag:s16], $0x7D00  }
0x114: {  	[sflag:s16] =	ssyncset.done $0x0  }
0x115: {  	s0 =	rddreg [dreg:$0xc];
	[sflag:s16] =	ssyncadd.s32 $0xFFFF8300  }
0x116: {  	[hbm4b:s0+s2] =	stream.linear.scatter [tilespmem:s15], [sflag:$0x4], $0x7D00, $0x38;
	[tilespmem:$0x15268] =	vst v63  }
0x117: {  	_ = 	snop  }
0x118: {  	[spmem:s1] =	stream.indirect.scatter.add.f32 [tilespmem:s11], [sflag:$0x5], $0x1, s24, s14, $0xb8;
	[tilespmem:$0x15268] =	vst v63  }
0x119: {  	_ =	swait.ge [sflag:s9], $0x7D0  }
0x11a: {  	[sflag:s9] =	ssyncset.done $0x0  }
0x11b: {  	[sflag:s9] =	ssyncadd.s32 $0xFFFFF830  }
0x11c: {  	_ =	swait.ge [sflag:s13], $0x7D00  }
0x11d: {  	[sflag:s13] =	ssyncset.done $0x0  }
0x11e: {  	[sflag:s13] =	ssyncadd.s32 $0xFFFF8300  }
0x11f: {  	[tilespmem:s18], [sflag:$0x1] =	stream.indirect.gather [hbm4b:s5+s14], $0x10, s23, s14, $0xb8;
	[tilespmem:$0x15268] =	vst v63  }
0x120: {  	_ =	swait.ge [sflag:s19], $0x7D00  }
0x121: {  	[sflag:s19] =	ssyncset.done $0x0  }
0x122: {  	s0 =	rddreg [dreg:$0xd];
	[sflag:s19] =	ssyncadd.s32 $0xFFFF8300  }
0x123: {  	[hbm4b:s0+s2] =	stream.linear.scatter [tilespmem:s18], [sflag:$0x3], $0x7D00, $0x38;
	[tilespmem:$0x15268] =	vst v63  }
0x124: {  	_ = 	snop  }
0x125: {  	[spmem:s1] =	stream.indirect.scatter.add.f32 [tilespmem:s11], [sflag:$0x5], $0x1, s23, s14, $0xb8;
	[tilespmem:$0x15268] =	vst v63  }
0x126: {  	_ =	swait.ge [sflag:s9], $0x7D0  }
0x127: {  	[sflag:s9] =	ssyncset.done $0x0  }
0x128: {  	[sflag:s9] =	ssyncadd.s32 $0xFFFFF830  }
0x129: {  	_ =	swait.ge [sflag:s12], $0x7D00  }
0x12a: {  	[sflag:s12] =	ssyncset.done $0x0  }
0x12b: {  	[sflag:s12] =	ssyncadd.s32 $0xFFFF8300  }
0x12c: {  	[tilespmem:s15], [sflag:$0x2] =	stream.indirect.gather [hbm4b:s5+s14], $0x10, s22, s14, $0xb8;
	[tilespmem:$0x15268] =	vst v63  }
0x12d: {  	_ =	swait.ge [sflag:s16], $0x7D00  }
0x12e: {  	[sflag:s16] =	ssyncset.done $0x0  }
0x12f: {  	s0 =	rddreg [dreg:$0xe];
	[sflag:s16] =	ssyncadd.s32 $0xFFFF8300  }
0x130: {  	[hbm4b:s0+s2] =	stream.linear.scatter [tilespmem:s15], [sflag:$0x4], $0x7D00, $0x38;
	[tilespmem:$0x15268] =	vst v63  }
0x131: {  	_ = 	snop  }
0x132: {  	[spmem:s1] =	stream.indirect.scatter.add.f32 [tilespmem:s11], [sflag:$0x5], $0x1, s22, s14, $0xb8;
	[tilespmem:$0x15268] =	vst v63  }
0x133: {  	_ =	swait.ge [sflag:s9], $0x7D0  }
0x134: {  	[sflag:s9] =	ssyncset.done $0x0  }
0x135: {  	[sflag:s9] =	ssyncadd.s32 $0xFFFFF830  }
0x136: {  	_ =	swait.ge [sflag:s13], $0x7D00  }
0x137: {  	[sflag:s13] =	ssyncset.done $0x0  }
0x138: {  	[sflag:s13] =	ssyncadd.s32 $0xFFFF8300  }
0x139: {  	[tilespmem:s18], [sflag:$0x1] =	stream.indirect.gather [hbm4b:s5+s14], $0x10, s21, s14, $0xb8;
	[tilespmem:$0x15268] =	vst v63  }
0x13a: {  	_ =	swait.ge [sflag:s19], $0x7D00  }
0x13b: {  	[sflag:s19] =	ssyncset.done $0x0  }
0x13c: {  	s0 =	rddreg [dreg:$0xf];
	[sflag:s19] =	ssyncadd.s32 $0xFFFF8300  }
0x13d: {  	[hbm4b:s0+s2] =	stream.linear.scatter [tilespmem:s18], [sflag:$0x3], $0x7D00, $0x38;
	[tilespmem:$0x15268] =	vst v63  }
0x13e: {  	_ = 	snop  }
0x13f: {  	[spmem:s1] =	stream.indirect.scatter.add.f32 [tilespmem:s11], [sflag:$0x5], $0x1, s21, s14, $0xb8;
	[tilespmem:$0x15268] =	vst v63  }
0x140: {  	_ =	swait.ge [sflag:s9], $0x7D0  }
0x141: {  	[sflag:s9] =	ssyncset.done $0x0  }
0x142: {  	[sflag:s9] =	ssyncadd.s32 $0xFFFFF830  }
0x143: {  	_ =	swait.ge [sflag:s12], $0x7D00  }
0x144: {  	[sflag:s12] =	ssyncset.done $0x0  }
0x145: {  	[sflag:s12] =	ssyncadd.s32 $0xFFFF8300  }
0x146: {  	[tilespmem:s15], [sflag:$0x2] =	stream.indirect.gather [hbm4b:s5+s14], $0x10, s20, s14, $0xb8;
	[tilespmem:$0x15268] =	vst v63  }
0x147: {  	_ =	swait.ge [sflag:s16], $0x7D00  }
0x148: {  	[sflag:s16] =	ssyncset.done $0x0  }
0x149: {  	s0 =	rddreg [dreg:$0x10];
	[sflag:s16] =	ssyncadd.s32 $0xFFFF8300  }
0x14a: {  	[hbm4b:s0+s2] =	stream.linear.scatter [tilespmem:s15], [sflag:$0x4], $0x7D00, $0x38;
	[tilespmem:$0x15268] =	vst v63  }
0x14b: {  	_ = 	snop  }
0x14c: {  	[spmem:s1] =	stream.indirect.scatter.add.f32 [tilespmem:s11], [sflag:$0x5], $0x1, s20, s14, $0xb8;
	[tilespmem:$0x15268] =	vst v63  }
0x14d: {  	_ =	swait.ge [sflag:s9], $0x7D0  }
0x14e: {  	[sflag:s9] =	ssyncset.done $0x0  }
0x14f: {  	[sflag:s9] =	ssyncadd.s32 $0xFFFFF830  }
0x150: {  	_ =	swait.ge [sflag:s13], $0x7D00  }
0x151: {  	[sflag:s13] =	ssyncset.done $0x0  }
0x152: {  	[sflag:s13] =	ssyncadd.s32 $0xFFFF8300  }
0x153: {  	_ =	swait.ge [sflag:s12], $0x7D00  }
0x154: {  	[sflag:s12] =	ssyncset.done $0x0  }
0x155: {  	[sflag:s12] =	ssyncadd.s32 $0xFFFF8300  }
0x156: {  	[bflag:$0x0] =	sbarrier.arrive $0xFFFF  }
0x157: {  	s0 =	rddreg [dreg:$0x11]  }
0x158: {  	[hbm:s0], [sflag:s30] =	dma.local @!p0 [spmem:s17], $0xFA  }
0x159: {  	_ =	swait.ge @!p0 [sflag:s29], $0xFA  }
0x15a: {  	[sflag:s29] =	ssyncset.done @!p0 $0x0  }
0x15b: {  	s0 =	rddreg [dreg:$0x12];
	[sflag:s29] =	ssyncadd.s32 @!p0 $0xFFFFFF06  }
0x15c: {  	[hbm:s0], [sflag:s30] =	dma.local @!p0 [spmem:s10], $0xFA  }
0x15d: {  	_ =	swait.ge @!p0 [sflag:s29], $0xFA  }
0x15e: {  	[sflag:s29] =	ssyncset.done @!p0 $0x0  }
0x15f: {  	s0 =	rddreg [dreg:$0x13];
	[sflag:s29] =	ssyncadd.s32 @!p0 $0xFFFFFF06  }
0x160: {  	[hbm:s0], [sflag:s30] =	dma.local @!p0 [spmem:s8], $0xFA  }
0x161: {  	_ =	swait.ge @!p0 [sflag:s29], $0xFA  }
0x162: {  	[sflag:s29] =	ssyncset.done @!p0 $0x0  }
0x163: {  	s31 =	sadd.s32 $0xFFFFFFFF, s31;
	[sflag:s29] =	ssyncadd.s32 @!p0 $0xFFFFFF06  }
0x164: {  	[hbm:s4], [sflag:s30] =	dma.local @!p0 [spmem:s7], $0xFA  }
0x165: {  	p2 =	sne.s32 s31, $0x0;
	_ =	swait.ge @!p0 [sflag:s29], $0xFA  }
.Ltmp2:
0x166: {  	[sflag:s29] =	ssyncset.done @!p0 $0x0;
	(pc) =	sbr.rel @p2 .LBB2_3-.Ltmp2, $4  }
0x167: {  	[sflag:s29] =	ssyncadd.s32 @!p0 $0xFFFFFF06  }
0x168: {  	[hbm:s3], [sflag:s30] =	dma.local @!p0 [spmem:s6], $0xFA  }
0x169: {  	_ =	swait.ge @!p0 [sflag:s29], $0xFA  }
0x16a: {  	s0 =	rddreg [dreg:$0x4];
	[sflag:s29] =	ssyncset.done @!p0 $0x0  }
.LBB2_4:
0x16b: {  	p1 =	por p0, !p1  }
0x16c: {  	s30 =	simm.s32 @!p0 $0x1C05;
	[sflag:s29] =	ssyncadd.s32 @!p1 $0xFFFFFF06;
	s29 =	simm.s32 @!p0 $0x5  }
0x16d: {  	[spmem:s17], [sflag:s30] =	dma.local @!p0 [hbm:s0], $0x4E2  }
0x16e: {  	_ =	swait.ge @!p0 [sflag:s29], $0x4E2  }
0x16f: {  	[sflag:s29] =	ssyncset.done @!p0 $0x0  }
0x170: {  	s31 =	rddreg [dreg:$0x5];
	[sflag:s29] =	ssyncadd.s32 @!p0 $0xFFFFFB1E  }
0x171: {  	[tilespmem:s11], [sflag:$0x5] =	stream.linear.gather [hbm4b:s31+s2], $0x7D0, $0x38;
	[tilespmem:$0x15268] =	vst v63  }
0x172: {  	_ =	swait.ge [sflag:s9], $0x7D0  }
0x173: {  	[sflag:s9] =	ssyncset.done $0x0  }
0x174: {  	s31 =	rddreg [dreg:$0x6];
	[sflag:s9] =	ssyncadd.s32 $0xFFFFF830  }
0x175: {  	[tilespmem:s2], [sflag:$0x5] =	stream.linear.gather [hbm4b:s31+s2], $0x4E20, $0x38;
	[tilespmem:$0x15268] =	vst v63  }
0x176: {  	_ =	swait.ge [sflag:s9], $0x4E20  }
0x177: {  	[sflag:s9] =	ssyncset.done $0x0  }
0x178: {  	[sflag:s9] =	ssyncadd.s32 $0xFFFFB1E0  }
0x179: {  	[bflag:$0x0] =	sbarrier.arrive $0xFFFF  }
0x17a: {  	[tilespmem:s18], [sflag:$0x1] =	stream.indirect.gather [hbm4b:s5+s14], $0x10, s2, s14, $0xb8;
	[tilespmem:$0x15268] =	vst v63  }
0x17b: {  	_ =	swait.ge [sflag:s19], $0x7D00  }
0x17c: {  	[sflag:s19] =	ssyncset.done $0x0  }
0x17d: {  	s31 =	rddreg [dreg:$0x7];
	[sflag:s19] =	ssyncadd.s32 $0xFFFF8300  }
0x17e: {  	[hbm4b:s31+s2] =	stream.linear.scatter [tilespmem:s18], [sflag:$0x3], $0x7D00, $0x38;
	[tilespmem:$0x15268] =	vst v63  }
0x17f: {  	_ = 	snop  }
0x180: {  	[spmem:s1] =	stream.indirect.scatter.add.f32 [tilespmem:s11], [sflag:$0x5], $0x1, s2, s14, $0xb8;
	[tilespmem:$0x15268] =	vst v63  }
0x181: {  	_ =	swait.ge [sflag:s9], $0x7D0  }
0x182: {  	[sflag:s9] =	ssyncset.done $0x0  }
0x183: {  	[sflag:s9] =	ssyncadd.s32 $0xFFFFF830  }
0x184: {  	[tilespmem:s15], [sflag:$0x2] =	stream.indirect.gather [hbm4b:s5+s14], $0x10, s14, s14, $0xb8;
	[tilespmem:$0x15268] =	vst v63  }
0x185: {  	_ =	swait.ge [sflag:s16], $0x7D00  }
0x186: {  	[sflag:s16] =	ssyncset.done $0x0  }
0x187: {  	s31 =	rddreg [dreg:$0x8];
	[sflag:s16] =	ssyncadd.s32 $0xFFFF8300  }
0x188: {  	[hbm4b:s31+s2] =	stream.linear.scatter [tilespmem:s15], [sflag:$0x4], $0x7D00, $0x38;
	[tilespmem:$0x15268] =	vst v63  }
0x189: {  	_ = 	snop  }
0x18a: {  	[spmem:s1] =	stream.indirect.scatter.add.f32 [tilespmem:s11], [sflag:$0x5], $0x1, s14, s14, $0xb8;
	[tilespmem:$0x15268] =	vst v63  }
0x18b: {  	_ =	swait.ge [sflag:s9], $0x7D0  }
0x18c: {  	[sflag:s9] =	ssyncset.done $0x0  }
0x18d: {  	[sflag:s9] =	ssyncadd.s32 $0xFFFFF830  }
0x18e: {  	_ =	swait.ge [sflag:s13], $0x7D00  }
0x18f: {  	[sflag:s13] =	ssyncset.done $0x0  }
0x190: {  	[sflag:s13] =	ssyncadd.s32 $0xFFFF8300  }
0x191: {  	[tilespmem:s18], [sflag:$0x1] =	stream.indirect.gather [hbm4b:s5+s14], $0x10, s28, s14, $0xb8;
	[tilespmem:$0x15268] =	vst v63  }
0x192: {  	_ =	swait.ge [sflag:s19], $0x7D00  }
0x193: {  	[sflag:s19] =	ssyncset.done $0x0  }
0x194: {  	s31 =	rddreg [dreg:$0x9];
	[sflag:s19] =	ssyncadd.s32 $0xFFFF8300  }
0x195: {  	[hbm4b:s31+s2] =	stream.linear.scatter [tilespmem:s18], [sflag:$0x3], $0x7D00, $0x38;
	[tilespmem:$0x15268] =	vst v63  }
0x196: {  	_ = 	snop  }
0x197: {  	[spmem:s1] =	stream.indirect.scatter.add.f32 [tilespmem:s11], [sflag:$0x5], $0x1, s28, s14, $0xb8;
	[tilespmem:$0x15268] =	vst v63  }
0x198: {  	_ =	swait.ge [sflag:s9], $0x7D0  }
0x199: {  	[sflag:s9] =	ssyncset.done $0x0  }
0x19a: {  	[sflag:s9] =	ssyncadd.s32 $0xFFFFF830  }
0x19b: {  	_ =	swait.ge [sflag:s12], $0x7D00  }
0x19c: {  	[sflag:s12] =	ssyncset.done $0x0  }
0x19d: {  	[sflag:s12] =	ssyncadd.s32 $0xFFFF8300  }
0x19e: {  	[tilespmem:s15], [sflag:$0x2] =	stream.indirect.gather [hbm4b:s5+s14], $0x10, s26, s14, $0xb8;
	[tilespmem:$0x15268] =	vst v63  }
0x19f: {  	_ =	swait.ge [sflag:s16], $0x7D00  }
0x1a0: {  	[sflag:s16] =	ssyncset.done $0x0  }
0x1a1: {  	s31 =	rddreg [dreg:$0xa];
	[sflag:s16] =	ssyncadd.s32 $0xFFFF8300  }
0x1a2: {  	[hbm4b:s31+s2] =	stream.linear.scatter [tilespmem:s15], [sflag:$0x4], $0x7D00, $0x38;
	[tilespmem:$0x15268] =	vst v63  }
0x1a3: {  	_ = 	snop  }
0x1a4: {  	[spmem:s1] =	stream.indirect.scatter.add.f32 [tilespmem:s11], [sflag:$0x5], $0x1, s26, s14, $0xb8;
	[tilespmem:$0x15268] =	vst v63  }
0x1a5: {  	_ =	swait.ge [sflag:s9], $0x7D0  }
0x1a6: {  	[sflag:s9] =	ssyncset.done $0x0  }
0x1a7: {  	[sflag:s9] =	ssyncadd.s32 $0xFFFFF830  }
0x1a8: {  	_ =	swait.ge [sflag:s13], $0x7D00  }
0x1a9: {  	[sflag:s13] =	ssyncset.done $0x0  }
0x1aa: {  	[sflag:s13] =	ssyncadd.s32 $0xFFFF8300  }
0x1ab: {  	[tilespmem:s18], [sflag:$0x1] =	stream.indirect.gather [hbm4b:s5+s14], $0x10, s25, s14, $0xb8;
	[tilespmem:$0x15268] =	vst v63  }
0x1ac: {  	_ =	swait.ge [sflag:s19], $0x7D00  }
0x1ad: {  	[sflag:s19] =	ssyncset.done $0x0  }
0x1ae: {  	s28 =	rddreg [dreg:$0xb];
	[sflag:s19] =	ssyncadd.s32 $0xFFFF8300  }
0x1af: {  	[hbm4b:s28+s2] =	stream.linear.scatter [tilespmem:s18], [sflag:$0x3], $0x7D00, $0x38;
	[tilespmem:$0x15268] =	vst v63  }
0x1b0: {  	_ = 	snop  }
0x1b1: {  	[spmem:s1] =	stream.indirect.scatter.add.f32 [tilespmem:s11], [sflag:$0x5], $0x1, s25, s14, $0xb8;
	[tilespmem:$0x15268] =	vst v63  }
0x1b2: {  	_ =	swait.ge [sflag:s9], $0x7D0  }
0x1b3: {  	[sflag:s9] =	ssyncset.done $0x0  }
0x1b4: {  	[sflag:s9] =	ssyncadd.s32 $0xFFFFF830  }
0x1b5: {  	_ =	swait.ge [sflag:s12], $0x7D00  }
0x1b6: {  	[sflag:s12] =	ssyncset.done $0x0  }
0x1b7: {  	[sflag:s12] =	ssyncadd.s32 $0xFFFF8300  }
0x1b8: {  	[tilespmem:s15], [sflag:$0x2] =	stream.indirect.gather [hbm4b:s5+s14], $0x10, s24, s14, $0xb8;
	[tilespmem:$0x15268] =	vst v63  }
0x1b9: {  	_ =	swait.ge [sflag:s16], $0x7D00  }
0x1ba: {  	[sflag:s16] =	ssyncset.done $0x0  }
0x1bb: {  	s31 =	rddreg [dreg:$0xc];
	[sflag:s16] =	ssyncadd.s32 $0xFFFF8300  }
0x1bc: {  	[hbm4b:s31+s2] =	stream.linear.scatter [tilespmem:s15], [sflag:$0x4], $0x7D00, $0x38;
	[tilespmem:$0x15268] =	vst v63  }
0x1bd: {  	_ = 	snop  }
0x1be: {  	[spmem:s1] =	stream.indirect.scatter.add.f32 [tilespmem:s11], [sflag:$0x5], $0x1, s24, s14, $0xb8;
	[tilespmem:$0x15268] =	vst v63  }
0x1bf: {  	_ =	swait.ge [sflag:s9], $0x7D0  }
0x1c0: {  	[sflag:s9] =	ssyncset.done $0x0  }
0x1c1: {  	[sflag:s9] =	ssyncadd.s32 $0xFFFFF830  }
0x1c2: {  	_ =	swait.ge [sflag:s13], $0x7D00  }
0x1c3: {  	[sflag:s13] =	ssyncset.done $0x0  }
0x1c4: {  	[sflag:s13] =	ssyncadd.s32 $0xFFFF8300  }
0x1c5: {  	[tilespmem:s18], [sflag:$0x1] =	stream.indirect.gather [hbm4b:s5+s14], $0x10, s23, s14, $0xb8;
	[tilespmem:$0x15268] =	vst v63  }
0x1c6: {  	_ =	swait.ge [sflag:s19], $0x7D00  }
0x1c7: {  	[sflag:s19] =	ssyncset.done $0x0  }
0x1c8: {  	s25 =	rddreg [dreg:$0xd];
	[sflag:s19] =	ssyncadd.s32 $0xFFFF8300  }
0x1c9: {  	[hbm4b:s25+s2] =	stream.linear.scatter [tilespmem:s18], [sflag:$0x3], $0x7D00, $0x38;
	[tilespmem:$0x15268] =	vst v63  }
0x1ca: {  	_ = 	snop  }
0x1cb: {  	[spmem:s1] =	stream.indirect.scatter.add.f32 [tilespmem:s11], [sflag:$0x5], $0x1, s23, s14, $0xb8;
	[tilespmem:$0x15268] =	vst v63  }
0x1cc: {  	_ =	swait.ge [sflag:s9], $0x7D0  }
0x1cd: {  	[sflag:s9] =	ssyncset.done $0x0  }
0x1ce: {  	[sflag:s9] =	ssyncadd.s32 $0xFFFFF830  }
0x1cf: {  	_ =	swait.ge [sflag:s12], $0x7D00  }
0x1d0: {  	[sflag:s12] =	ssyncset.done $0x0  }
0x1d1: {  	[sflag:s12] =	ssyncadd.s32 $0xFFFF8300  }
0x1d2: {  	[tilespmem:s15], [sflag:$0x2] =	stream.indirect.gather [hbm4b:s5+s14], $0x10, s22, s14, $0xb8;
	[tilespmem:$0x15268] =	vst v63  }
0x1d3: {  	_ =	swait.ge [sflag:s16], $0x7D00  }
0x1d4: {  	[sflag:s16] =	ssyncset.done $0x0  }
0x1d5: {  	s26 =	rddreg [dreg:$0xe];
	[sflag:s16] =	ssyncadd.s32 $0xFFFF8300  }
0x1d6: {  	[hbm4b:s26+s2] =	stream.linear.scatter [tilespmem:s15], [sflag:$0x4], $0x7D00, $0x38;
	[tilespmem:$0x15268] =	vst v63  }
0x1d7: {  	_ = 	snop  }
0x1d8: {  	[spmem:s1] =	stream.indirect.scatter.add.f32 [tilespmem:s11], [sflag:$0x5], $0x1, s22, s14, $0xb8;
	[tilespmem:$0x15268] =	vst v63  }
0x1d9: {  	_ =	swait.ge [sflag:s9], $0x7D0  }
0x1da: {  	[sflag:s9] =	ssyncset.done $0x0  }
0x1db: {  	[sflag:s9] =	ssyncadd.s32 $0xFFFFF830  }
0x1dc: {  	_ =	swait.ge [sflag:s13], $0x7D00  }
0x1dd: {  	[sflag:s13] =	ssyncset.done $0x0  }
0x1de: {  	[sflag:s13] =	ssyncadd.s32 $0xFFFF8300  }
0x1df: {  	[tilespmem:s18], [sflag:$0x1] =	stream.indirect.gather [hbm4b:s5+s14], $0x10, s21, s14, $0xb8;
	[tilespmem:$0x15268] =	vst v63  }
0x1e0: {  	_ =	swait.ge [sflag:s19], $0x7D00  }
0x1e1: {  	[sflag:s19] =	ssyncset.done $0x0  }
0x1e2: {  	s28 =	rddreg [dreg:$0xf];
	[sflag:s19] =	ssyncadd.s32 $0xFFFF8300  }
0x1e3: {  	[hbm4b:s28+s2] =	stream.linear.scatter [tilespmem:s18], [sflag:$0x3], $0x7D00, $0x38;
	[tilespmem:$0x15268] =	vst v63  }
0x1e4: {  	_ = 	snop  }
0x1e5: {  	[spmem:s1] =	stream.indirect.scatter.add.f32 [tilespmem:s11], [sflag:$0x5], $0x1, s21, s14, $0xb8;
	[tilespmem:$0x15268] =	vst v63  }
0x1e6: {  	_ =	swait.ge [sflag:s9], $0x7D0  }
0x1e7: {  	[sflag:s9] =	ssyncset.done $0x0  }
0x1e8: {  	[sflag:s9] =	ssyncadd.s32 $0xFFFFF830  }
0x1e9: {  	_ =	swait.ge [sflag:s12], $0x7D00  }
0x1ea: {  	[sflag:s12] =	ssyncset.done $0x0  }
0x1eb: {  	[sflag:s12] =	ssyncadd.s32 $0xFFFF8300  }
0x1ec: {  	[tilespmem:s15], [sflag:$0x2] =	stream.indirect.gather [hbm4b:s5+s14], $0x10, s20, s14, $0xb8;
	[tilespmem:$0x15268] =	vst v63  }
0x1ed: {  	_ =	swait.ge [sflag:s16], $0x7D00  }
0x1ee: {  	[sflag:s16] =	ssyncset.done $0x0  }
0x1ef: {  	s31 =	rddreg [dreg:$0x10];
	[sflag:s16] =	ssyncadd.s32 $0xFFFF8300  }
0x1f0: {  	[hbm4b:s31+s2] =	stream.linear.scatter [tilespmem:s15], [sflag:$0x4], $0x7D00, $0x38;
	[tilespmem:$0x15268] =	vst v63  }
0x1f1: {  	_ = 	snop  }
0x1f2: {  	[spmem:s1] =	stream.indirect.scatter.add.f32 [tilespmem:s11], [sflag:$0x5], $0x1, s20, s14, $0xb8;
	[tilespmem:$0x15268] =	vst v63  }
0x1f3: {  	_ =	swait.ge [sflag:s9], $0x7D0  }
0x1f4: {  	[sflag:s9] =	ssyncset.done $0x0  }
0x1f5: {  	[sflag:s9] =	ssyncadd.s32 $0xFFFFF830  }
0x1f6: {  	_ =	swait.ge [sflag:s13], $0x7D00  }
0x1f7: {  	[sflag:s13] =	ssyncset.done $0x0  }
0x1f8: {  	[sflag:s13] =	ssyncadd.s32 $0xFFFF8300  }
0x1f9: {  	_ =	swait.ge [sflag:s12], $0x7D00  }
0x1fa: {  	[sflag:s12] =	ssyncset.done $0x0  }
0x1fb: {  	[sflag:s12] =	ssyncadd.s32 $0xFFFF8300  }
0x1fc: {  	[bflag:$0x0] =	sbarrier.arrive $0xFFFF  }
0x1fd: {  	s0 =	rddreg [dreg:$0x11]  }
0x1fe: {  	[hbm:s0], [sflag:s30] =	dma.local @!p0 [spmem:s17], $0xFA  }
0x1ff: {  	_ =	swait.ge @!p0 [sflag:s29], $0xFA  }
0x200: {  	[sflag:s29] =	ssyncset.done @!p0 $0x0  }
0x201: {  	s0 =	rddreg [dreg:$0x12];
	[sflag:s29] =	ssyncadd.s32 @!p0 $0xFFFFFF06  }
0x202: {  	[hbm:s0], [sflag:s30] =	dma.local @!p0 [spmem:s10], $0xFA  }
0x203: {  	_ =	swait.ge @!p0 [sflag:s29], $0xFA  }
0x204: {  	[sflag:s29] =	ssyncset.done @!p0 $0x0  }
0x205: {  	s0 =	rddreg [dreg:$0x13];
	[sflag:s29] =	ssyncadd.s32 @!p0 $0xFFFFFF06  }
0x206: {  	[hbm:s0], [sflag:s30] =	dma.local @!p0 [spmem:s8], $0xFA  }
0x207: {  	_ =	swait.ge @!p0 [sflag:s29], $0xFA  }
0x208: {  	[sflag:s29] =	ssyncset.done @!p0 $0x0  }
0x209: {  	[sflag:s29] =	ssyncadd.s32 @!p0 $0xFFFFFF06  }
0x20a: {  	[hbm:s4], [sflag:s30] =	dma.local @!p0 [spmem:s7], $0xFA  }
0x20b: {  	_ =	swait.ge @!p0 [sflag:s29], $0xFA  }
0x20c: {  	[sflag:s29] =	ssyncset.done @!p0 $0x0  }
0x20d: {  	[sflag:s29] =	ssyncadd.s32 @!p0 $0xFFFFFF06  }
0x20e: {  	[hbm:s3], [sflag:s30] =	dma.local @!p0 [spmem:s6], $0xFA  }
0x20f: {  	_ =	swait.ge @!p0 [sflag:s29], $0xFA  }
0x210: {  	[sflag:s29] =	ssyncset.done @!p0 $0x0  }
0x211: {  	[sflag:s29] =	ssyncadd.s32 @!p0 $0xFFFFFF06  }
0x212: {  	_ =	sfence.sel $0x180000  }
0x213: {  	[bflag:$0x0] =	sbarrier.arrive $0xFFFF  }
0x214: {  	_ =	strace $0x90000047  }
0x215: {  	[bflag:$0x2] =	sbarrier.arrive $0xFFFF  }
0x216: {  	s0 =	rddreg [dreg:$0x3]  }
0x217: {  	s0 =	sadd.s32 @!p0 $0x100000, s0  }
0x218: {  	[sflag:s0] =	ssyncadd.tile.s32 @!p0 $0x1;
	_ =	shalt  }
.LBB2_1:
.Ltmp3:
0x219: {  	(pc) =	sbr.rel .LBB2_4-.Ltmp3, $2  }
0x21a: {  	_ =	sdelay $0x2  }
0x21b: {  	_ = 	snop  }
.Lfunc_end2:
_tile_overlayer_lowered:
.L_overlay_start_2:
0x21c: {  	(tag) =	ssettag $0x2  }
0x21d: {  	s0 =	rddreg [dreg:$0x0];
	s2 =	stileid.u32  }
0x21e: {  	s1 =	rddreg [dreg:$0x1];
	p0 =	sne.s32 s2, $0x0  }
0x21f: {  	s3 =	rddreg [dreg:$0x2];
	[bflag:$0x3] =	sbarrier.arrive $0xFFFF;
	s2 =	simm.s32 @!p0 $0x1C05  }
0x220: {  	[timem:s3], [sflag:s2] =	dma.local @!p0 [hbm:s0], s1  }
0x221: {  	s0 =	simm.s32 @!p0 $0x5  }
0x222: {  	_ =	swait.ge @!p0 [sflag:s0], s1  }
0x223: {  	s1 =	ssub.s32 @!p0 $0x0, s1;
	[sflag:s0] =	ssyncset.done @!p0 $0x0  }
0x224: {  	[sflag:s0] =	ssyncadd.s32 @!p0 s1  }
0x225: {  	[bflag:$0x3] =	sbarrier.arrive $0xFFFF  }
0x226: {  	_ =	shalt  }

</sc_bundles>
